<compile_context>
chip_gen: v7x
topology: tpu7x:2x2x1
jax: 0.10.2.dev20260603
libtpu: 0.0.44.dev20260713+nightly
codegen_flags: <defaults>
</compile_context>

<pallas_src>
import functools

import jax
import jax.numpy as jnp
from jax import lax
from jax.experimental import pallas as pl
from jax.experimental.pallas import tpu as pltpu
from jax.experimental.pallas import tpu_sc as plsc

N, C, D, H, W = 4, 96, 8, 28, 28
Do, Ho, Wo = 16, 56, 56
IN_ROW = D * H * W
OUT_ROW = Do * Ho * Wo
ROWS = N * C
L = 16

_info = plsc.get_sparse_core_info()
NUM_CORES = _info.num_cores
NUM_SUBCORES = _info.num_subcores
NW = NUM_CORES * NUM_SUBCORES
ROWS_PER_W = ROWS // NW

_mesh = plsc.VectorSubcoreMesh(core_axis_name="c", subcore_axis_name="s")


@functools.partial(
    pl.kernel,
    out_type=jax.ShapeDtypeStruct((ROWS, OUT_ROW), jnp.float32),
    mesh=_mesh,
    compiler_params=pltpu.CompilerParams(needs_layout_passes=False),
    scratch_types=[
        pltpu.VMEM((IN_ROW + L,), jnp.int32),
        pltpu.VMEM((IN_ROW + L,), jnp.int32),
        pltpu.VMEM((IN_ROW,), jnp.float32),
        pltpu.VMEM((OUT_ROW,), jnp.float32),
        pltpu.VMEM((OUT_ROW,), jnp.float32),
        pltpu.SemaphoreType.DMA,
        pltpu.SemaphoreType.DMA,
    ],
)
def _unpool_sc(key_hbm, val_hbm, out_hbm, key_v0, key_v1, val_v,
               row_v0, row_v1, sem0, sem1):
    cid = lax.axis_index("c")
    sid = lax.axis_index("s")
    wid = sid * NUM_CORES + cid

    zeros = jnp.zeros((L,), jnp.float32)
    sems = (sem0, sem1)
    keys = (key_v0, key_v1)
    rows = (row_v0, row_v1)

    key_v0[pl.ds(IN_ROW, L)] = jnp.full((L,), -1, jnp.int32)
    key_v1[pl.ds(IN_ROW, L)] = jnp.full((L,), -1, jnp.int32)

    def zero_body(i, c):
        base = i * (8 * L)
        for rv in rows:
            for u in range(8):
                rv[pl.ds(base + u * L, L)] = zeros
        return c

    lax.fori_loop(0, OUT_ROW // (8 * L), zero_body, 0, unroll=False)

    for r in range(ROWS_PER_W):
        b = r % 2
        row = wid * ROWS_PER_W + r
        row_base = row * OUT_ROW

        if r >= 2:
            old_base = (row - 2) * OUT_ROW
            pltpu.make_async_copy(
                rows[b], out_hbm.at[row - 2], sems[b]
            ).wait()

            def rezero_body(i, c, _kv=keys[b], _rv=rows[b], _ob=old_base):
                for u in range(4):
                    o = (i * 4 + u) * L
                    lk = _kv[pl.ds(o, L)] - _ob
                    plsc.store_scatter(_rv, [lk], zeros)
                return c

            lax.fori_loop(0, IN_ROW // (4 * L), rezero_body, 0, unroll=False)

        pltpu.sync_copy(key_hbm.at[pl.ds(row * IN_ROW, IN_ROW)],
                        keys[b].at[pl.ds(0, IN_ROW)])
        pltpu.sync_copy(val_hbm.at[pl.ds(row * IN_ROW, IN_ROW)], val_v)

        def scat_body(i, c, _kv=keys[b], _rv=rows[b], _rb=row_base):
            for u in range(4):
                o = (i * 4 + u) * L
                k = _kv[pl.ds(o, L)]
                kn = _kv[pl.ds(o + 1, L)]
                keep = k != kn
                lk = k - _rb
                vv = val_v[pl.ds(o, L)]
                plsc.store_scatter(_rv, [lk], vv, mask=keep)
            return c

        lax.fori_loop(0, IN_ROW // (4 * L), scat_body, 0, unroll=False)

        pltpu.async_copy(rows[b], out_hbm.at[row], sems[b])

    for r in (ROWS_PER_W - 2, ROWS_PER_W - 1):
        b = r % 2
        row = wid * ROWS_PER_W + r
        pltpu.make_async_copy(rows[b], out_hbm.at[row], sems[b]).wait()


def kernel(x, indices, output_size, stride, padding):
    xf = x.reshape(-1)
    rowid = jnp.arange(ROWS, dtype=jnp.int32) * OUT_ROW
    keys = (indices.reshape(ROWS, IN_ROW) + rowid[:, None]).reshape(-1)
    skeys, svals = lax.sort((keys, xf), num_keys=1, is_stable=False)
    out = _unpool_sc(skeys, svals)
    return out.reshape(N, C, Do, Ho, Wo)

# --- scband reference (transcript-rebuilt; emitter-appended) ---
"""Pipeline reference for scband-torch-ops-aten-max-unpool3-dmodule-66236985639620 (READ-ONLY COPY).

The authoritative reference and input builder live on the scoring server;
editing this copy changes nothing except your own understanding.
"""

import jax, jax.numpy as jnp
import numpy as np


def setup_inputs(seed: int = 0) -> dict:
    key = jax.random.key(seed)
    k1, k2 = jax.random.split(key)
    N, C, D, H, W = 4, 96, 8, 28, 28
    output_size = (16, 56, 56)
    stride = (2, 2, 2)
    padding = (0, 0, 0)
    Do, Ho, Wo = output_size
    x = jax.random.normal(k1, (N, C, D, H, W), dtype=jnp.float32)
    # indices are flattened positions into the per-(n,c) output volume of size Do*Ho*Wo,
    # exactly like the indices produced by max_pool3d(return_indices=True)
    indices = jax.random.randint(k2, (N, C, D, H, W), 0, Do * Ho * Wo, dtype=jnp.int32)
    return {"x": x, "indices": indices, "output_size": output_size, "stride": stride, "padding": padding}


def reference(x, indices, output_size, stride, padding):
    # Faithful translation of torch.ops.aten.max_unpool3d:
    # scatter each input value into a zero-initialized output volume at the
    # flattened spatial location given by `indices`, independently per (n, c).
    # stride/padding are only used by aten for shape validation; they do not
    # affect the scatter math.
    N, C = x.shape[0], x.shape[1]
    Do, Ho, Wo = 16, 56, 56
    out_numel = Do * Ho * Wo
    dep = (
        output_size[0] + output_size[1] + output_size[2]
        + stride[0] + stride[1] + stride[2]
        + padding[0] + padding[1] + padding[2]
    )
    dep_zero = (jnp.asarray(dep) * 0).astype(indices.dtype)
    xf = x.reshape(N, C, -1)
    idxf = indices.reshape(N, C, -1) + dep_zero

    def scat(idx_row, val_row):
        return jnp.zeros((out_numel,), dtype=val_row.dtype).at[idx_row].set(val_row)

    out = jax.vmap(jax.vmap(scat))(idxf, xf)
    return out.reshape(N, C, Do, Ho, Wo)

if __name__ == "__main__":
    import jax
    _d = setup_inputs()
    print(jax.jit(kernel)(*tuple(_d.values())))

</pallas_src>

<mosaic_0001>
#map = affine_map<(d0, d1) -> (0)>
#map1 = affine_map<(d0, d1) -> (0, 0)>
module attributes {stable_mosaic.version = 14 : i64} {
  func.func @_unpool_sc(%arg0: i32, %arg1: i32, %arg2: memref<2408448xi32, #tpu.memory_space<hbm>>, %arg3: memref<2408448xf32, #tpu.memory_space<hbm>>, %arg4: memref<384x50176xf32, #tpu.memory_space<hbm>>, %arg5: memref<6288xi32, #tpu.memory_space<vmem>>, %arg6: memref<6288xi32, #tpu.memory_space<vmem>>, %arg7: memref<6272xf32, #tpu.memory_space<vmem>>, %arg8: memref<50176xf32, #tpu.memory_space<vmem>>, %arg9: memref<50176xf32, #tpu.memory_space<vmem>>, %arg10: memref<!tpu.dma_semaphore, #tpu.memory_space<semaphore_mem>>, %arg11: memref<!tpu.dma_semaphore, #tpu.memory_space<semaphore_mem>>) attributes {dimension_semantics = [#tpu.dimension_semantics<core_parallel>, #tpu.dimension_semantics<subcore_parallel>], iteration_bounds = array<i64: 2, 16>, scalar_prefetch = 0 : i64, scratch_operands = 7 : i64, tpu.core_type = #tpu.core_type<sc_vector_subcore>, window_params = [{transform_indices = #map}, {transform_indices = #map}, {transform_indices = #map1}]} {
    %mul3A = arith.constant 2 : i32
    %mul3A_0 = arith.muli %arg1, %mul3A : i32
    %add3A = arith.addi %mul3A_0, %arg0 : i32
    %broadcast_in_dim3A = arith.constant 0.000000e+00 : f32
    %broadcast_in_dim3A_1 = vector.broadcast %broadcast_in_dim3A : f32 to vector<16xf32>
    %broadcast_in_dim3A_2 = arith.constant -1 : i32
    %broadcast_in_dim3A_3 = vector.broadcast %broadcast_in_dim3A_2 : i32 to vector<16xi32>
    %swap3A = arith.constant 6272 : index
    %swap3A_4 = tpu.vector_load %arg5[%swap3A] {strides = array<i32>} : memref<6288xi32, #tpu.memory_space<vmem>>, vector<16xi32>,
    tpu.vector_store %arg5[%swap3A], %broadcast_in_dim3A_3 {strides = array<i32>} : memref<6288xi32, #tpu.memory_space<vmem>>, vector<16xi32>,
    %broadcast_in_dim3A_5 = arith.constant -1 : i32
    %broadcast_in_dim3A_6 = vector.broadcast %broadcast_in_dim3A_5 : i32 to vector<16xi32>
    %swap3A_7 = arith.constant 6272 : index
    %swap3A_8 = tpu.vector_load %arg6[%swap3A_7] {strides = array<i32>} : memref<6288xi32, #tpu.memory_space<vmem>>, vector<16xi32>,
    tpu.vector_store %arg6[%swap3A_7], %broadcast_in_dim3A_6 {strides = array<i32>} : memref<6288xi32, #tpu.memory_space<vmem>>, vector<16xi32>,
    %scan3A = arith.constant 0 : i32
    %scan3A_9 = arith.constant 0 : i32
    %scan3A_10 = arith.constant 392 : i32
    %scan3A_11 = arith.addi %scan3A_9, %scan3A_10 : i32
    %scan3A_12 = arith.constant 1 : i32
    scf.for %scan3A_475 = %scan3A_9 to %scan3A_11 step %scan3A_12  : i32 {
      %mul3A_476 = arith.constant 128 : i32
      %mul3A_477 = arith.muli %scan3A_475, %mul3A_476 : i32
      %add3A_478 = arith.constant 0 : i32
      %add3A_479 = arith.addi %mul3A_477, %add3A_478 : i32
      %swap3A_480 = arith.index_cast %add3A_479 : i32 to index
      %swap3A_481 = tpu.vector_load %arg8[%swap3A_480] {strides = array<i32>} : memref<50176xf32, #tpu.memory_space<vmem>>, vector<16xf32>,
      tpu.vector_store %arg8[%swap3A_480], %broadcast_in_dim3A_1 {strides = array<i32>} : memref<50176xf32, #tpu.memory_space<vmem>>, vector<16xf32>,
      %add3A_482 = arith.constant 16 : i32
      %add3A_483 = arith.addi %mul3A_477, %add3A_482 : i32
      %swap3A_484 = arith.index_cast %add3A_483 : i32 to index
      %swap3A_485 = tpu.vector_load %arg8[%swap3A_484] {strides = array<i32>} : memref<50176xf32, #tpu.memory_space<vmem>>, vector<16xf32>,
      tpu.vector_store %arg8[%swap3A_484], %broadcast_in_dim3A_1 {strides = array<i32>} : memref<50176xf32, #tpu.memory_space<vmem>>, vector<16xf32>,
      %add3A_486 = arith.constant 32 : i32
      %add3A_487 = arith.addi %mul3A_477, %add3A_486 : i32
      %swap3A_488 = arith.index_cast %add3A_487 : i32 to index
      %swap3A_489 = tpu.vector_load %arg8[%swap3A_488] {strides = array<i32>} : memref<50176xf32, #tpu.memory_space<vmem>>, vector<16xf32>,
      tpu.vector_store %arg8[%swap3A_488], %broadcast_in_dim3A_1 {strides = array<i32>} : memref<50176xf32, #tpu.memory_space<vmem>>, vector<16xf32>,
      %add3A_490 = arith.constant 48 : i32
      %add3A_491 = arith.addi %mul3A_477, %add3A_490 : i32
      %swap3A_492 = arith.index_cast %add3A_491 : i32 to index
      %swap3A_493 = tpu.vector_load %arg8[%swap3A_492] {strides = array<i32>} : memref<50176xf32, #tpu.memory_space<vmem>>, vector<16xf32>,
      tpu.vector_store %arg8[%swap3A_492], %broadcast_in_dim3A_1 {strides = array<i32>} : memref<50176xf32, #tpu.memory_space<vmem>>, vector<16xf32>,
      %add3A_494 = arith.constant 64 : i32
      %add3A_495 = arith.addi %mul3A_477, %add3A_494 : i32
      %swap3A_496 = arith.index_cast %add3A_495 : i32 to index
      %swap3A_497 = tpu.vector_load %arg8[%swap3A_496] {strides = array<i32>} : memref<50176xf32, #tpu.memory_space<vmem>>, vector<16xf32>,
      tpu.vector_store %arg8[%swap3A_496], %broadcast_in_dim3A_1 {strides = array<i32>} : memref<50176xf32, #tpu.memory_space<vmem>>, vector<16xf32>,
      %add3A_498 = arith.constant 80 : i32
      %add3A_499 = arith.addi %mul3A_477, %add3A_498 : i32
      %swap3A_500 = arith.index_cast %add3A_499 : i32 to index
      %swap3A_501 = tpu.vector_load %arg8[%swap3A_500] {strides = array<i32>} : memref<50176xf32, #tpu.memory_space<vmem>>, vector<16xf32>,
      tpu.vector_store %arg8[%swap3A_500], %broadcast_in_dim3A_1 {strides = array<i32>} : memref<50176xf32, #tpu.memory_space<vmem>>, vector<16xf32>,
      %add3A_502 = arith.constant 96 : i32
      %add3A_503 = arith.addi %mul3A_477, %add3A_502 : i32
      %swap3A_504 = arith.index_cast %add3A_503 : i32 to index
      %swap3A_505 = tpu.vector_load %arg8[%swap3A_504] {strides = array<i32>} : memref<50176xf32, #tpu.memory_space<vmem>>, vector<16xf32>,
      tpu.vector_store %arg8[%swap3A_504], %broadcast_in_dim3A_1 {strides = array<i32>} : memref<50176xf32, #tpu.memory_space<vmem>>, vector<16xf32>,
      %add3A_506 = arith.constant 112 : i32
      %add3A_507 = arith.addi %mul3A_477, %add3A_506 : i32
      %swap3A_508 = arith.index_cast %add3A_507 : i32 to index
      %swap3A_509 = tpu.vector_load %arg8[%swap3A_508] {strides = array<i32>} : memref<50176xf32, #tpu.memory_space<vmem>>, vector<16xf32>,
      tpu.vector_store %arg8[%swap3A_508], %broadcast_in_dim3A_1 {strides = array<i32>} : memref<50176xf32, #tpu.memory_space<vmem>>, vector<16xf32>,
      %add3A_510 = arith.constant 0 : i32
      %add3A_511 = arith.addi %mul3A_477, %add3A_510 : i32
      %swap3A_512 = arith.index_cast %add3A_511 : i32 to index
      %swap3A_513 = tpu.vector_load %arg9[%swap3A_512] {strides = array<i32>} : memref<50176xf32, #tpu.memory_space<vmem>>, vector<16xf32>,
      tpu.vector_store %arg9[%swap3A_512], %broadcast_in_dim3A_1 {strides = array<i32>} : memref<50176xf32, #tpu.memory_space<vmem>>, vector<16xf32>,
      %add3A_514 = arith.constant 16 : i32
      %add3A_515 = arith.addi %mul3A_477, %add3A_514 : i32
      %swap3A_516 = arith.index_cast %add3A_515 : i32 to index
      %swap3A_517 = tpu.vector_load %arg9[%swap3A_516] {strides = array<i32>} : memref<50176xf32, #tpu.memory_space<vmem>>, vector<16xf32>,
      tpu.vector_store %arg9[%swap3A_516], %broadcast_in_dim3A_1 {strides = array<i32>} : memref<50176xf32, #tpu.memory_space<vmem>>, vector<16xf32>,
      %add3A_518 = arith.constant 32 : i32
      %add3A_519 = arith.addi %mul3A_477, %add3A_518 : i32
      %swap3A_520 = arith.index_cast %add3A_519 : i32 to index
      %swap3A_521 = tpu.vector_load %arg9[%swap3A_520] {strides = array<i32>} : memref<50176xf32, #tpu.memory_space<vmem>>, vector<16xf32>,
      tpu.vector_store %arg9[%swap3A_520], %broadcast_in_dim3A_1 {strides = array<i32>} : memref<50176xf32, #tpu.memory_space<vmem>>, vector<16xf32>,
      %add3A_522 = arith.constant 48 : i32
      %add3A_523 = arith.addi %mul3A_477, %add3A_522 : i32
      %swap3A_524 = arith.index_cast %add3A_523 : i32 to index
      %swap3A_525 = tpu.vector_load %arg9[%swap3A_524] {strides = array<i32>} : memref<50176xf32, #tpu.memory_space<vmem>>, vector<16xf32>,
      tpu.vector_store %arg9[%swap3A_524], %broadcast_in_dim3A_1 {strides = array<i32>} : memref<50176xf32, #tpu.memory_space<vmem>>, vector<16xf32>,
      %add3A_526 = arith.constant 64 : i32
      %add3A_527 = arith.addi %mul3A_477, %add3A_526 : i32
      %swap3A_528 = arith.index_cast %add3A_527 : i32 to index
      %swap3A_529 = tpu.vector_load %arg9[%swap3A_528] {strides = array<i32>} : memref<50176xf32, #tpu.memory_space<vmem>>, vector<16xf32>,
      tpu.vector_store %arg9[%swap3A_528], %broadcast_in_dim3A_1 {strides = array<i32>} : memref<50176xf32, #tpu.memory_space<vmem>>, vector<16xf32>,
      %add3A_530 = arith.constant 80 : i32
      %add3A_531 = arith.addi %mul3A_477, %add3A_530 : i32
      %swap3A_532 = arith.index_cast %add3A_531 : i32 to index
      %swap3A_533 = tpu.vector_load %arg9[%swap3A_532] {strides = array<i32>} : memref<50176xf32, #tpu.memory_space<vmem>>, vector<16xf32>,
      tpu.vector_store %arg9[%swap3A_532], %broadcast_in_dim3A_1 {strides = array<i32>} : memref<50176xf32, #tpu.memory_space<vmem>>, vector<16xf32>,
      %add3A_534 = arith.constant 96 : i32
      %add3A_535 = arith.addi %mul3A_477, %add3A_534 : i32
      %swap3A_536 = arith.index_cast %add3A_535 : i32 to index
      %swap3A_537 = tpu.vector_load %arg9[%swap3A_536] {strides = array<i32>} : memref<50176xf32, #tpu.memory_space<vmem>>, vector<16xf32>,
      tpu.vector_store %arg9[%swap3A_536], %broadcast_in_dim3A_1 {strides = array<i32>} : memref<50176xf32, #tpu.memory_space<vmem>>, vector<16xf32>,
      %add3A_538 = arith.constant 112 : i32
      %add3A_539 = arith.addi %mul3A_477, %add3A_538 : i32
      %swap3A_540 = arith.index_cast %add3A_539 : i32 to index
      %swap3A_541 = tpu.vector_load %arg9[%swap3A_540] {strides = array<i32>} : memref<50176xf32, #tpu.memory_space<vmem>>, vector<16xf32>,
      tpu.vector_store %arg9[%swap3A_540], %broadcast_in_dim3A_1 {strides = array<i32>} : memref<50176xf32, #tpu.memory_space<vmem>>, vector<16xf32>,
    }
    %scan3A_13 = arith.constant 392 : i32
    %mul3A_14 = arith.constant 12 : i32
    %mul3A_15 = arith.muli %add3A, %mul3A_14 : i32
    %add3A_16 = arith.constant 0 : i32
    %add3A_17 = arith.addi %mul3A_15, %add3A_16 : i32
    %mul3A_18 = arith.constant 50176 : i32
    %mul3A_19 = arith.muli %add3A_17, %mul3A_18 : i32
    %mul3A_20 = arith.constant 6272 : i32
    %mul3A_21 = arith.muli %add3A_17, %mul3A_20 : i32
    "tpu.region"() ({
      %run_scoped3A = tpu.sem_alloc : memref<!tpu.dma_semaphore, #tpu.memory_space<semaphore_mem>>
      %dma_start3A_475 = arith.constant 0 : i32
      %dma_start3A_476 = tpu.memref_slice %arg5[%dma_start3A_475] : memref<6288xi32, #tpu.memory_space<vmem>> -> memref<6272xi32, #tpu.memory_space<vmem>>
      %dma_start3A_477 = tpu.memref_slice %arg2[%mul3A_21] : memref<2408448xi32, #tpu.memory_space<hbm>> -> memref<6272xi32, #tpu.memory_space<hbm>>
      %dma_start3A_478 = arith.constant 0 : i32
      %dma_start3A_479 = tpu.memref_slice %arg5[%dma_start3A_478] : memref<6288xi32, #tpu.memory_space<vmem>> -> memref<6272xi32, #tpu.memory_space<vmem>>
      %dma_start3A_480 = tpu.memref_slice %arg2[%mul3A_21] : memref<2408448xi32, #tpu.memory_space<hbm>> -> memref<6272xi32, #tpu.memory_space<hbm>>
      tpu.enqueue_dma source(%dma_start3A_480 : memref<6272xi32, #tpu.memory_space<hbm>>) target(%dma_start3A_479 : memref<6272xi32, #tpu.memory_space<vmem>>) target_semaphore(%run_scoped3A : memref<!tpu.dma_semaphore, #tpu.memory_space<semaphore_mem>>)
      %dma_wait3A_481 = arith.constant 0 : i32
      %dma_wait3A_482 = tpu.memref_slice %arg5[%dma_wait3A_481] : memref<6288xi32, #tpu.memory_space<vmem>> -> memref<6272xi32, #tpu.memory_space<vmem>>
      %dma_wait3A_483 = tpu.memref_slice %arg2[%mul3A_21] : memref<2408448xi32, #tpu.memory_space<hbm>> -> memref<6272xi32, #tpu.memory_space<hbm>>
      %dma_wait3A_484 = arith.constant 0 : i32
      %dma_wait3A_485 = tpu.memref_slice %arg5[%dma_wait3A_484] : memref<6288xi32, #tpu.memory_space<vmem>> -> memref<6272xi32, #tpu.memory_space<vmem>>
      %dma_wait3A_486 = tpu.memref_slice %arg2[%mul3A_21] : memref<2408448xi32, #tpu.memory_space<hbm>> -> memref<6272xi32, #tpu.memory_space<hbm>>
      tpu.wait_dma2 semaphore(%run_scoped3A : memref<!tpu.dma_semaphore, #tpu.memory_space<semaphore_mem>>) src(%dma_wait3A_486 : memref<6272xi32, #tpu.memory_space<hbm>>) dst(%dma_wait3A_485 : memref<6272xi32, #tpu.memory_space<vmem>>)
      tpu.yield
    }) : () -> ()
    %mul3A_22 = arith.constant 6272 : i32
    %mul3A_23 = arith.muli %add3A_17, %mul3A_22 : i32
    "tpu.region"() ({
      %run_scoped3A = tpu.sem_alloc : memref<!tpu.dma_semaphore, #tpu.memory_space<semaphore_mem>>
      %dma_start3A_475 = tpu.memref_slice %arg3[%mul3A_23] : memref<2408448xf32, #tpu.memory_space<hbm>> -> memref<6272xf32, #tpu.memory_space<hbm>>
      %dma_start3A_476 = tpu.memref_slice %arg3[%mul3A_23] : memref<2408448xf32, #tpu.memory_space<hbm>> -> memref<6272xf32, #tpu.memory_space<hbm>>
      tpu.enqueue_dma source(%dma_start3A_476 : memref<6272xf32, #tpu.memory_space<hbm>>) target(%arg7 : memref<6272xf32, #tpu.memory_space<vmem>>) target_semaphore(%run_scoped3A : memref<!tpu.dma_semaphore, #tpu.memory_space<semaphore_mem>>)
      %dma_wait3A_477 = tpu.memref_slice %arg3[%mul3A_23] : memref<2408448xf32, #tpu.memory_space<hbm>> -> memref<6272xf32, #tpu.memory_space<hbm>>
      %dma_wait3A_478 = tpu.memref_slice %arg3[%mul3A_23] : memref<2408448xf32, #tpu.memory_space<hbm>> -> memref<6272xf32, #tpu.memory_space<hbm>>
      tpu.wait_dma2 semaphore(%run_scoped3A : memref<!tpu.dma_semaphore, #tpu.memory_space<semaphore_mem>>) src(%dma_wait3A_478 : memref<6272xf32, #tpu.memory_space<hbm>>) dst(%arg7 : memref<6272xf32, #tpu.memory_space<vmem>>)
      tpu.yield
    }) : () -> ()
    %scan3A_24 = arith.constant 0 : i32
    %scan3A_25 = arith.constant 0 : i32
    %scan3A_26 = arith.constant 98 : i32
    %scan3A_27 = arith.addi %scan3A_25, %scan3A_26 : i32
    %scan3A_28 = arith.constant 1 : i32
    scf.for %scan3A_475 = %scan3A_25 to %scan3A_27 step %scan3A_28  : i32 {
      %mul3A_476 = arith.constant 4 : i32
      %mul3A_477 = arith.muli %scan3A_475, %mul3A_476 : i32
      %add3A_478 = arith.constant 0 : i32
      %add3A_479 = arith.addi %mul3A_477, %add3A_478 : i32
      %mul3A_480 = arith.constant 16 : i32
      %mul3A_481 = arith.muli %add3A_479, %mul3A_480 : i32
      %get3A = arith.index_cast %mul3A_481 : i32 to index
      %get3A_482 = tpu.vector_load %arg5[%get3A] {strides = array<i32>} : memref<6288xi32, #tpu.memory_space<vmem>>, vector<16xi32>,
      %add3A_483 = arith.constant 1 : i32
      %add3A_484 = arith.addi %mul3A_481, %add3A_483 : i32
      %get3A_485 = arith.index_cast %add3A_484 : i32 to index
      %get3A_486 = tpu.vector_load %arg5[%get3A_485] {strides = array<i32>} : memref<6288xi32, #tpu.memory_space<vmem>>, vector<16xi32>,
      %ne3A = arith.cmpi ne, %get3A_482, %get3A_486 : vector<16xi32>
      %sub3A_487 = vector.broadcast %mul3A_19 : i32 to vector<16xi32>
      %sub3A_488 = arith.subi %get3A_482, %sub3A_487 : vector<16xi32>
      %get3A_489 = arith.index_cast %mul3A_481 : i32 to index
      %get3A_490 = tpu.vector_load %arg7[%get3A_489] {strides = array<i32>} : memref<6272xf32, #tpu.memory_space<vmem>>, vector<16xf32>,
      tpu.vector_store_idx %arg8[%sub3A_488], %get3A_490 masked %ne3A : memref<50176xf32, #tpu.memory_space<vmem>>[vector<16xi32>], vector<16xf32>, vector<16xi1>
      %mul3A_491 = arith.constant 4 : i32
      %mul3A_492 = arith.muli %scan3A_475, %mul3A_491 : i32
      %add3A_493 = arith.constant 1 : i32
      %add3A_494 = arith.addi %mul3A_492, %add3A_493 : i32
      %mul3A_495 = arith.constant 16 : i32
      %mul3A_496 = arith.muli %add3A_494, %mul3A_495 : i32
      %get3A_497 = arith.index_cast %mul3A_496 : i32 to index
      %get3A_498 = tpu.vector_load %arg5[%get3A_497] {strides = array<i32>} : memref<6288xi32, #tpu.memory_space<vmem>>, vector<16xi32>,
      %add3A_499 = arith.constant 1 : i32
      %add3A_500 = arith.addi %mul3A_496, %add3A_499 : i32
      %get3A_501 = arith.index_cast %add3A_500 : i32 to index
      %get3A_502 = tpu.vector_load %arg5[%get3A_501] {strides = array<i32>} : memref<6288xi32, #tpu.memory_space<vmem>>, vector<16xi32>,
      %ne3A_503 = arith.cmpi ne, %get3A_498, %get3A_502 : vector<16xi32>
      %sub3A_504 = vector.broadcast %mul3A_19 : i32 to vector<16xi32>
      %sub3A_505 = arith.subi %get3A_498, %sub3A_504 : vector<16xi32>
      %get3A_506 = arith.index_cast %mul3A_496 : i32 to index
      %get3A_507 = tpu.vector_load %arg7[%get3A_506] {strides = array<i32>} : memref<6272xf32, #tpu.memory_space<vmem>>, vector<16xf32>,
      tpu.vector_store_idx %arg8[%sub3A_505], %get3A_507 masked %ne3A_503 : memref<50176xf32, #tpu.memory_space<vmem>>[vector<16xi32>], vector<16xf32>, vector<16xi1>
      %mul3A_508 = arith.constant 4 : i32
      %mul3A_509 = arith.muli %scan3A_475, %mul3A_508 : i32
      %add3A_510 = arith.constant 2 : i32
      %add3A_511 = arith.addi %mul3A_509, %add3A_510 : i32
      %mul3A_512 = arith.constant 16 : i32
      %mul3A_513 = arith.muli %add3A_511, %mul3A_512 : i32
      %get3A_514 = arith.index_cast %mul3A_513 : i32 to index
      %get3A_515 = tpu.vector_load %arg5[%get3A_514] {strides = array<i32>} : memref<6288xi32, #tpu.memory_space<vmem>>, vector<16xi32>,
      %add3A_516 = arith.constant 1 : i32
      %add3A_517 = arith.addi %mul3A_513, %add3A_516 : i32
      %get3A_518 = arith.index_cast %add3A_517 : i32 to index
      %get3A_519 = tpu.vector_load %arg5[%get3A_518] {strides = array<i32>} : memref<6288xi32, #tpu.memory_space<vmem>>, vector<16xi32>,
      %ne3A_520 = arith.cmpi ne, %get3A_515, %get3A_519 : vector<16xi32>
      %sub3A_521 = vector.broadcast %mul3A_19 : i32 to vector<16xi32>
      %sub3A_522 = arith.subi %get3A_515, %sub3A_521 : vector<16xi32>
      %get3A_523 = arith.index_cast %mul3A_513 : i32 to index
      %get3A_524 = tpu.vector_load %arg7[%get3A_523] {strides = array<i32>} : memref<6272xf32, #tpu.memory_space<vmem>>, vector<16xf32>,
      tpu.vector_store_idx %arg8[%sub3A_522], %get3A_524 masked %ne3A_520 : memref<50176xf32, #tpu.memory_space<vmem>>[vector<16xi32>], vector<16xf32>, vector<16xi1>
      %mul3A_525 = arith.constant 4 : i32
      %mul3A_526 = arith.muli %scan3A_475, %mul3A_525 : i32
      %add3A_527 = arith.constant 3 : i32
      %add3A_528 = arith.addi %mul3A_526, %add3A_527 : i32
      %mul3A_529 = arith.constant 16 : i32
      %mul3A_530 = arith.muli %add3A_528, %mul3A_529 : i32
      %get3A_531 = arith.index_cast %mul3A_530 : i32 to index
      %get3A_532 = tpu.vector_load %arg5[%get3A_531] {strides = array<i32>} : memref<6288xi32, #tpu.memory_space<vmem>>, vector<16xi32>,
      %add3A_533 = arith.constant 1 : i32
      %add3A_534 = arith.addi %mul3A_530, %add3A_533 : i32
      %get3A_535 = arith.index_cast %add3A_534 : i32 to index
      %get3A_536 = tpu.vector_load %arg5[%get3A_535] {strides = array<i32>} : memref<6288xi32, #tpu.memory_space<vmem>>, vector<16xi32>,
      %ne3A_537 = arith.cmpi ne, %get3A_532, %get3A_536 : vector<16xi32>
      %sub3A_538 = vector.broadcast %mul3A_19 : i32 to vector<16xi32>
      %sub3A_539 = arith.subi %get3A_532, %sub3A_538 : vector<16xi32>
      %get3A_540 = arith.index_cast %mul3A_530 : i32 to index
      %get3A_541 = tpu.vector_load %arg7[%get3A_540] {strides = array<i32>} : memref<6272xf32, #tpu.memory_space<vmem>>, vector<16xf32>,
      tpu.vector_store_idx %arg8[%sub3A_539], %get3A_541 masked %ne3A_537 : memref<50176xf32, #tpu.memory_space<vmem>>[vector<16xi32>], vector<16xf32>, vector<16xi1>
    }
    %scan3A_29 = arith.constant 98 : i32
    %dma_start3A = arith.constant 0 : i32
    %dma_start3A_30 = tpu.memref_slice %arg4[%add3A_17, %dma_start3A] : memref<384x50176xf32, #tpu.memory_space<hbm>> -> memref<1x50176xf32, #tpu.memory_space<hbm>>
    %dma_start3A_31 = tpu.memref_squeeze %dma_start3A_30 : memref<1x50176xf32, #tpu.memory_space<hbm>> -> memref<50176xf32, #tpu.memory_space<hbm>>
    %dma_start3A_32 = arith.constant 0 : i32
    %dma_start3A_33 = tpu.memref_slice %arg4[%add3A_17, %dma_start3A_32] : memref<384x50176xf32, #tpu.memory_space<hbm>> -> memref<1x50176xf32, #tpu.memory_space<hbm>>
    %dma_start3A_34 = tpu.memref_squeeze %dma_start3A_33 : memref<1x50176xf32, #tpu.memory_space<hbm>> -> memref<50176xf32, #tpu.memory_space<hbm>>
    tpu.enqueue_dma source(%arg8 : memref<50176xf32, #tpu.memory_space<vmem>>) target(%dma_start3A_34 : memref<50176xf32, #tpu.memory_space<hbm>>) target_semaphore(%arg10 : memref<!tpu.dma_semaphore, #tpu.memory_space<semaphore_mem>>)
    %mul3A_35 = arith.constant 12 : i32
    %mul3A_36 = arith.muli %add3A, %mul3A_35 : i32
    %add3A_37 = arith.constant 1 : i32
    %add3A_38 = arith.addi %mul3A_36, %add3A_37 : i32
    %mul3A_39 = arith.constant 50176 : i32
    %mul3A_40 = arith.muli %add3A_38, %mul3A_39 : i32
    %mul3A_41 = arith.constant 6272 : i32
    %mul3A_42 = arith.muli %add3A_38, %mul3A_41 : i32
    "tpu.region"() ({
      %run_scoped3A = tpu.sem_alloc : memref<!tpu.dma_semaphore, #tpu.memory_space<semaphore_mem>>
      %dma_start3A_475 = arith.constant 0 : i32
      %dma_start3A_476 = tpu.memref_slice %arg6[%dma_start3A_475] : memref<6288xi32, #tpu.memory_space<vmem>> -> memref<6272xi32, #tpu.memory_space<vmem>>
      %dma_start3A_477 = tpu.memref_slice %arg2[%mul3A_42] : memref<2408448xi32, #tpu.memory_space<hbm>> -> memref<6272xi32, #tpu.memory_space<hbm>>
      %dma_start3A_478 = arith.constant 0 : i32
      %dma_start3A_479 = tpu.memref_slice %arg6[%dma_start3A_478] : memref<6288xi32, #tpu.memory_space<vmem>> -> memref<6272xi32, #tpu.memory_space<vmem>>
      %dma_start3A_480 = tpu.memref_slice %arg2[%mul3A_42] : memref<2408448xi32, #tpu.memory_space<hbm>> -> memref<6272xi32, #tpu.memory_space<hbm>>
      tpu.enqueue_dma source(%dma_start3A_480 : memref<6272xi32, #tpu.memory_space<hbm>>) target(%dma_start3A_479 : memref<6272xi32, #tpu.memory_space<vmem>>) target_semaphore(%run_scoped3A : memref<!tpu.dma_semaphore, #tpu.memory_space<semaphore_mem>>)
      %dma_wait3A_481 = arith.constant 0 : i32
      %dma_wait3A_482 = tpu.memref_slice %arg6[%dma_wait3A_481] : memref<6288xi32, #tpu.memory_space<vmem>> -> memref<6272xi32, #tpu.memory_space<vmem>>
      %dma_wait3A_483 = tpu.memref_slice %arg2[%mul3A_42] : memref<2408448xi32, #tpu.memory_space<hbm>> -> memref<6272xi32, #tpu.memory_space<hbm>>
      %dma_wait3A_484 = arith.constant 0 : i32
      %dma_wait3A_485 = tpu.memref_slice %arg6[%dma_wait3A_484] : memref<6288xi32, #tpu.memory_space<vmem>> -> memref<6272xi32, #tpu.memory_space<vmem>>
      %dma_wait3A_486 = tpu.memref_slice %arg2[%mul3A_42] : memref<2408448xi32, #tpu.memory_space<hbm>> -> memref<6272xi32, #tpu.memory_space<hbm>>
      tpu.wait_dma2 semaphore(%run_scoped3A : memref<!tpu.dma_semaphore, #tpu.memory_space<semaphore_mem>>) src(%dma_wait3A_486 : memref<6272xi32, #tpu.memory_space<hbm>>) dst(%dma_wait3A_485 : memref<6272xi32, #tpu.memory_space<vmem>>)
      tpu.yield
    }) : () -> ()
    %mul3A_43 = arith.constant 6272 : i32
    %mul3A_44 = arith.muli %add3A_38, %mul3A_43 : i32
    "tpu.region"() ({
      %run_scoped3A = tpu.sem_alloc : memref<!tpu.dma_semaphore, #tpu.memory_space<semaphore_mem>>
      %dma_start3A_475 = tpu.memref_slice %arg3[%mul3A_44] : memref<2408448xf32, #tpu.memory_space<hbm>> -> memref<6272xf32, #tpu.memory_space<hbm>>
      %dma_start3A_476 = tpu.memref_slice %arg3[%mul3A_44] : memref<2408448xf32, #tpu.memory_space<hbm>> -> memref<6272xf32, #tpu.memory_space<hbm>>
      tpu.enqueue_dma source(%dma_start3A_476 : memref<6272xf32, #tpu.memory_space<hbm>>) target(%arg7 : memref<6272xf32, #tpu.memory_space<vmem>>) target_semaphore(%run_scoped3A : memref<!tpu.dma_semaphore, #tpu.memory_space<semaphore_mem>>)
      %dma_wait3A_477 = tpu.memref_slice %arg3[%mul3A_44] : memref<2408448xf32, #tpu.memory_space<hbm>> -> memref<6272xf32, #tpu.memory_space<hbm>>
      %dma_wait3A_478 = tpu.memref_slice %arg3[%mul3A_44] : memref<2408448xf32, #tpu.memory_space<hbm>> -> memref<6272xf32, #tpu.memory_space<hbm>>
      tpu.wait_dma2 semaphore(%run_scoped3A : memref<!tpu.dma_semaphore, #tpu.memory_space<semaphore_mem>>) src(%dma_wait3A_478 : memref<6272xf32, #tpu.memory_space<hbm>>) dst(%arg7 : memref<6272xf32, #tpu.memory_space<vmem>>)
      tpu.yield
    }) : () -> ()
    %scan3A_45 = arith.constant 0 : i32
    %scan3A_46 = arith.constant 0 : i32
    %scan3A_47 = arith.constant 98 : i32
    %scan3A_48 = arith.addi %scan3A_46, %scan3A_47 : i32
    %scan3A_49 = arith.constant 1 : i32
    scf.for %scan3A_475 = %scan3A_46 to %scan3A_48 step %scan3A_49  : i32 {
      %mul3A_476 = arith.constant 4 : i32
      %mul3A_477 = arith.muli %scan3A_475, %mul3A_476 : i32
      %add3A_478 = arith.constant 0 : i32
      %add3A_479 = arith.addi %mul3A_477, %add3A_478 : i32
      %mul3A_480 = arith.constant 16 : i32
      %mul3A_481 = arith.muli %add3A_479, %mul3A_480 : i32
      %get3A = arith.index_cast %mul3A_481 : i32 to index
      %get3A_482 = tpu.vector_load %arg6[%get3A] {strides = array<i32>} : memref<6288xi32, #tpu.memory_space<vmem>>, vector<16xi32>,
      %add3A_483 = arith.constant 1 : i32
      %add3A_484 = arith.addi %mul3A_481, %add3A_483 : i32
      %get3A_485 = arith.index_cast %add3A_484 : i32 to index
      %get3A_486 = tpu.vector_load %arg6[%get3A_485] {strides = array<i32>} : memref<6288xi32, #tpu.memory_space<vmem>>, vector<16xi32>,
      %ne3A = arith.cmpi ne, %get3A_482, %get3A_486 : vector<16xi32>
      %sub3A_487 = vector.broadcast %mul3A_40 : i32 to vector<16xi32>
      %sub3A_488 = arith.subi %get3A_482, %sub3A_487 : vector<16xi32>
      %get3A_489 = arith.index_cast %mul3A_481 : i32 to index
      %get3A_490 = tpu.vector_load %arg7[%get3A_489] {strides = array<i32>} : memref<6272xf32, #tpu.memory_space<vmem>>, vector<16xf32>,
      tpu.vector_store_idx %arg9[%sub3A_488], %get3A_490 masked %ne3A : memref<50176xf32, #tpu.memory_space<vmem>>[vector<16xi32>], vector<16xf32>, vector<16xi1>
      %mul3A_491 = arith.constant 4 : i32
      %mul3A_492 = arith.muli %scan3A_475, %mul3A_491 : i32
      %add3A_493 = arith.constant 1 : i32
      %add3A_494 = arith.addi %mul3A_492, %add3A_493 : i32
      %mul3A_495 = arith.constant 16 : i32
      %mul3A_496 = arith.muli %add3A_494, %mul3A_495 : i32
      %get3A_497 = arith.index_cast %mul3A_496 : i32 to index
      %get3A_498 = tpu.vector_load %arg6[%get3A_497] {strides = array<i32>} : memref<6288xi32, #tpu.memory_space<vmem>>, vector<16xi32>,
      %add3A_499 = arith.constant 1 : i32
      %add3A_500 = arith.addi %mul3A_496, %add3A_499 : i32
      %get3A_501 = arith.index_cast %add3A_500 : i32 to index
      %get3A_502 = tpu.vector_load %arg6[%get3A_501] {strides = array<i32>} : memref<6288xi32, #tpu.memory_space<vmem>>, vector<16xi32>,
      %ne3A_503 = arith.cmpi ne, %get3A_498, %get3A_502 : vector<16xi32>
      %sub3A_504 = vector.broadcast %mul3A_40 : i32 to vector<16xi32>
      %sub3A_505 = arith.subi %get3A_498, %sub3A_504 : vector<16xi32>
      %get3A_506 = arith.index_cast %mul3A_496 : i32 to index
      %get3A_507 = tpu.vector_load %arg7[%get3A_506] {strides = array<i32>} : memref<6272xf32, #tpu.memory_space<vmem>>, vector<16xf32>,
      tpu.vector_store_idx %arg9[%sub3A_505], %get3A_507 masked %ne3A_503 : memref<50176xf32, #tpu.memory_space<vmem>>[vector<16xi32>], vector<16xf32>, vector<16xi1>
      %mul3A_508 = arith.constant 4 : i32
      %mul3A_509 = arith.muli %scan3A_475, %mul3A_508 : i32
      %add3A_510 = arith.constant 2 : i32
      %add3A_511 = arith.addi %mul3A_509, %add3A_510 : i32
      %mul3A_512 = arith.constant 16 : i32
      %mul3A_513 = arith.muli %add3A_511, %mul3A_512 : i32
      %get3A_514 = arith.index_cast %mul3A_513 : i32 to index
      %get3A_515 = tpu.vector_load %arg6[%get3A_514] {strides = array<i32>} : memref<6288xi32, #tpu.memory_space<vmem>>, vector<16xi32>,
      %add3A_516 = arith.constant 1 : i32
      %add3A_517 = arith.addi %mul3A_513, %add3A_516 : i32
      %get3A_518 = arith.index_cast %add3A_517 : i32 to index
      %get3A_519 = tpu.vector_load %arg6[%get3A_518] {strides = array<i32>} : memref<6288xi32, #tpu.memory_space<vmem>>, vector<16xi32>,
      %ne3A_520 = arith.cmpi ne, %get3A_515, %get3A_519 : vector<16xi32>
      %sub3A_521 = vector.broadcast %mul3A_40 : i32 to vector<16xi32>
      %sub3A_522 = arith.subi %get3A_515, %sub3A_521 : vector<16xi32>
      %get3A_523 = arith.index_cast %mul3A_513 : i32 to index
      %get3A_524 = tpu.vector_load %arg7[%get3A_523] {strides = array<i32>} : memref<6272xf32, #tpu.memory_space<vmem>>, vector<16xf32>,
      tpu.vector_store_idx %arg9[%sub3A_522], %get3A_524 masked %ne3A_520 : memref<50176xf32, #tpu.memory_space<vmem>>[vector<16xi32>], vector<16xf32>, vector<16xi1>
      %mul3A_525 = arith.constant 4 : i32
      %mul3A_526 = arith.muli %scan3A_475, %mul3A_525 : i32
      %add3A_527 = arith.constant 3 : i32
      %add3A_528 = arith.addi %mul3A_526, %add3A_527 : i32
      %mul3A_529 = arith.constant 16 : i32
      %mul3A_530 = arith.muli %add3A_528, %mul3A_529 : i32
      %get3A_531 = arith.index_cast %mul3A_530 : i32 to index
      %get3A_532 = tpu.vector_load %arg6[%get3A_531] {strides = array<i32>} : memref<6288xi32, #tpu.memory_space<vmem>>, vector<16xi32>,
      %add3A_533 = arith.constant 1 : i32
      %add3A_534 = arith.addi %mul3A_530, %add3A_533 : i32
      %get3A_535 = arith.index_cast %add3A_534 : i32 to index
      %get3A_536 = tpu.vector_load %arg6[%get3A_535] {strides = array<i32>} : memref<6288xi32, #tpu.memory_space<vmem>>, vector<16xi32>,
      %ne3A_537 = arith.cmpi ne, %get3A_532, %get3A_536 : vector<16xi32>
      %sub3A_538 = vector.broadcast %mul3A_40 : i32 to vector<16xi32>
      %sub3A_539 = arith.subi %get3A_532, %sub3A_538 : vector<16xi32>
      %get3A_540 = arith.index_cast %mul3A_530 : i32 to index
      %get3A_541 = tpu.vector_load %arg7[%get3A_540] {strides = array<i32>} : memref<6272xf32, #tpu.memory_space<vmem>>, vector<16xf32>,
      tpu.vector_store_idx %arg9[%sub3A_539], %get3A_541 masked %ne3A_537 : memref<50176xf32, #tpu.memory_space<vmem>>[vector<16xi32>], vector<16xf32>, vector<16xi1>
    }
    %scan3A_50 = arith.constant 98 : i32
    %dma_start3A_51 = arith.constant 0 : i32
    %dma_start3A_52 = tpu.memref_slice %arg4[%add3A_38, %dma_start3A_51] : memref<384x50176xf32, #tpu.memory_space<hbm>> -> memref<1x50176xf32, #tpu.memory_space<hbm>>
    %dma_start3A_53 = tpu.memref_squeeze %dma_start3A_52 : memref<1x50176xf32, #tpu.memory_space<hbm>> -> memref<50176xf32, #tpu.memory_space<hbm>>
    %dma_start3A_54 = arith.constant 0 : i32
    %dma_start3A_55 = tpu.memref_slice %arg4[%add3A_38, %dma_start3A_54] : memref<384x50176xf32, #tpu.memory_space<hbm>> -> memref<1x50176xf32, #tpu.memory_space<hbm>>
    %dma_start3A_56 = tpu.memref_squeeze %dma_start3A_55 : memref<1x50176xf32, #tpu.memory_space<hbm>> -> memref<50176xf32, #tpu.memory_space<hbm>>
    tpu.enqueue_dma source(%arg9 : memref<50176xf32, #tpu.memory_space<vmem>>) target(%dma_start3A_56 : memref<50176xf32, #tpu.memory_space<hbm>>) target_semaphore(%arg11 : memref<!tpu.dma_semaphore, #tpu.memory_space<semaphore_mem>>)
    %mul3A_57 = arith.constant 12 : i32
    %mul3A_58 = arith.muli %add3A, %mul3A_57 : i32
    %add3A_59 = arith.constant 2 : i32
    %add3A_60 = arith.addi %mul3A_58, %add3A_59 : i32
    %mul3A_61 = arith.constant 50176 : i32
    %mul3A_62 = arith.muli %add3A_60, %mul3A_61 : i32
    %sub3A = arith.constant 2 : i32
    %sub3A_63 = arith.subi %add3A_60, %sub3A : i32
    %mul3A_64 = arith.constant 50176 : i32
    %mul3A_65 = arith.muli %sub3A_63, %mul3A_64 : i32
    %sub3A_66 = arith.constant 2 : i32
    %sub3A_67 = arith.subi %add3A_60, %sub3A_66 : i32
    %dma_wait3A = arith.constant 0 : i32
    %dma_wait3A_68 = tpu.memref_slice %arg4[%sub3A_67, %dma_wait3A] : memref<384x50176xf32, #tpu.memory_space<hbm>> -> memref<1x50176xf32, #tpu.memory_space<hbm>>
    %dma_wait3A_69 = tpu.memref_squeeze %dma_wait3A_68 : memref<1x50176xf32, #tpu.memory_space<hbm>> -> memref<50176xf32, #tpu.memory_space<hbm>>
    %dma_wait3A_70 = arith.constant 0 : i32
    %dma_wait3A_71 = tpu.memref_slice %arg4[%sub3A_67, %dma_wait3A_70] : memref<384x50176xf32, #tpu.memory_space<hbm>> -> memref<1x50176xf32, #tpu.memory_space<hbm>>
    %dma_wait3A_72 = tpu.memref_squeeze %dma_wait3A_71 : memref<1x50176xf32, #tpu.memory_space<hbm>> -> memref<50176xf32, #tpu.memory_space<hbm>>
    tpu.wait_dma2 semaphore(%arg10 : memref<!tpu.dma_semaphore, #tpu.memory_space<semaphore_mem>>) src(%arg8 : memref<50176xf32, #tpu.memory_space<vmem>>) dst(%dma_wait3A_72 : memref<50176xf32, #tpu.memory_space<hbm>>)
    %scan3A_73 = arith.constant 0 : i32
    %scan3A_74 = arith.constant 0 : i32
    %scan3A_75 = arith.constant 98 : i32
    %scan3A_76 = arith.addi %scan3A_74, %scan3A_75 : i32
    %scan3A_77 = arith.constant 1 : i32
    scf.for %scan3A_475 = %scan3A_74 to %scan3A_76 step %scan3A_77  : i32 {
      %mul3A_476 = arith.constant 4 : i32
      %mul3A_477 = arith.muli %scan3A_475, %mul3A_476 : i32
      %add3A_478 = arith.constant 0 : i32
      %add3A_479 = arith.addi %mul3A_477, %add3A_478 : i32
      %mul3A_480 = arith.constant 16 : i32
      %mul3A_481 = arith.muli %add3A_479, %mul3A_480 : i32
      %get3A = arith.index_cast %mul3A_481 : i32 to index
      %get3A_482 = tpu.vector_load %arg5[%get3A] {strides = array<i32>} : memref<6288xi32, #tpu.memory_space<vmem>>, vector<16xi32>,
      %sub3A_483 = vector.broadcast %mul3A_65 : i32 to vector<16xi32>
      %sub3A_484 = arith.subi %get3A_482, %sub3A_483 : vector<16xi32>
      tpu.vector_store_idx %arg8[%sub3A_484], %broadcast_in_dim3A_1 : memref<50176xf32, #tpu.memory_space<vmem>>[vector<16xi32>], vector<16xf32>,
      %mul3A_485 = arith.constant 4 : i32
      %mul3A_486 = arith.muli %scan3A_475, %mul3A_485 : i32
      %add3A_487 = arith.constant 1 : i32
      %add3A_488 = arith.addi %mul3A_486, %add3A_487 : i32
      %mul3A_489 = arith.constant 16 : i32
      %mul3A_490 = arith.muli %add3A_488, %mul3A_489 : i32
      %get3A_491 = arith.index_cast %mul3A_490 : i32 to index
      %get3A_492 = tpu.vector_load %arg5[%get3A_491] {strides = array<i32>} : memref<6288xi32, #tpu.memory_space<vmem>>, vector<16xi32>,
      %sub3A_493 = vector.broadcast %mul3A_65 : i32 to vector<16xi32>
      %sub3A_494 = arith.subi %get3A_492, %sub3A_493 : vector<16xi32>
      tpu.vector_store_idx %arg8[%sub3A_494], %broadcast_in_dim3A_1 : memref<50176xf32, #tpu.memory_space<vmem>>[vector<16xi32>], vector<16xf32>,
      %mul3A_495 = arith.constant 4 : i32
      %mul3A_496 = arith.muli %scan3A_475, %mul3A_495 : i32
      %add3A_497 = arith.constant 2 : i32
      %add3A_498 = arith.addi %mul3A_496, %add3A_497 : i32
      %mul3A_499 = arith.constant 16 : i32
      %mul3A_500 = arith.muli %add3A_498, %mul3A_499 : i32
      %get3A_501 = arith.index_cast %mul3A_500 : i32 to index
      %get3A_502 = tpu.vector_load %arg5[%get3A_501] {strides = array<i32>} : memref<6288xi32, #tpu.memory_space<vmem>>, vector<16xi32>,
      %sub3A_503 = vector.broadcast %mul3A_65 : i32 to vector<16xi32>
      %sub3A_504 = arith.subi %get3A_502, %sub3A_503 : vector<16xi32>
      tpu.vector_store_idx %arg8[%sub3A_504], %broadcast_in_dim3A_1 : memref<50176xf32, #tpu.memory_space<vmem>>[vector<16xi32>], vector<16xf32>,
      %mul3A_505 = arith.constant 4 : i32
      %mul3A_506 = arith.muli %scan3A_475, %mul3A_505 : i32
      %add3A_507 = arith.constant 3 : i32
      %add3A_508 = arith.addi %mul3A_506, %add3A_507 : i32
      %mul3A_509 = arith.constant 16 : i32
      %mul3A_510 = arith.muli %add3A_508, %mul3A_509 : i32
      %get3A_511 = arith.index_cast %mul3A_510 : i32 to index
      %get3A_512 = tpu.vector_load %arg5[%get3A_511] {strides = array<i32>} : memref<6288xi32, #tpu.memory_space<vmem>>, vector<16xi32>,
      %sub3A_513 = vector.broadcast %mul3A_65 : i32 to vector<16xi32>
      %sub3A_514 = arith.subi %get3A_512, %sub3A_513 : vector<16xi32>
      tpu.vector_store_idx %arg8[%sub3A_514], %broadcast_in_dim3A_1 : memref<50176xf32, #tpu.memory_space<vmem>>[vector<16xi32>], vector<16xf32>,
    }
    %scan3A_78 = arith.constant 98 : i32
    %mul3A_79 = arith.constant 6272 : i32
    %mul3A_80 = arith.muli %add3A_60, %mul3A_79 : i32
    "tpu.region"() ({
      %run_scoped3A = tpu.sem_alloc : memref<!tpu.dma_semaphore, #tpu.memory_space<semaphore_mem>>
      %dma_start3A_475 = arith.constant 0 : i32
      %dma_start3A_476 = tpu.memref_slice %arg5[%dma_start3A_475] : memref<6288xi32, #tpu.memory_space<vmem>> -> memref<6272xi32, #tpu.memory_space<vmem>>
      %dma_start3A_477 = tpu.memref_slice %arg2[%mul3A_80] : memref<2408448xi32, #tpu.memory_space<hbm>> -> memref<6272xi32, #tpu.memory_space<hbm>>
      %dma_start3A_478 = arith.constant 0 : i32
      %dma_start3A_479 = tpu.memref_slice %arg5[%dma_start3A_478] : memref<6288xi32, #tpu.memory_space<vmem>> -> memref<6272xi32, #tpu.memory_space<vmem>>
      %dma_start3A_480 = tpu.memref_slice %arg2[%mul3A_80] : memref<2408448xi32, #tpu.memory_space<hbm>> -> memref<6272xi32, #tpu.memory_space<hbm>>
      tpu.enqueue_dma source(%dma_start3A_480 : memref<6272xi32, #tpu.memory_space<hbm>>) target(%dma_start3A_479 : memref<6272xi32, #tpu.memory_space<vmem>>) target_semaphore(%run_scoped3A : memref<!tpu.dma_semaphore, #tpu.memory_space<semaphore_mem>>)
      %dma_wait3A_481 = arith.constant 0 : i32
      %dma_wait3A_482 = tpu.memref_slice %arg5[%dma_wait3A_481] : memref<6288xi32, #tpu.memory_space<vmem>> -> memref<6272xi32, #tpu.memory_space<vmem>>
      %dma_wait3A_483 = tpu.memref_slice %arg2[%mul3A_80] : memref<2408448xi32, #tpu.memory_space<hbm>> -> memref<6272xi32, #tpu.memory_space<hbm>>
      %dma_wait3A_484 = arith.constant 0 : i32
      %dma_wait3A_485 = tpu.memref_slice %arg5[%dma_wait3A_484] : memref<6288xi32, #tpu.memory_space<vmem>> -> memref<6272xi32, #tpu.memory_space<vmem>>
      %dma_wait3A_486 = tpu.memref_slice %arg2[%mul3A_80] : memref<2408448xi32, #tpu.memory_space<hbm>> -> memref<6272xi32, #tpu.memory_space<hbm>>
      tpu.wait_dma2 semaphore(%run_scoped3A : memref<!tpu.dma_semaphore, #tpu.memory_space<semaphore_mem>>) src(%dma_wait3A_486 : memref<6272xi32, #tpu.memory_space<hbm>>) dst(%dma_wait3A_485 : memref<6272xi32, #tpu.memory_space<vmem>>)
      tpu.yield
    }) : () -> ()
    %mul3A_81 = arith.constant 6272 : i32
    %mul3A_82 = arith.muli %add3A_60, %mul3A_81 : i32
    "tpu.region"() ({
      %run_scoped3A = tpu.sem_alloc : memref<!tpu.dma_semaphore, #tpu.memory_space<semaphore_mem>>
      %dma_start3A_475 = tpu.memref_slice %arg3[%mul3A_82] : memref<2408448xf32, #tpu.memory_space<hbm>> -> memref<6272xf32, #tpu.memory_space<hbm>>
      %dma_start3A_476 = tpu.memref_slice %arg3[%mul3A_82] : memref<2408448xf32, #tpu.memory_space<hbm>> -> memref<6272xf32, #tpu.memory_space<hbm>>
      tpu.enqueue_dma source(%dma_start3A_476 : memref<6272xf32, #tpu.memory_space<hbm>>) target(%arg7 : memref<6272xf32, #tpu.memory_space<vmem>>) target_semaphore(%run_scoped3A : memref<!tpu.dma_semaphore, #tpu.memory_space<semaphore_mem>>)
      %dma_wait3A_477 = tpu.memref_slice %arg3[%mul3A_82] : memref<2408448xf32, #tpu.memory_space<hbm>> -> memref<6272xf32, #tpu.memory_space<hbm>>
      %dma_wait3A_478 = tpu.memref_slice %arg3[%mul3A_82] : memref<2408448xf32, #tpu.memory_space<hbm>> -> memref<6272xf32, #tpu.memory_space<hbm>>
      tpu.wait_dma2 semaphore(%run_scoped3A : memref<!tpu.dma_semaphore, #tpu.memory_space<semaphore_mem>>) src(%dma_wait3A_478 : memref<6272xf32, #tpu.memory_space<hbm>>) dst(%arg7 : memref<6272xf32, #tpu.memory_space<vmem>>)
      tpu.yield
    }) : () -> ()
    %scan3A_83 = arith.constant 0 : i32
    %scan3A_84 = arith.constant 0 : i32
    %scan3A_85 = arith.constant 98 : i32
    %scan3A_86 = arith.addi %scan3A_84, %scan3A_85 : i32
    %scan3A_87 = arith.constant 1 : i32
    scf.for %scan3A_475 = %scan3A_84 to %scan3A_86 step %scan3A_87  : i32 {
      %mul3A_476 = arith.constant 4 : i32
      %mul3A_477 = arith.muli %scan3A_475, %mul3A_476 : i32
      %add3A_478 = arith.constant 0 : i32
      %add3A_479 = arith.addi %mul3A_477, %add3A_478 : i32
      %mul3A_480 = arith.constant 16 : i32
      %mul3A_481 = arith.muli %add3A_479, %mul3A_480 : i32
      %get3A = arith.index_cast %mul3A_481 : i32 to index
      %get3A_482 = tpu.vector_load %arg5[%get3A] {strides = array<i32>} : memref<6288xi32, #tpu.memory_space<vmem>>, vector<16xi32>,
      %add3A_483 = arith.constant 1 : i32
      %add3A_484 = arith.addi %mul3A_481, %add3A_483 : i32
      %get3A_485 = arith.index_cast %add3A_484 : i32 to index
      %get3A_486 = tpu.vector_load %arg5[%get3A_485] {strides = array<i32>} : memref<6288xi32, #tpu.memory_space<vmem>>, vector<16xi32>,
      %ne3A = arith.cmpi ne, %get3A_482, %get3A_486 : vector<16xi32>
      %sub3A_487 = vector.broadcast %mul3A_62 : i32 to vector<16xi32>
      %sub3A_488 = arith.subi %get3A_482, %sub3A_487 : vector<16xi32>
      %get3A_489 = arith.index_cast %mul3A_481 : i32 to index
      %get3A_490 = tpu.vector_load %arg7[%get3A_489] {strides = array<i32>} : memref<6272xf32, #tpu.memory_space<vmem>>, vector<16xf32>,
      tpu.vector_store_idx %arg8[%sub3A_488], %get3A_490 masked %ne3A : memref<50176xf32, #tpu.memory_space<vmem>>[vector<16xi32>], vector<16xf32>, vector<16xi1>
      %mul3A_491 = arith.constant 4 : i32
      %mul3A_492 = arith.muli %scan3A_475, %mul3A_491 : i32
      %add3A_493 = arith.constant 1 : i32
      %add3A_494 = arith.addi %mul3A_492, %add3A_493 : i32
      %mul3A_495 = arith.constant 16 : i32
      %mul3A_496 = arith.muli %add3A_494, %mul3A_495 : i32
      %get3A_497 = arith.index_cast %mul3A_496 : i32 to index
      %get3A_498 = tpu.vector_load %arg5[%get3A_497] {strides = array<i32>} : memref<6288xi32, #tpu.memory_space<vmem>>, vector<16xi32>,
      %add3A_499 = arith.constant 1 : i32
      %add3A_500 = arith.addi %mul3A_496, %add3A_499 : i32
      %get3A_501 = arith.index_cast %add3A_500 : i32 to index
      %get3A_502 = tpu.vector_load %arg5[%get3A_501] {strides = array<i32>} : memref<6288xi32, #tpu.memory_space<vmem>>, vector<16xi32>,
      %ne3A_503 = arith.cmpi ne, %get3A_498, %get3A_502 : vector<16xi32>
      %sub3A_504 = vector.broadcast %mul3A_62 : i32 to vector<16xi32>
      %sub3A_505 = arith.subi %get3A_498, %sub3A_504 : vector<16xi32>
      %get3A_506 = arith.index_cast %mul3A_496 : i32 to index
      %get3A_507 = tpu.vector_load %arg7[%get3A_506] {strides = array<i32>} : memref<6272xf32, #tpu.memory_space<vmem>>, vector<16xf32>,
      tpu.vector_store_idx %arg8[%sub3A_505], %get3A_507 masked %ne3A_503 : memref<50176xf32, #tpu.memory_space<vmem>>[vector<16xi32>], vector<16xf32>, vector<16xi1>
      %mul3A_508 = arith.constant 4 : i32
      %mul3A_509 = arith.muli %scan3A_475, %mul3A_508 : i32
      %add3A_510 = arith.constant 2 : i32
      %add3A_511 = arith.addi %mul3A_509, %add3A_510 : i32
      %mul3A_512 = arith.constant 16 : i32
      %mul3A_513 = arith.muli %add3A_511, %mul3A_512 : i32
      %get3A_514 = arith.index_cast %mul3A_513 : i32 to index
      %get3A_515 = tpu.vector_load %arg5[%get3A_514] {strides = array<i32>} : memref<6288xi32, #tpu.memory_space<vmem>>, vector<16xi32>,
      %add3A_516 = arith.constant 1 : i32
      %add3A_517 = arith.addi %mul3A_513, %add3A_516 : i32
      %get3A_518 = arith.index_cast %add3A_517 : i32 to index
      %get3A_519 = tpu.vector_load %arg5[%get3A_518] {strides = array<i32>} : memref<6288xi32, #tpu.memory_space<vmem>>, vector<16xi32>,
      %ne3A_520 = arith.cmpi ne, %get3A_515, %get3A_519 : vector<16xi32>
      %sub3A_521 = vector.broadcast %mul3A_62 : i32 to vector<16xi32>
      %sub3A_522 = arith.subi %get3A_515, %sub3A_521 : vector<16xi32>
      %get3A_523 = arith.index_cast %mul3A_513 : i32 to index
      %get3A_524 = tpu.vector_load %arg7[%get3A_523] {strides = array<i32>} : memref<6272xf32, #tpu.memory_space<vmem>>, vector<16xf32>,
      tpu.vector_store_idx %arg8[%sub3A_522], %get3A_524 masked %ne3A_520 : memref<50176xf32, #tpu.memory_space<vmem>>[vector<16xi32>], vector<16xf32>, vector<16xi1>
      %mul3A_525 = arith.constant 4 : i32
      %mul3A_526 = arith.muli %scan3A_475, %mul3A_525 : i32
      %add3A_527 = arith.constant 3 : i32
      %add3A_528 = arith.addi %mul3A_526, %add3A_527 : i32
      %mul3A_529 = arith.constant 16 : i32
      %mul3A_530 = arith.muli %add3A_528, %mul3A_529 : i32
      %get3A_531 = arith.index_cast %mul3A_530 : i32 to index
      %get3A_532 = tpu.vector_load %arg5[%get3A_531] {strides = array<i32>} : memref<6288xi32, #tpu.memory_space<vmem>>, vector<16xi32>,
      %add3A_533 = arith.constant 1 : i32
      %add3A_534 = arith.addi %mul3A_530, %add3A_533 : i32
      %get3A_535 = arith.index_cast %add3A_534 : i32 to index
      %get3A_536 = tpu.vector_load %arg5[%get3A_535] {strides = array<i32>} : memref<6288xi32, #tpu.memory_space<vmem>>, vector<16xi32>,
      %ne3A_537 = arith.cmpi ne, %get3A_532, %get3A_536 : vector<16xi32>
      %sub3A_538 = vector.broadcast %mul3A_62 : i32 to vector<16xi32>
      %sub3A_539 = arith.subi %get3A_532, %sub3A_538 : vector<16xi32>
      %get3A_540 = arith.index_cast %mul3A_530 : i32 to index
      %get3A_541 = tpu.vector_load %arg7[%get3A_540] {strides = array<i32>} : memref<6272xf32, #tpu.memory_space<vmem>>, vector<16xf32>,
      tpu.vector_store_idx %arg8[%sub3A_539], %get3A_541 masked %ne3A_537 : memref<50176xf32, #tpu.memory_space<vmem>>[vector<16xi32>], vector<16xf32>, vector<16xi1>
    }
    %scan3A_88 = arith.constant 98 : i32
    %dma_start3A_89 = arith.constant 0 : i32
    %dma_start3A_90 = tpu.memref_slice %arg4[%add3A_60, %dma_start3A_89] : memref<384x50176xf32, #tpu.memory_space<hbm>> -> memref<1x50176xf32, #tpu.memory_space<hbm>>
    %dma_start3A_91 = tpu.memref_squeeze %dma_start3A_90 : memref<1x50176xf32, #tpu.memory_space<hbm>> -> memref<50176xf32, #tpu.memory_space<hbm>>
    %dma_start3A_92 = arith.constant 0 : i32
    %dma_start3A_93 = tpu.memref_slice %arg4[%add3A_60, %dma_start3A_92] : memref<384x50176xf32, #tpu.memory_space<hbm>> -> memref<1x50176xf32, #tpu.memory_space<hbm>>
    %dma_start3A_94 = tpu.memref_squeeze %dma_start3A_93 : memref<1x50176xf32, #tpu.memory_space<hbm>> -> memref<50176xf32, #tpu.memory_space<hbm>>
    tpu.enqueue_dma source(%arg8 : memref<50176xf32, #tpu.memory_space<vmem>>) target(%dma_start3A_94 : memref<50176xf32, #tpu.memory_space<hbm>>) target_semaphore(%arg10 : memref<!tpu.dma_semaphore, #tpu.memory_space<semaphore_mem>>)
    %mul3A_95 = arith.constant 12 : i32
    %mul3A_96 = arith.muli %add3A, %mul3A_95 : i32
    %add3A_97 = arith.constant 3 : i32
    %add3A_98 = arith.addi %mul3A_96, %add3A_97 : i32
    %mul3A_99 = arith.constant 50176 : i32
    %mul3A_100 = arith.muli %add3A_98, %mul3A_99 : i32
    %sub3A_101 = arith.constant 2 : i32
    %sub3A_102 = arith.subi %add3A_98, %sub3A_101 : i32
    %mul3A_103 = arith.constant 50176 : i32
    %mul3A_104 = arith.muli %sub3A_102, %mul3A_103 : i32
    %sub3A_105 = arith.constant 2 : i32
    %sub3A_106 = arith.subi %add3A_98, %sub3A_105 : i32
    %dma_wait3A_107 = arith.constant 0 : i32
    %dma_wait3A_108 = tpu.memref_slice %arg4[%sub3A_106, %dma_wait3A_107] : memref<384x50176xf32, #tpu.memory_space<hbm>> -> memref<1x50176xf32, #tpu.memory_space<hbm>>
    %dma_wait3A_109 = tpu.memref_squeeze %dma_wait3A_108 : memref<1x50176xf32, #tpu.memory_space<hbm>> -> memref<50176xf32, #tpu.memory_space<hbm>>
    %dma_wait3A_110 = arith.constant 0 : i32
    %dma_wait3A_111 = tpu.memref_slice %arg4[%sub3A_106, %dma_wait3A_110] : memref<384x50176xf32, #tpu.memory_space<hbm>> -> memref<1x50176xf32, #tpu.memory_space<hbm>>
    %dma_wait3A_112 = tpu.memref_squeeze %dma_wait3A_111 : memref<1x50176xf32, #tpu.memory_space<hbm>> -> memref<50176xf32, #tpu.memory_space<hbm>>
    tpu.wait_dma2 semaphore(%arg11 : memref<!tpu.dma_semaphore, #tpu.memory_space<semaphore_mem>>) src(%arg9 : memref<50176xf32, #tpu.memory_space<vmem>>) dst(%dma_wait3A_112 : memref<50176xf32, #tpu.memory_space<hbm>>)
    %scan3A_113 = arith.constant 0 : i32
    %scan3A_114 = arith.constant 0 : i32
    %scan3A_115 = arith.constant 98 : i32
    %scan3A_116 = arith.addi %scan3A_114, %scan3A_115 : i32
    %scan3A_117 = arith.constant 1 : i32
    scf.for %scan3A_475 = %scan3A_114 to %scan3A_116 step %scan3A_117  : i32 {
      %mul3A_476 = arith.constant 4 : i32
      %mul3A_477 = arith.muli %scan3A_475, %mul3A_476 : i32
      %add3A_478 = arith.constant 0 : i32
      %add3A_479 = arith.addi %mul3A_477, %add3A_478 : i32
      %mul3A_480 = arith.constant 16 : i32
      %mul3A_481 = arith.muli %add3A_479, %mul3A_480 : i32
      %get3A = arith.index_cast %mul3A_481 : i32 to index
      %get3A_482 = tpu.vector_load %arg6[%get3A] {strides = array<i32>} : memref<6288xi32, #tpu.memory_space<vmem>>, vector<16xi32>,
      %sub3A_483 = vector.broadcast %mul3A_104 : i32 to vector<16xi32>
      %sub3A_484 = arith.subi %get3A_482, %sub3A_483 : vector<16xi32>
      tpu.vector_store_idx %arg9[%sub3A_484], %broadcast_in_dim3A_1 : memref<50176xf32, #tpu.memory_space<vmem>>[vector<16xi32>], vector<16xf32>,
      %mul3A_485 = arith.constant 4 : i32
      %mul3A_486 = arith.muli %scan3A_475, %mul3A_485 : i32
      %add3A_487 = arith.constant 1 : i32
      %add3A_488 = arith.addi %mul3A_486, %add3A_487 : i32
      %mul3A_489 = arith.constant 16 : i32
      %mul3A_490 = arith.muli %add3A_488, %mul3A_489 : i32
      %get3A_491 = arith.index_cast %mul3A_490 : i32 to index
      %get3A_492 = tpu.vector_load %arg6[%get3A_491] {strides = array<i32>} : memref<6288xi32, #tpu.memory_space<vmem>>, vector<16xi32>,
      %sub3A_493 = vector.broadcast %mul3A_104 : i32 to vector<16xi32>
      %sub3A_494 = arith.subi %get3A_492, %sub3A_493 : vector<16xi32>
      tpu.vector_store_idx %arg9[%sub3A_494], %broadcast_in_dim3A_1 : memref<50176xf32, #tpu.memory_space<vmem>>[vector<16xi32>], vector<16xf32>,
      %mul3A_495 = arith.constant 4 : i32
      %mul3A_496 = arith.muli %scan3A_475, %mul3A_495 : i32
      %add3A_497 = arith.constant 2 : i32
      %add3A_498 = arith.addi %mul3A_496, %add3A_497 : i32
      %mul3A_499 = arith.constant 16 : i32
      %mul3A_500 = arith.muli %add3A_498, %mul3A_499 : i32
      %get3A_501 = arith.index_cast %mul3A_500 : i32 to index
      %get3A_502 = tpu.vector_load %arg6[%get3A_501] {strides = array<i32>} : memref<6288xi32, #tpu.memory_space<vmem>>, vector<16xi32>,
      %sub3A_503 = vector.broadcast %mul3A_104 : i32 to vector<16xi32>
      %sub3A_504 = arith.subi %get3A_502, %sub3A_503 : vector<16xi32>
      tpu.vector_store_idx %arg9[%sub3A_504], %broadcast_in_dim3A_1 : memref<50176xf32, #tpu.memory_space<vmem>>[vector<16xi32>], vector<16xf32>,
      %mul3A_505 = arith.constant 4 : i32
      %mul3A_506 = arith.muli %scan3A_475, %mul3A_505 : i32
      %add3A_507 = arith.constant 3 : i32
      %add3A_508 = arith.addi %mul3A_506, %add3A_507 : i32
      %mul3A_509 = arith.constant 16 : i32
      %mul3A_510 = arith.muli %add3A_508, %mul3A_509 : i32
      %get3A_511 = arith.index_cast %mul3A_510 : i32 to index
      %get3A_512 = tpu.vector_load %arg6[%get3A_511] {strides = array<i32>} : memref<6288xi32, #tpu.memory_space<vmem>>, vector<16xi32>,
      %sub3A_513 = vector.broadcast %mul3A_104 : i32 to vector<16xi32>
      %sub3A_514 = arith.subi %get3A_512, %sub3A_513 : vector<16xi32>
      tpu.vector_store_idx %arg9[%sub3A_514], %broadcast_in_dim3A_1 : memref<50176xf32, #tpu.memory_space<vmem>>[vector<16xi32>], vector<16xf32>,
    }
    %scan3A_118 = arith.constant 98 : i32
    %mul3A_119 = arith.constant 6272 : i32
    %mul3A_120 = arith.muli %add3A_98, %mul3A_119 : i32
    "tpu.region"() ({
      %run_scoped3A = tpu.sem_alloc : memref<!tpu.dma_semaphore, #tpu.memory_space<semaphore_mem>>
      %dma_start3A_475 = arith.constant 0 : i32
      %dma_start3A_476 = tpu.memref_slice %arg6[%dma_start3A_475] : memref<6288xi32, #tpu.memory_space<vmem>> -> memref<6272xi32, #tpu.memory_space<vmem>>
      %dma_start3A_477 = tpu.memref_slice %arg2[%mul3A_120] : memref<2408448xi32, #tpu.memory_space<hbm>> -> memref<6272xi32, #tpu.memory_space<hbm>>
      %dma_start3A_478 = arith.constant 0 : i32
      %dma_start3A_479 = tpu.memref_slice %arg6[%dma_start3A_478] : memref<6288xi32, #tpu.memory_space<vmem>> -> memref<6272xi32, #tpu.memory_space<vmem>>
      %dma_start3A_480 = tpu.memref_slice %arg2[%mul3A_120] : memref<2408448xi32, #tpu.memory_space<hbm>> -> memref<6272xi32, #tpu.memory_space<hbm>>
      tpu.enqueue_dma source(%dma_start3A_480 : memref<6272xi32, #tpu.memory_space<hbm>>) target(%dma_start3A_479 : memref<6272xi32, #tpu.memory_space<vmem>>) target_semaphore(%run_scoped3A : memref<!tpu.dma_semaphore, #tpu.memory_space<semaphore_mem>>)
      %dma_wait3A_481 = arith.constant 0 : i32
      %dma_wait3A_482 = tpu.memref_slice %arg6[%dma_wait3A_481] : memref<6288xi32, #tpu.memory_space<vmem>> -> memref<6272xi32, #tpu.memory_space<vmem>>
      %dma_wait3A_483 = tpu.memref_slice %arg2[%mul3A_120] : memref<2408448xi32, #tpu.memory_space<hbm>> -> memref<6272xi32, #tpu.memory_space<hbm>>
      %dma_wait3A_484 = arith.constant 0 : i32
      %dma_wait3A_485 = tpu.memref_slice %arg6[%dma_wait3A_484] : memref<6288xi32, #tpu.memory_space<vmem>> -> memref<6272xi32, #tpu.memory_space<vmem>>
      %dma_wait3A_486 = tpu.memref_slice %arg2[%mul3A_120] : memref<2408448xi32, #tpu.memory_space<hbm>> -> memref<6272xi32, #tpu.memory_space<hbm>>
      tpu.wait_dma2 semaphore(%run_scoped3A : memref<!tpu.dma_semaphore, #tpu.memory_space<semaphore_mem>>) src(%dma_wait3A_486 : memref<6272xi32, #tpu.memory_space<hbm>>) dst(%dma_wait3A_485 : memref<6272xi32, #tpu.memory_space<vmem>>)
      tpu.yield
    }) : () -> ()
    %mul3A_121 = arith.constant 6272 : i32
    %mul3A_122 = arith.muli %add3A_98, %mul3A_121 : i32
    "tpu.region"() ({
      %run_scoped3A = tpu.sem_alloc : memref<!tpu.dma_semaphore, #tpu.memory_space<semaphore_mem>>
      %dma_start3A_475 = tpu.memref_slice %arg3[%mul3A_122] : memref<2408448xf32, #tpu.memory_space<hbm>> -> memref<6272xf32, #tpu.memory_space<hbm>>
      %dma_start3A_476 = tpu.memref_slice %arg3[%mul3A_122] : memref<2408448xf32, #tpu.memory_space<hbm>> -> memref<6272xf32, #tpu.memory_space<hbm>>
      tpu.enqueue_dma source(%dma_start3A_476 : memref<6272xf32, #tpu.memory_space<hbm>>) target(%arg7 : memref<6272xf32, #tpu.memory_space<vmem>>) target_semaphore(%run_scoped3A : memref<!tpu.dma_semaphore, #tpu.memory_space<semaphore_mem>>)
      %dma_wait3A_477 = tpu.memref_slice %arg3[%mul3A_122] : memref<2408448xf32, #tpu.memory_space<hbm>> -> memref<6272xf32, #tpu.memory_space<hbm>>
      %dma_wait3A_478 = tpu.memref_slice %arg3[%mul3A_122] : memref<2408448xf32, #tpu.memory_space<hbm>> -> memref<6272xf32, #tpu.memory_space<hbm>>
      tpu.wait_dma2 semaphore(%run_scoped3A : memref<!tpu.dma_semaphore, #tpu.memory_space<semaphore_mem>>) src(%dma_wait3A_478 : memref<6272xf32, #tpu.memory_space<hbm>>) dst(%arg7 : memref<6272xf32, #tpu.memory_space<vmem>>)
      tpu.yield
    }) : () -> ()
    %scan3A_123 = arith.constant 0 : i32
    %scan3A_124 = arith.constant 0 : i32
    %scan3A_125 = arith.constant 98 : i32
    %scan3A_126 = arith.addi %scan3A_124, %scan3A_125 : i32
    %scan3A_127 = arith.constant 1 : i32
    scf.for %scan3A_475 = %scan3A_124 to %scan3A_126 step %scan3A_127  : i32 {
      %mul3A_476 = arith.constant 4 : i32
      %mul3A_477 = arith.muli %scan3A_475, %mul3A_476 : i32
      %add3A_478 = arith.constant 0 : i32
      %add3A_479 = arith.addi %mul3A_477, %add3A_478 : i32
      %mul3A_480 = arith.constant 16 : i32
      %mul3A_481 = arith.muli %add3A_479, %mul3A_480 : i32
      %get3A = arith.index_cast %mul3A_481 : i32 to index
      %get3A_482 = tpu.vector_load %arg6[%get3A] {strides = array<i32>} : memref<6288xi32, #tpu.memory_space<vmem>>, vector<16xi32>,
      %add3A_483 = arith.constant 1 : i32
      %add3A_484 = arith.addi %mul3A_481, %add3A_483 : i32
      %get3A_485 = arith.index_cast %add3A_484 : i32 to index
      %get3A_486 = tpu.vector_load %arg6[%get3A_485] {strides = array<i32>} : memref<6288xi32, #tpu.memory_space<vmem>>, vector<16xi32>,
      %ne3A = arith.cmpi ne, %get3A_482, %get3A_486 : vector<16xi32>
      %sub3A_487 = vector.broadcast %mul3A_100 : i32 to vector<16xi32>
      %sub3A_488 = arith.subi %get3A_482, %sub3A_487 : vector<16xi32>
      %get3A_489 = arith.index_cast %mul3A_481 : i32 to index
      %get3A_490 = tpu.vector_load %arg7[%get3A_489] {strides = array<i32>} : memref<6272xf32, #tpu.memory_space<vmem>>, vector<16xf32>,
      tpu.vector_store_idx %arg9[%sub3A_488], %get3A_490 masked %ne3A : memref<50176xf32, #tpu.memory_space<vmem>>[vector<16xi32>], vector<16xf32>, vector<16xi1>
      %mul3A_491 = arith.constant 4 : i32
      %mul3A_492 = arith.muli %scan3A_475, %mul3A_491 : i32
      %add3A_493 = arith.constant 1 : i32
      %add3A_494 = arith.addi %mul3A_492, %add3A_493 : i32
      %mul3A_495 = arith.constant 16 : i32
      %mul3A_496 = arith.muli %add3A_494, %mul3A_495 : i32
      %get3A_497 = arith.index_cast %mul3A_496 : i32 to index
      %get3A_498 = tpu.vector_load %arg6[%get3A_497] {strides = array<i32>} : memref<6288xi32, #tpu.memory_space<vmem>>, vector<16xi32>,
      %add3A_499 = arith.constant 1 : i32
      %add3A_500 = arith.addi %mul3A_496, %add3A_499 : i32
      %get3A_501 = arith.index_cast %add3A_500 : i32 to index
      %get3A_502 = tpu.vector_load %arg6[%get3A_501] {strides = array<i32>} : memref<6288xi32, #tpu.memory_space<vmem>>, vector<16xi32>,
      %ne3A_503 = arith.cmpi ne, %get3A_498, %get3A_502 : vector<16xi32>
      %sub3A_504 = vector.broadcast %mul3A_100 : i32 to vector<16xi32>
      %sub3A_505 = arith.subi %get3A_498, %sub3A_504 : vector<16xi32>
      %get3A_506 = arith.index_cast %mul3A_496 : i32 to index
      %get3A_507 = tpu.vector_load %arg7[%get3A_506] {strides = array<i32>} : memref<6272xf32, #tpu.memory_space<vmem>>, vector<16xf32>,
      tpu.vector_store_idx %arg9[%sub3A_505], %get3A_507 masked %ne3A_503 : memref<50176xf32, #tpu.memory_space<vmem>>[vector<16xi32>], vector<16xf32>, vector<16xi1>
      %mul3A_508 = arith.constant 4 : i32
      %mul3A_509 = arith.muli %scan3A_475, %mul3A_508 : i32
      %add3A_510 = arith.constant 2 : i32
      %add3A_511 = arith.addi %mul3A_509, %add3A_510 : i32
      %mul3A_512 = arith.constant 16 : i32
      %mul3A_513 = arith.muli %add3A_511, %mul3A_512 : i32
      %get3A_514 = arith.index_cast %mul3A_513 : i32 to index
      %get3A_515 = tpu.vector_load %arg6[%get3A_514] {strides = array<i32>} : memref<6288xi32, #tpu.memory_space<vmem>>, vector<16xi32>,
      %add3A_516 = arith.constant 1 : i32
      %add3A_517 = arith.addi %mul3A_513, %add3A_516 : i32
      %get3A_518 = arith.index_cast %add3A_517 : i32 to index
      %get3A_519 = tpu.vector_load %arg6[%get3A_518] {strides = array<i32>} : memref<6288xi32, #tpu.memory_space<vmem>>, vector<16xi32>,
      %ne3A_520 = arith.cmpi ne, %get3A_515, %get3A_519 : vector<16xi32>
      %sub3A_521 = vector.broadcast %mul3A_100 : i32 to vector<16xi32>
      %sub3A_522 = arith.subi %get3A_515, %sub3A_521 : vector<16xi32>
      %get3A_523 = arith.index_cast %mul3A_513 : i32 to index
      %get3A_524 = tpu.vector_load %arg7[%get3A_523] {strides = array<i32>} : memref<6272xf32, #tpu.memory_space<vmem>>, vector<16xf32>,
      tpu.vector_store_idx %arg9[%sub3A_522], %get3A_524 masked %ne3A_520 : memref<50176xf32, #tpu.memory_space<vmem>>[vector<16xi32>], vector<16xf32>, vector<16xi1>
      %mul3A_525 = arith.constant 4 : i32
      %mul3A_526 = arith.muli %scan3A_475, %mul3A_525 : i32
      %add3A_527 = arith.constant 3 : i32
      %add3A_528 = arith.addi %mul3A_526, %add3A_527 : i32
      %mul3A_529 = arith.constant 16 : i32
      %mul3A_530 = arith.muli %add3A_528, %mul3A_529 : i32
      %get3A_531 = arith.index_cast %mul3A_530 : i32 to index
      %get3A_532 = tpu.vector_load %arg6[%get3A_531] {strides = array<i32>} : memref<6288xi32, #tpu.memory_space<vmem>>, vector<16xi32>,
      %add3A_533 = arith.constant 1 : i32
      %add3A_534 = arith.addi %mul3A_530, %add3A_533 : i32
      %get3A_535 = arith.index_cast %add3A_534 : i32 to index
      %get3A_536 = tpu.vector_load %arg6[%get3A_535] {strides = array<i32>} : memref<6288xi32, #tpu.memory_space<vmem>>, vector<16xi32>,
      %ne3A_537 = arith.cmpi ne, %get3A_532, %get3A_536 : vector<16xi32>
      %sub3A_538 = vector.broadcast %mul3A_100 : i32 to vector<16xi32>
      %sub3A_539 = arith.subi %get3A_532, %sub3A_538 : vector<16xi32>
      %get3A_540 = arith.index_cast %mul3A_530 : i32 to index
      %get3A_541 = tpu.vector_load %arg7[%get3A_540] {strides = array<i32>} : memref<6272xf32, #tpu.memory_space<vmem>>, vector<16xf32>,
      tpu.vector_store_idx %arg9[%sub3A_539], %get3A_541 masked %ne3A_537 : memref<50176xf32, #tpu.memory_space<vmem>>[vector<16xi32>], vector<16xf32>, vector<16xi1>
    }
    %scan3A_128 = arith.constant 98 : i32
    %dma_start3A_129 = arith.constant 0 : i32
    %dma_start3A_130 = tpu.memref_slice %arg4[%add3A_98, %dma_start3A_129] : memref<384x50176xf32, #tpu.memory_space<hbm>> -> memref<1x50176xf32, #tpu.memory_space<hbm>>
    %dma_start3A_131 = tpu.memref_squeeze %dma_start3A_130 : memref<1x50176xf32, #tpu.memory_space<hbm>> -> memref<50176xf32, #tpu.memory_space<hbm>>
    %dma_start3A_132 = arith.constant 0 : i32
    %dma_start3A_133 = tpu.memref_slice %arg4[%add3A_98, %dma_start3A_132] : memref<384x50176xf32, #tpu.memory_space<hbm>> -> memref<1x50176xf32, #tpu.memory_space<hbm>>
    %dma_start3A_134 = tpu.memref_squeeze %dma_start3A_133 : memref<1x50176xf32, #tpu.memory_space<hbm>> -> memref<50176xf32, #tpu.memory_space<hbm>>
    tpu.enqueue_dma source(%arg9 : memref<50176xf32, #tpu.memory_space<vmem>>) target(%dma_start3A_134 : memref<50176xf32, #tpu.memory_space<hbm>>) target_semaphore(%arg11 : memref<!tpu.dma_semaphore, #tpu.memory_space<semaphore_mem>>)
    %mul3A_135 = arith.constant 12 : i32
    %mul3A_136 = arith.muli %add3A, %mul3A_135 : i32
    %add3A_137 = arith.constant 4 : i32
    %add3A_138 = arith.addi %mul3A_136, %add3A_137 : i32
    %mul3A_139 = arith.constant 50176 : i32
    %mul3A_140 = arith.muli %add3A_138, %mul3A_139 : i32
    %sub3A_141 = arith.constant 2 : i32
    %sub3A_142 = arith.subi %add3A_138, %sub3A_141 : i32
    %mul3A_143 = arith.constant 50176 : i32
    %mul3A_144 = arith.muli %sub3A_142, %mul3A_143 : i32
    %sub3A_145 = arith.constant 2 : i32
    %sub3A_146 = arith.subi %add3A_138, %sub3A_145 : i32
    %dma_wait3A_147 = arith.constant 0 : i32
    %dma_wait3A_148 = tpu.memref_slice %arg4[%sub3A_146, %dma_wait3A_147] : memref<384x50176xf32, #tpu.memory_space<hbm>> -> memref<1x50176xf32, #tpu.memory_space<hbm>>
    %dma_wait3A_149 = tpu.memref_squeeze %dma_wait3A_148 : memref<1x50176xf32, #tpu.memory_space<hbm>> -> memref<50176xf32, #tpu.memory_space<hbm>>
    %dma_wait3A_150 = arith.constant 0 : i32
    %dma_wait3A_151 = tpu.memref_slice %arg4[%sub3A_146, %dma_wait3A_150] : memref<384x50176xf32, #tpu.memory_space<hbm>> -> memref<1x50176xf32, #tpu.memory_space<hbm>>
    %dma_wait3A_152 = tpu.memref_squeeze %dma_wait3A_151 : memref<1x50176xf32, #tpu.memory_space<hbm>> -> memref<50176xf32, #tpu.memory_space<hbm>>
    tpu.wait_dma2 semaphore(%arg10 : memref<!tpu.dma_semaphore, #tpu.memory_space<semaphore_mem>>) src(%arg8 : memref<50176xf32, #tpu.memory_space<vmem>>) dst(%dma_wait3A_152 : memref<50176xf32, #tpu.memory_space<hbm>>)
    %scan3A_153 = arith.constant 0 : i32
    %scan3A_154 = arith.constant 0 : i32
    %scan3A_155 = arith.constant 98 : i32
    %scan3A_156 = arith.addi %scan3A_154, %scan3A_155 : i32
    %scan3A_157 = arith.constant 1 : i32
    scf.for %scan3A_475 = %scan3A_154 to %scan3A_156 step %scan3A_157  : i32 {
      %mul3A_476 = arith.constant 4 : i32
      %mul3A_477 = arith.muli %scan3A_475, %mul3A_476 : i32
      %add3A_478 = arith.constant 0 : i32
      %add3A_479 = arith.addi %mul3A_477, %add3A_478 : i32
      %mul3A_480 = arith.constant 16 : i32
      %mul3A_481 = arith.muli %add3A_479, %mul3A_480 : i32
      %get3A = arith.index_cast %mul3A_481 : i32 to index
      %get3A_482 = tpu.vector_load %arg5[%get3A] {strides = array<i32>} : memref<6288xi32, #tpu.memory_space<vmem>>, vector<16xi32>,
      %sub3A_483 = vector.broadcast %mul3A_144 : i32 to vector<16xi32>
      %sub3A_484 = arith.subi %get3A_482, %sub3A_483 : vector<16xi32>
      tpu.vector_store_idx %arg8[%sub3A_484], %broadcast_in_dim3A_1 : memref<50176xf32, #tpu.memory_space<vmem>>[vector<16xi32>], vector<16xf32>,
      %mul3A_485 = arith.constant 4 : i32
      %mul3A_486 = arith.muli %scan3A_475, %mul3A_485 : i32
      %add3A_487 = arith.constant 1 : i32
      %add3A_488 = arith.addi %mul3A_486, %add3A_487 : i32
      %mul3A_489 = arith.constant 16 : i32
      %mul3A_490 = arith.muli %add3A_488, %mul3A_489 : i32
      %get3A_491 = arith.index_cast %mul3A_490 : i32 to index
      %get3A_492 = tpu.vector_load %arg5[%get3A_491] {strides = array<i32>} : memref<6288xi32, #tpu.memory_space<vmem>>, vector<16xi32>,
      %sub3A_493 = vector.broadcast %mul3A_144 : i32 to vector<16xi32>
      %sub3A_494 = arith.subi %get3A_492, %sub3A_493 : vector<16xi32>
      tpu.vector_store_idx %arg8[%sub3A_494], %broadcast_in_dim3A_1 : memref<50176xf32, #tpu.memory_space<vmem>>[vector<16xi32>], vector<16xf32>,
      %mul3A_495 = arith.constant 4 : i32
      %mul3A_496 = arith.muli %scan3A_475, %mul3A_495 : i32
      %add3A_497 = arith.constant 2 : i32
      %add3A_498 = arith.addi %mul3A_496, %add3A_497 : i32
      %mul3A_499 = arith.constant 16 : i32
      %mul3A_500 = arith.muli %add3A_498, %mul3A_499 : i32
      %get3A_501 = arith.index_cast %mul3A_500 : i32 to index
      %get3A_502 = tpu.vector_load %arg5[%get3A_501] {strides = array<i32>} : memref<6288xi32, #tpu.memory_space<vmem>>, vector<16xi32>,
      %sub3A_503 = vector.broadcast %mul3A_144 : i32 to vector<16xi32>
      %sub3A_504 = arith.subi %get3A_502, %sub3A_503 : vector<16xi32>
      tpu.vector_store_idx %arg8[%sub3A_504], %broadcast_in_dim3A_1 : memref<50176xf32, #tpu.memory_space<vmem>>[vector<16xi32>], vector<16xf32>,
      %mul3A_505 = arith.constant 4 : i32
      %mul3A_506 = arith.muli %scan3A_475, %mul3A_505 : i32
      %add3A_507 = arith.constant 3 : i32
      %add3A_508 = arith.addi %mul3A_506, %add3A_507 : i32
      %mul3A_509 = arith.constant 16 : i32
      %mul3A_510 = arith.muli %add3A_508, %mul3A_509 : i32
      %get3A_511 = arith.index_cast %mul3A_510 : i32 to index
      %get3A_512 = tpu.vector_load %arg5[%get3A_511] {strides = array<i32>} : memref<6288xi32, #tpu.memory_space<vmem>>, vector<16xi32>,
      %sub3A_513 = vector.broadcast %mul3A_144 : i32 to vector<16xi32>
      %sub3A_514 = arith.subi %get3A_512, %sub3A_513 : vector<16xi32>
      tpu.vector_store_idx %arg8[%sub3A_514], %broadcast_in_dim3A_1 : memref<50176xf32, #tpu.memory_space<vmem>>[vector<16xi32>], vector<16xf32>,
    }
    %scan3A_158 = arith.constant 98 : i32
    %mul3A_159 = arith.constant 6272 : i32
    %mul3A_160 = arith.muli %add3A_138, %mul3A_159 : i32
    "tpu.region"() ({
      %run_scoped3A = tpu.sem_alloc : memref<!tpu.dma_semaphore, #tpu.memory_space<semaphore_mem>>
      %dma_start3A_475 = arith.constant 0 : i32
      %dma_start3A_476 = tpu.memref_slice %arg5[%dma_start3A_475] : memref<6288xi32, #tpu.memory_space<vmem>> -> memref<6272xi32, #tpu.memory_space<vmem>>
      %dma_start3A_477 = tpu.memref_slice %arg2[%mul3A_160] : memref<2408448xi32, #tpu.memory_space<hbm>> -> memref<6272xi32, #tpu.memory_space<hbm>>
      %dma_start3A_478 = arith.constant 0 : i32
      %dma_start3A_479 = tpu.memref_slice %arg5[%dma_start3A_478] : memref<6288xi32, #tpu.memory_space<vmem>> -> memref<6272xi32, #tpu.memory_space<vmem>>
      %dma_start3A_480 = tpu.memref_slice %arg2[%mul3A_160] : memref<2408448xi32, #tpu.memory_space<hbm>> -> memref<6272xi32, #tpu.memory_space<hbm>>
      tpu.enqueue_dma source(%dma_start3A_480 : memref<6272xi32, #tpu.memory_space<hbm>>) target(%dma_start3A_479 : memref<6272xi32, #tpu.memory_space<vmem>>) target_semaphore(%run_scoped3A : memref<!tpu.dma_semaphore, #tpu.memory_space<semaphore_mem>>)
      %dma_wait3A_481 = arith.constant 0 : i32
      %dma_wait3A_482 = tpu.memref_slice %arg5[%dma_wait3A_481] : memref<6288xi32, #tpu.memory_space<vmem>> -> memref<6272xi32, #tpu.memory_space<vmem>>
      %dma_wait3A_483 = tpu.memref_slice %arg2[%mul3A_160] : memref<2408448xi32, #tpu.memory_space<hbm>> -> memref<6272xi32, #tpu.memory_space<hbm>>
      %dma_wait3A_484 = arith.constant 0 : i32
      %dma_wait3A_485 = tpu.memref_slice %arg5[%dma_wait3A_484] : memref<6288xi32, #tpu.memory_space<vmem>> -> memref<6272xi32, #tpu.memory_space<vmem>>
      %dma_wait3A_486 = tpu.memref_slice %arg2[%mul3A_160] : memref<2408448xi32, #tpu.memory_space<hbm>> -> memref<6272xi32, #tpu.memory_space<hbm>>
      tpu.wait_dma2 semaphore(%run_scoped3A : memref<!tpu.dma_semaphore, #tpu.memory_space<semaphore_mem>>) src(%dma_wait3A_486 : memref<6272xi32, #tpu.memory_space<hbm>>) dst(%dma_wait3A_485 : memref<6272xi32, #tpu.memory_space<vmem>>)
      tpu.yield
    }) : () -> ()
    %mul3A_161 = arith.constant 6272 : i32
    %mul3A_162 = arith.muli %add3A_138, %mul3A_161 : i32
    "tpu.region"() ({
      %run_scoped3A = tpu.sem_alloc : memref<!tpu.dma_semaphore, #tpu.memory_space<semaphore_mem>>
      %dma_start3A_475 = tpu.memref_slice %arg3[%mul3A_162] : memref<2408448xf32, #tpu.memory_space<hbm>> -> memref<6272xf32, #tpu.memory_space<hbm>>
      %dma_start3A_476 = tpu.memref_slice %arg3[%mul3A_162] : memref<2408448xf32, #tpu.memory_space<hbm>> -> memref<6272xf32, #tpu.memory_space<hbm>>
      tpu.enqueue_dma source(%dma_start3A_476 : memref<6272xf32, #tpu.memory_space<hbm>>) target(%arg7 : memref<6272xf32, #tpu.memory_space<vmem>>) target_semaphore(%run_scoped3A : memref<!tpu.dma_semaphore, #tpu.memory_space<semaphore_mem>>)
      %dma_wait3A_477 = tpu.memref_slice %arg3[%mul3A_162] : memref<2408448xf32, #tpu.memory_space<hbm>> -> memref<6272xf32, #tpu.memory_space<hbm>>
      %dma_wait3A_478 = tpu.memref_slice %arg3[%mul3A_162] : memref<2408448xf32, #tpu.memory_space<hbm>> -> memref<6272xf32, #tpu.memory_space<hbm>>
      tpu.wait_dma2 semaphore(%run_scoped3A : memref<!tpu.dma_semaphore, #tpu.memory_space<semaphore_mem>>) src(%dma_wait3A_478 : memref<6272xf32, #tpu.memory_space<hbm>>) dst(%arg7 : memref<6272xf32, #tpu.memory_space<vmem>>)
      tpu.yield
    }) : () -> ()
    %scan3A_163 = arith.constant 0 : i32
    %scan3A_164 = arith.constant 0 : i32
    %scan3A_165 = arith.constant 98 : i32
    %scan3A_166 = arith.addi %scan3A_164, %scan3A_165 : i32
    %scan3A_167 = arith.constant 1 : i32
    scf.for %scan3A_475 = %scan3A_164 to %scan3A_166 step %scan3A_167  : i32 {
      %mul3A_476 = arith.constant 4 : i32
      %mul3A_477 = arith.muli %scan3A_475, %mul3A_476 : i32
      %add3A_478 = arith.constant 0 : i32
      %add3A_479 = arith.addi %mul3A_477, %add3A_478 : i32
      %mul3A_480 = arith.constant 16 : i32
      %mul3A_481 = arith.muli %add3A_479, %mul3A_480 : i32
      %get3A = arith.index_cast %mul3A_481 : i32 to index
      %get3A_482 = tpu.vector_load %arg5[%get3A] {strides = array<i32>} : memref<6288xi32, #tpu.memory_space<vmem>>, vector<16xi32>,
      %add3A_483 = arith.constant 1 : i32
      %add3A_484 = arith.addi %mul3A_481, %add3A_483 : i32
      %get3A_485 = arith.index_cast %add3A_484 : i32 to index
      %get3A_486 = tpu.vector_load %arg5[%get3A_485] {strides = array<i32>} : memref<6288xi32, #tpu.memory_space<vmem>>, vector<16xi32>,
      %ne3A = arith.cmpi ne, %get3A_482, %get3A_486 : vector<16xi32>
      %sub3A_487 = vector.broadcast %mul3A_140 : i32 to vector<16xi32>
      %sub3A_488 = arith.subi %get3A_482, %sub3A_487 : vector<16xi32>
      %get3A_489 = arith.index_cast %mul3A_481 : i32 to index
      %get3A_490 = tpu.vector_load %arg7[%get3A_489] {strides = array<i32>} : memref<6272xf32, #tpu.memory_space<vmem>>, vector<16xf32>,
      tpu.vector_store_idx %arg8[%sub3A_488], %get3A_490 masked %ne3A : memref<50176xf32, #tpu.memory_space<vmem>>[vector<16xi32>], vector<16xf32>, vector<16xi1>
      %mul3A_491 = arith.constant 4 : i32
      %mul3A_492 = arith.muli %scan3A_475, %mul3A_491 : i32
      %add3A_493 = arith.constant 1 : i32
      %add3A_494 = arith.addi %mul3A_492, %add3A_493 : i32
      %mul3A_495 = arith.constant 16 : i32
      %mul3A_496 = arith.muli %add3A_494, %mul3A_495 : i32
      %get3A_497 = arith.index_cast %mul3A_496 : i32 to index
      %get3A_498 = tpu.vector_load %arg5[%get3A_497] {strides = array<i32>} : memref<6288xi32, #tpu.memory_space<vmem>>, vector<16xi32>,
      %add3A_499 = arith.constant 1 : i32
      %add3A_500 = arith.addi %mul3A_496, %add3A_499 : i32
      %get3A_501 = arith.index_cast %add3A_500 : i32 to index
      %get3A_502 = tpu.vector_load %arg5[%get3A_501] {strides = array<i32>} : memref<6288xi32, #tpu.memory_space<vmem>>, vector<16xi32>,
      %ne3A_503 = arith.cmpi ne, %get3A_498, %get3A_502 : vector<16xi32>
      %sub3A_504 = vector.broadcast %mul3A_140 : i32 to vector<16xi32>
      %sub3A_505 = arith.subi %get3A_498, %sub3A_504 : vector<16xi32>
      %get3A_506 = arith.index_cast %mul3A_496 : i32 to index
      %get3A_507 = tpu.vector_load %arg7[%get3A_506] {strides = array<i32>} : memref<6272xf32, #tpu.memory_space<vmem>>, vector<16xf32>,
      tpu.vector_store_idx %arg8[%sub3A_505], %get3A_507 masked %ne3A_503 : memref<50176xf32, #tpu.memory_space<vmem>>[vector<16xi32>], vector<16xf32>, vector<16xi1>
      %mul3A_508 = arith.constant 4 : i32
      %mul3A_509 = arith.muli %scan3A_475, %mul3A_508 : i32
      %add3A_510 = arith.constant 2 : i32
      %add3A_511 = arith.addi %mul3A_509, %add3A_510 : i32
      %mul3A_512 = arith.constant 16 : i32
      %mul3A_513 = arith.muli %add3A_511, %mul3A_512 : i32
      %get3A_514 = arith.index_cast %mul3A_513 : i32 to index
      %get3A_515 = tpu.vector_load %arg5[%get3A_514] {strides = array<i32>} : memref<6288xi32, #tpu.memory_space<vmem>>, vector<16xi32>,
      %add3A_516 = arith.constant 1 : i32
      %add3A_517 = arith.addi %mul3A_513, %add3A_516 : i32
      %get3A_518 = arith.index_cast %add3A_517 : i32 to index
      %get3A_519 = tpu.vector_load %arg5[%get3A_518] {strides = array<i32>} : memref<6288xi32, #tpu.memory_space<vmem>>, vector<16xi32>,
      %ne3A_520 = arith.cmpi ne, %get3A_515, %get3A_519 : vector<16xi32>
      %sub3A_521 = vector.broadcast %mul3A_140 : i32 to vector<16xi32>
      %sub3A_522 = arith.subi %get3A_515, %sub3A_521 : vector<16xi32>
      %get3A_523 = arith.index_cast %mul3A_513 : i32 to index
      %get3A_524 = tpu.vector_load %arg7[%get3A_523] {strides = array<i32>} : memref<6272xf32, #tpu.memory_space<vmem>>, vector<16xf32>,
      tpu.vector_store_idx %arg8[%sub3A_522], %get3A_524 masked %ne3A_520 : memref<50176xf32, #tpu.memory_space<vmem>>[vector<16xi32>], vector<16xf32>, vector<16xi1>
      %mul3A_525 = arith.constant 4 : i32
      %mul3A_526 = arith.muli %scan3A_475, %mul3A_525 : i32
      %add3A_527 = arith.constant 3 : i32
      %add3A_528 = arith.addi %mul3A_526, %add3A_527 : i32
      %mul3A_529 = arith.constant 16 : i32
      %mul3A_530 = arith.muli %add3A_528, %mul3A_529 : i32
      %get3A_531 = arith.index_cast %mul3A_530 : i32 to index
      %get3A_532 = tpu.vector_load %arg5[%get3A_531] {strides = array<i32>} : memref<6288xi32, #tpu.memory_space<vmem>>, vector<16xi32>,
      %add3A_533 = arith.constant 1 : i32
      %add3A_534 = arith.addi %mul3A_530, %add3A_533 : i32
      %get3A_535 = arith.index_cast %add3A_534 : i32 to index
      %get3A_536 = tpu.vector_load %arg5[%get3A_535] {strides = array<i32>} : memref<6288xi32, #tpu.memory_space<vmem>>, vector<16xi32>,
      %ne3A_537 = arith.cmpi ne, %get3A_532, %get3A_536 : vector<16xi32>
      %sub3A_538 = vector.broadcast %mul3A_140 : i32 to vector<16xi32>
      %sub3A_539 = arith.subi %get3A_532, %sub3A_538 : vector<16xi32>
      %get3A_540 = arith.index_cast %mul3A_530 : i32 to index
      %get3A_541 = tpu.vector_load %arg7[%get3A_540] {strides = array<i32>} : memref<6272xf32, #tpu.memory_space<vmem>>, vector<16xf32>,
      tpu.vector_store_idx %arg8[%sub3A_539], %get3A_541 masked %ne3A_537 : memref<50176xf32, #tpu.memory_space<vmem>>[vector<16xi32>], vector<16xf32>, vector<16xi1>
    }
    %scan3A_168 = arith.constant 98 : i32
    %dma_start3A_169 = arith.constant 0 : i32
    %dma_start3A_170 = tpu.memref_slice %arg4[%add3A_138, %dma_start3A_169] : memref<384x50176xf32, #tpu.memory_space<hbm>> -> memref<1x50176xf32, #tpu.memory_space<hbm>>
    %dma_start3A_171 = tpu.memref_squeeze %dma_start3A_170 : memref<1x50176xf32, #tpu.memory_space<hbm>> -> memref<50176xf32, #tpu.memory_space<hbm>>
    %dma_start3A_172 = arith.constant 0 : i32
    %dma_start3A_173 = tpu.memref_slice %arg4[%add3A_138, %dma_start3A_172] : memref<384x50176xf32, #tpu.memory_space<hbm>> -> memref<1x50176xf32, #tpu.memory_space<hbm>>
    %dma_start3A_174 = tpu.memref_squeeze %dma_start3A_173 : memref<1x50176xf32, #tpu.memory_space<hbm>> -> memref<50176xf32, #tpu.memory_space<hbm>>
    tpu.enqueue_dma source(%arg8 : memref<50176xf32, #tpu.memory_space<vmem>>) target(%dma_start3A_174 : memref<50176xf32, #tpu.memory_space<hbm>>) target_semaphore(%arg10 : memref<!tpu.dma_semaphore, #tpu.memory_space<semaphore_mem>>)
    %mul3A_175 = arith.constant 12 : i32
    %mul3A_176 = arith.muli %add3A, %mul3A_175 : i32
    %add3A_177 = arith.constant 5 : i32
    %add3A_178 = arith.addi %mul3A_176, %add3A_177 : i32
    %mul3A_179 = arith.constant 50176 : i32
    %mul3A_180 = arith.muli %add3A_178, %mul3A_179 : i32
    %sub3A_181 = arith.constant 2 : i32
    %sub3A_182 = arith.subi %add3A_178, %sub3A_181 : i32
    %mul3A_183 = arith.constant 50176 : i32
    %mul3A_184 = arith.muli %sub3A_182, %mul3A_183 : i32
    %sub3A_185 = arith.constant 2 : i32
    %sub3A_186 = arith.subi %add3A_178, %sub3A_185 : i32
    %dma_wait3A_187 = arith.constant 0 : i32
    %dma_wait3A_188 = tpu.memref_slice %arg4[%sub3A_186, %dma_wait3A_187] : memref<384x50176xf32, #tpu.memory_space<hbm>> -> memref<1x50176xf32, #tpu.memory_space<hbm>>
    %dma_wait3A_189 = tpu.memref_squeeze %dma_wait3A_188 : memref<1x50176xf32, #tpu.memory_space<hbm>> -> memref<50176xf32, #tpu.memory_space<hbm>>
    %dma_wait3A_190 = arith.constant 0 : i32
    %dma_wait3A_191 = tpu.memref_slice %arg4[%sub3A_186, %dma_wait3A_190] : memref<384x50176xf32, #tpu.memory_space<hbm>> -> memref<1x50176xf32, #tpu.memory_space<hbm>>
    %dma_wait3A_192 = tpu.memref_squeeze %dma_wait3A_191 : memref<1x50176xf32, #tpu.memory_space<hbm>> -> memref<50176xf32, #tpu.memory_space<hbm>>
    tpu.wait_dma2 semaphore(%arg11 : memref<!tpu.dma_semaphore, #tpu.memory_space<semaphore_mem>>) src(%arg9 : memref<50176xf32, #tpu.memory_space<vmem>>) dst(%dma_wait3A_192 : memref<50176xf32, #tpu.memory_space<hbm>>)
    %scan3A_193 = arith.constant 0 : i32
    %scan3A_194 = arith.constant 0 : i32
    %scan3A_195 = arith.constant 98 : i32
    %scan3A_196 = arith.addi %scan3A_194, %scan3A_195 : i32
    %scan3A_197 = arith.constant 1 : i32
    scf.for %scan3A_475 = %scan3A_194 to %scan3A_196 step %scan3A_197  : i32 {
      %mul3A_476 = arith.constant 4 : i32
      %mul3A_477 = arith.muli %scan3A_475, %mul3A_476 : i32
      %add3A_478 = arith.constant 0 : i32
      %add3A_479 = arith.addi %mul3A_477, %add3A_478 : i32
      %mul3A_480 = arith.constant 16 : i32
      %mul3A_481 = arith.muli %add3A_479, %mul3A_480 : i32
      %get3A = arith.index_cast %mul3A_481 : i32 to index
      %get3A_482 = tpu.vector_load %arg6[%get3A] {strides = array<i32>} : memref<6288xi32, #tpu.memory_space<vmem>>, vector<16xi32>,
      %sub3A_483 = vector.broadcast %mul3A_184 : i32 to vector<16xi32>
      %sub3A_484 = arith.subi %get3A_482, %sub3A_483 : vector<16xi32>
      tpu.vector_store_idx %arg9[%sub3A_484], %broadcast_in_dim3A_1 : memref<50176xf32, #tpu.memory_space<vmem>>[vector<16xi32>], vector<16xf32>,
      %mul3A_485 = arith.constant 4 : i32
      %mul3A_486 = arith.muli %scan3A_475, %mul3A_485 : i32
      %add3A_487 = arith.constant 1 : i32
      %add3A_488 = arith.addi %mul3A_486, %add3A_487 : i32
      %mul3A_489 = arith.constant 16 : i32
      %mul3A_490 = arith.muli %add3A_488, %mul3A_489 : i32
      %get3A_491 = arith.index_cast %mul3A_490 : i32 to index
      %get3A_492 = tpu.vector_load %arg6[%get3A_491] {strides = array<i32>} : memref<6288xi32, #tpu.memory_space<vmem>>, vector<16xi32>,
      %sub3A_493 = vector.broadcast %mul3A_184 : i32 to vector<16xi32>
      %sub3A_494 = arith.subi %get3A_492, %sub3A_493 : vector<16xi32>
      tpu.vector_store_idx %arg9[%sub3A_494], %broadcast_in_dim3A_1 : memref<50176xf32, #tpu.memory_space<vmem>>[vector<16xi32>], vector<16xf32>,
      %mul3A_495 = arith.constant 4 : i32
      %mul3A_496 = arith.muli %scan3A_475, %mul3A_495 : i32
      %add3A_497 = arith.constant 2 : i32
      %add3A_498 = arith.addi %mul3A_496, %add3A_497 : i32
      %mul3A_499 = arith.constant 16 : i32
      %mul3A_500 = arith.muli %add3A_498, %mul3A_499 : i32
      %get3A_501 = arith.index_cast %mul3A_500 : i32 to index
      %get3A_502 = tpu.vector_load %arg6[%get3A_501] {strides = array<i32>} : memref<6288xi32, #tpu.memory_space<vmem>>, vector<16xi32>,
      %sub3A_503 = vector.broadcast %mul3A_184 : i32 to vector<16xi32>
      %sub3A_504 = arith.subi %get3A_502, %sub3A_503 : vector<16xi32>
      tpu.vector_store_idx %arg9[%sub3A_504], %broadcast_in_dim3A_1 : memref<50176xf32, #tpu.memory_space<vmem>>[vector<16xi32>], vector<16xf32>,
      %mul3A_505 = arith.constant 4 : i32
      %mul3A_506 = arith.muli %scan3A_475, %mul3A_505 : i32
      %add3A_507 = arith.constant 3 : i32
      %add3A_508 = arith.addi %mul3A_506, %add3A_507 : i32
      %mul3A_509 = arith.constant 16 : i32
      %mul3A_510 = arith.muli %add3A_508, %mul3A_509 : i32
      %get3A_511 = arith.index_cast %mul3A_510 : i32 to index
      %get3A_512 = tpu.vector_load %arg6[%get3A_511] {strides = array<i32>} : memref<6288xi32, #tpu.memory_space<vmem>>, vector<16xi32>,
      %sub3A_513 = vector.broadcast %mul3A_184 : i32 to vector<16xi32>
      %sub3A_514 = arith.subi %get3A_512, %sub3A_513 : vector<16xi32>
      tpu.vector_store_idx %arg9[%sub3A_514], %broadcast_in_dim3A_1 : memref<50176xf32, #tpu.memory_space<vmem>>[vector<16xi32>], vector<16xf32>,
    }
    %scan3A_198 = arith.constant 98 : i32
    %mul3A_199 = arith.constant 6272 : i32
    %mul3A_200 = arith.muli %add3A_178, %mul3A_199 : i32
    "tpu.region"() ({
      %run_scoped3A = tpu.sem_alloc : memref<!tpu.dma_semaphore, #tpu.memory_space<semaphore_mem>>
      %dma_start3A_475 = arith.constant 0 : i32
      %dma_start3A_476 = tpu.memref_slice %arg6[%dma_start3A_475] : memref<6288xi32, #tpu.memory_space<vmem>> -> memref<6272xi32, #tpu.memory_space<vmem>>
      %dma_start3A_477 = tpu.memref_slice %arg2[%mul3A_200] : memref<2408448xi32, #tpu.memory_space<hbm>> -> memref<6272xi32, #tpu.memory_space<hbm>>
      %dma_start3A_478 = arith.constant 0 : i32
      %dma_start3A_479 = tpu.memref_slice %arg6[%dma_start3A_478] : memref<6288xi32, #tpu.memory_space<vmem>> -> memref<6272xi32, #tpu.memory_space<vmem>>
      %dma_start3A_480 = tpu.memref_slice %arg2[%mul3A_200] : memref<2408448xi32, #tpu.memory_space<hbm>> -> memref<6272xi32, #tpu.memory_space<hbm>>
      tpu.enqueue_dma source(%dma_start3A_480 : memref<6272xi32, #tpu.memory_space<hbm>>) target(%dma_start3A_479 : memref<6272xi32, #tpu.memory_space<vmem>>) target_semaphore(%run_scoped3A : memref<!tpu.dma_semaphore, #tpu.memory_space<semaphore_mem>>)
      %dma_wait3A_481 = arith.constant 0 : i32
      %dma_wait3A_482 = tpu.memref_slice %arg6[%dma_wait3A_481] : memref<6288xi32, #tpu.memory_space<vmem>> -> memref<6272xi32, #tpu.memory_space<vmem>>
      %dma_wait3A_483 = tpu.memref_slice %arg2[%mul3A_200] : memref<2408448xi32, #tpu.memory_space<hbm>> -> memref<6272xi32, #tpu.memory_space<hbm>>
      %dma_wait3A_484 = arith.constant 0 : i32
      %dma_wait3A_485 = tpu.memref_slice %arg6[%dma_wait3A_484] : memref<6288xi32, #tpu.memory_space<vmem>> -> memref<6272xi32, #tpu.memory_space<vmem>>
      %dma_wait3A_486 = tpu.memref_slice %arg2[%mul3A_200] : memref<2408448xi32, #tpu.memory_space<hbm>> -> memref<6272xi32, #tpu.memory_space<hbm>>
      tpu.wait_dma2 semaphore(%run_scoped3A : memref<!tpu.dma_semaphore, #tpu.memory_space<semaphore_mem>>) src(%dma_wait3A_486 : memref<6272xi32, #tpu.memory_space<hbm>>) dst(%dma_wait3A_485 : memref<6272xi32, #tpu.memory_space<vmem>>)
      tpu.yield
    }) : () -> ()
    %mul3A_201 = arith.constant 6272 : i32
    %mul3A_202 = arith.muli %add3A_178, %mul3A_201 : i32
    "tpu.region"() ({
      %run_scoped3A = tpu.sem_alloc : memref<!tpu.dma_semaphore, #tpu.memory_space<semaphore_mem>>
      %dma_start3A_475 = tpu.memref_slice %arg3[%mul3A_202] : memref<2408448xf32, #tpu.memory_space<hbm>> -> memref<6272xf32, #tpu.memory_space<hbm>>
      %dma_start3A_476 = tpu.memref_slice %arg3[%mul3A_202] : memref<2408448xf32, #tpu.memory_space<hbm>> -> memref<6272xf32, #tpu.memory_space<hbm>>
      tpu.enqueue_dma source(%dma_start3A_476 : memref<6272xf32, #tpu.memory_space<hbm>>) target(%arg7 : memref<6272xf32, #tpu.memory_space<vmem>>) target_semaphore(%run_scoped3A : memref<!tpu.dma_semaphore, #tpu.memory_space<semaphore_mem>>)
      %dma_wait3A_477 = tpu.memref_slice %arg3[%mul3A_202] : memref<2408448xf32, #tpu.memory_space<hbm>> -> memref<6272xf32, #tpu.memory_space<hbm>>
      %dma_wait3A_478 = tpu.memref_slice %arg3[%mul3A_202] : memref<2408448xf32, #tpu.memory_space<hbm>> -> memref<6272xf32, #tpu.memory_space<hbm>>
      tpu.wait_dma2 semaphore(%run_scoped3A : memref<!tpu.dma_semaphore, #tpu.memory_space<semaphore_mem>>) src(%dma_wait3A_478 : memref<6272xf32, #tpu.memory_space<hbm>>) dst(%arg7 : memref<6272xf32, #tpu.memory_space<vmem>>)
      tpu.yield
    }) : () -> ()
    %scan3A_203 = arith.constant 0 : i32
    %scan3A_204 = arith.constant 0 : i32
    %scan3A_205 = arith.constant 98 : i32
    %scan3A_206 = arith.addi %scan3A_204, %scan3A_205 : i32
    %scan3A_207 = arith.constant 1 : i32
    scf.for %scan3A_475 = %scan3A_204 to %scan3A_206 step %scan3A_207  : i32 {
      %mul3A_476 = arith.constant 4 : i32
      %mul3A_477 = arith.muli %scan3A_475, %mul3A_476 : i32
      %add3A_478 = arith.constant 0 : i32
      %add3A_479 = arith.addi %mul3A_477, %add3A_478 : i32
      %mul3A_480 = arith.constant 16 : i32
      %mul3A_481 = arith.muli %add3A_479, %mul3A_480 : i32
      %get3A = arith.index_cast %mul3A_481 : i32 to index
      %get3A_482 = tpu.vector_load %arg6[%get3A] {strides = array<i32>} : memref<6288xi32, #tpu.memory_space<vmem>>, vector<16xi32>,
      %add3A_483 = arith.constant 1 : i32
      %add3A_484 = arith.addi %mul3A_481, %add3A_483 : i32
      %get3A_485 = arith.index_cast %add3A_484 : i32 to index
      %get3A_486 = tpu.vector_load %arg6[%get3A_485] {strides = array<i32>} : memref<6288xi32, #tpu.memory_space<vmem>>, vector<16xi32>,
      %ne3A = arith.cmpi ne, %get3A_482, %get3A_486 : vector<16xi32>
      %sub3A_487 = vector.broadcast %mul3A_180 : i32 to vector<16xi32>
      %sub3A_488 = arith.subi %get3A_482, %sub3A_487 : vector<16xi32>
      %get3A_489 = arith.index_cast %mul3A_481 : i32 to index
      %get3A_490 = tpu.vector_load %arg7[%get3A_489] {strides = array<i32>} : memref<6272xf32, #tpu.memory_space<vmem>>, vector<16xf32>,
      tpu.vector_store_idx %arg9[%sub3A_488], %get3A_490 masked %ne3A : memref<50176xf32, #tpu.memory_space<vmem>>[vector<16xi32>], vector<16xf32>, vector<16xi1>
      %mul3A_491 = arith.constant 4 : i32
      %mul3A_492 = arith.muli %scan3A_475, %mul3A_491 : i32
      %add3A_493 = arith.constant 1 : i32
      %add3A_494 = arith.addi %mul3A_492, %add3A_493 : i32
      %mul3A_495 = arith.constant 16 : i32
      %mul3A_496 = arith.muli %add3A_494, %mul3A_495 : i32
      %get3A_497 = arith.index_cast %mul3A_496 : i32 to index
      %get3A_498 = tpu.vector_load %arg6[%get3A_497] {strides = array<i32>} : memref<6288xi32, #tpu.memory_space<vmem>>, vector<16xi32>,
      %add3A_499 = arith.constant 1 : i32
      %add3A_500 = arith.addi %mul3A_496, %add3A_499 : i32
      %get3A_501 = arith.index_cast %add3A_500 : i32 to index
      %get3A_502 = tpu.vector_load %arg6[%get3A_501] {strides = array<i32>} : memref<6288xi32, #tpu.memory_space<vmem>>, vector<16xi32>,
      %ne3A_503 = arith.cmpi ne, %get3A_498, %get3A_502 : vector<16xi32>
      %sub3A_504 = vector.broadcast %mul3A_180 : i32 to vector<16xi32>
      %sub3A_505 = arith.subi %get3A_498, %sub3A_504 : vector<16xi32>
      %get3A_506 = arith.index_cast %mul3A_496 : i32 to index
      %get3A_507 = tpu.vector_load %arg7[%get3A_506] {strides = array<i32>} : memref<6272xf32, #tpu.memory_space<vmem>>, vector<16xf32>,
      tpu.vector_store_idx %arg9[%sub3A_505], %get3A_507 masked %ne3A_503 : memref<50176xf32, #tpu.memory_space<vmem>>[vector<16xi32>], vector<16xf32>, vector<16xi1>
      %mul3A_508 = arith.constant 4 : i32
      %mul3A_509 = arith.muli %scan3A_475, %mul3A_508 : i32
      %add3A_510 = arith.constant 2 : i32
      %add3A_511 = arith.addi %mul3A_509, %add3A_510 : i32
      %mul3A_512 = arith.constant 16 : i32
      %mul3A_513 = arith.muli %add3A_511, %mul3A_512 : i32
      %get3A_514 = arith.index_cast %mul3A_513 : i32 to index
      %get3A_515 = tpu.vector_load %arg6[%get3A_514] {strides = array<i32>} : memref<6288xi32, #tpu.memory_space<vmem>>, vector<16xi32>,
      %add3A_516 = arith.constant 1 : i32
      %add3A_517 = arith.addi %mul3A_513, %add3A_516 : i32
      %get3A_518 = arith.index_cast %add3A_517 : i32 to index
      %get3A_519 = tpu.vector_load %arg6[%get3A_518] {strides = array<i32>} : memref<6288xi32, #tpu.memory_space<vmem>>, vector<16xi32>,
      %ne3A_520 = arith.cmpi ne, %get3A_515, %get3A_519 : vector<16xi32>
      %sub3A_521 = vector.broadcast %mul3A_180 : i32 to vector<16xi32>
      %sub3A_522 = arith.subi %get3A_515, %sub3A_521 : vector<16xi32>
      %get3A_523 = arith.index_cast %mul3A_513 : i32 to index
      %get3A_524 = tpu.vector_load %arg7[%get3A_523] {strides = array<i32>} : memref<6272xf32, #tpu.memory_space<vmem>>, vector<16xf32>,
      tpu.vector_store_idx %arg9[%sub3A_522], %get3A_524 masked %ne3A_520 : memref<50176xf32, #tpu.memory_space<vmem>>[vector<16xi32>], vector<16xf32>, vector<16xi1>
      %mul3A_525 = arith.constant 4 : i32
      %mul3A_526 = arith.muli %scan3A_475, %mul3A_525 : i32
      %add3A_527 = arith.constant 3 : i32
      %add3A_528 = arith.addi %mul3A_526, %add3A_527 : i32
      %mul3A_529 = arith.constant 16 : i32
      %mul3A_530 = arith.muli %add3A_528, %mul3A_529 : i32
      %get3A_531 = arith.index_cast %mul3A_530 : i32 to index
      %get3A_532 = tpu.vector_load %arg6[%get3A_531] {strides = array<i32>} : memref<6288xi32, #tpu.memory_space<vmem>>, vector<16xi32>,
      %add3A_533 = arith.constant 1 : i32
      %add3A_534 = arith.addi %mul3A_530, %add3A_533 : i32
      %get3A_535 = arith.index_cast %add3A_534 : i32 to index
      %get3A_536 = tpu.vector_load %arg6[%get3A_535] {strides = array<i32>} : memref<6288xi32, #tpu.memory_space<vmem>>, vector<16xi32>,
      %ne3A_537 = arith.cmpi ne, %get3A_532, %get3A_536 : vector<16xi32>
      %sub3A_538 = vector.broadcast %mul3A_180 : i32 to vector<16xi32>
      %sub3A_539 = arith.subi %get3A_532, %sub3A_538 : vector<16xi32>
      %get3A_540 = arith.index_cast %mul3A_530 : i32 to index
      %get3A_541 = tpu.vector_load %arg7[%get3A_540] {strides = array<i32>} : memref<6272xf32, #tpu.memory_space<vmem>>, vector<16xf32>,
      tpu.vector_store_idx %arg9[%sub3A_539], %get3A_541 masked %ne3A_537 : memref<50176xf32, #tpu.memory_space<vmem>>[vector<16xi32>], vector<16xf32>, vector<16xi1>
    }
    %scan3A_208 = arith.constant 98 : i32
    %dma_start3A_209 = arith.constant 0 : i32
    %dma_start3A_210 = tpu.memref_slice %arg4[%add3A_178, %dma_start3A_209] : memref<384x50176xf32, #tpu.memory_space<hbm>> -> memref<1x50176xf32, #tpu.memory_space<hbm>>
    %dma_start3A_211 = tpu.memref_squeeze %dma_start3A_210 : memref<1x50176xf32, #tpu.memory_space<hbm>> -> memref<50176xf32, #tpu.memory_space<hbm>>
    %dma_start3A_212 = arith.constant 0 : i32
    %dma_start3A_213 = tpu.memref_slice %arg4[%add3A_178, %dma_start3A_212] : memref<384x50176xf32, #tpu.memory_space<hbm>> -> memref<1x50176xf32, #tpu.memory_space<hbm>>
    %dma_start3A_214 = tpu.memref_squeeze %dma_start3A_213 : memref<1x50176xf32, #tpu.memory_space<hbm>> -> memref<50176xf32, #tpu.memory_space<hbm>>
    tpu.enqueue_dma source(%arg9 : memref<50176xf32, #tpu.memory_space<vmem>>) target(%dma_start3A_214 : memref<50176xf32, #tpu.memory_space<hbm>>) target_semaphore(%arg11 : memref<!tpu.dma_semaphore, #tpu.memory_space<semaphore_mem>>)
    %mul3A_215 = arith.constant 12 : i32
    %mul3A_216 = arith.muli %add3A, %mul3A_215 : i32
    %add3A_217 = arith.constant 6 : i32
    %add3A_218 = arith.addi %mul3A_216, %add3A_217 : i32
    %mul3A_219 = arith.constant 50176 : i32
    %mul3A_220 = arith.muli %add3A_218, %mul3A_219 : i32
    %sub3A_221 = arith.constant 2 : i32
    %sub3A_222 = arith.subi %add3A_218, %sub3A_221 : i32
    %mul3A_223 = arith.constant 50176 : i32
    %mul3A_224 = arith.muli %sub3A_222, %mul3A_223 : i32
    %sub3A_225 = arith.constant 2 : i32
    %sub3A_226 = arith.subi %add3A_218, %sub3A_225 : i32
    %dma_wait3A_227 = arith.constant 0 : i32
    %dma_wait3A_228 = tpu.memref_slice %arg4[%sub3A_226, %dma_wait3A_227] : memref<384x50176xf32, #tpu.memory_space<hbm>> -> memref<1x50176xf32, #tpu.memory_space<hbm>>
    %dma_wait3A_229 = tpu.memref_squeeze %dma_wait3A_228 : memref<1x50176xf32, #tpu.memory_space<hbm>> -> memref<50176xf32, #tpu.memory_space<hbm>>
    %dma_wait3A_230 = arith.constant 0 : i32
    %dma_wait3A_231 = tpu.memref_slice %arg4[%sub3A_226, %dma_wait3A_230] : memref<384x50176xf32, #tpu.memory_space<hbm>> -> memref<1x50176xf32, #tpu.memory_space<hbm>>
    %dma_wait3A_232 = tpu.memref_squeeze %dma_wait3A_231 : memref<1x50176xf32, #tpu.memory_space<hbm>> -> memref<50176xf32, #tpu.memory_space<hbm>>
    tpu.wait_dma2 semaphore(%arg10 : memref<!tpu.dma_semaphore, #tpu.memory_space<semaphore_mem>>) src(%arg8 : memref<50176xf32, #tpu.memory_space<vmem>>) dst(%dma_wait3A_232 : memref<50176xf32, #tpu.memory_space<hbm>>)
    %scan3A_233 = arith.constant 0 : i32
    %scan3A_234 = arith.constant 0 : i32
    %scan3A_235 = arith.constant 98 : i32
    %scan3A_236 = arith.addi %scan3A_234, %scan3A_235 : i32
    %scan3A_237 = arith.constant 1 : i32
    scf.for %scan3A_475 = %scan3A_234 to %scan3A_236 step %scan3A_237  : i32 {
      %mul3A_476 = arith.constant 4 : i32
      %mul3A_477 = arith.muli %scan3A_475, %mul3A_476 : i32
      %add3A_478 = arith.constant 0 : i32
      %add3A_479 = arith.addi %mul3A_477, %add3A_478 : i32
      %mul3A_480 = arith.constant 16 : i32
      %mul3A_481 = arith.muli %add3A_479, %mul3A_480 : i32
      %get3A = arith.index_cast %mul3A_481 : i32 to index
      %get3A_482 = tpu.vector_load %arg5[%get3A] {strides = array<i32>} : memref<6288xi32, #tpu.memory_space<vmem>>, vector<16xi32>,
      %sub3A_483 = vector.broadcast %mul3A_224 : i32 to vector<16xi32>
      %sub3A_484 = arith.subi %get3A_482, %sub3A_483 : vector<16xi32>
      tpu.vector_store_idx %arg8[%sub3A_484], %broadcast_in_dim3A_1 : memref<50176xf32, #tpu.memory_space<vmem>>[vector<16xi32>], vector<16xf32>,
      %mul3A_485 = arith.constant 4 : i32
      %mul3A_486 = arith.muli %scan3A_475, %mul3A_485 : i32
      %add3A_487 = arith.constant 1 : i32
      %add3A_488 = arith.addi %mul3A_486, %add3A_487 : i32
      %mul3A_489 = arith.constant 16 : i32
      %mul3A_490 = arith.muli %add3A_488, %mul3A_489 : i32
      %get3A_491 = arith.index_cast %mul3A_490 : i32 to index
      %get3A_492 = tpu.vector_load %arg5[%get3A_491] {strides = array<i32>} : memref<6288xi32, #tpu.memory_space<vmem>>, vector<16xi32>,
      %sub3A_493 = vector.broadcast %mul3A_224 : i32 to vector<16xi32>
      %sub3A_494 = arith.subi %get3A_492, %sub3A_493 : vector<16xi32>
      tpu.vector_store_idx %arg8[%sub3A_494], %broadcast_in_dim3A_1 : memref<50176xf32, #tpu.memory_space<vmem>>[vector<16xi32>], vector<16xf32>,
      %mul3A_495 = arith.constant 4 : i32
      %mul3A_496 = arith.muli %scan3A_475, %mul3A_495 : i32
      %add3A_497 = arith.constant 2 : i32
      %add3A_498 = arith.addi %mul3A_496, %add3A_497 : i32
      %mul3A_499 = arith.constant 16 : i32
      %mul3A_500 = arith.muli %add3A_498, %mul3A_499 : i32
      %get3A_501 = arith.index_cast %mul3A_500 : i32 to index
      %get3A_502 = tpu.vector_load %arg5[%get3A_501] {strides = array<i32>} : memref<6288xi32, #tpu.memory_space<vmem>>, vector<16xi32>,
      %sub3A_503 = vector.broadcast %mul3A_224 : i32 to vector<16xi32>
      %sub3A_504 = arith.subi %get3A_502, %sub3A_503 : vector<16xi32>
      tpu.vector_store_idx %arg8[%sub3A_504], %broadcast_in_dim3A_1 : memref<50176xf32, #tpu.memory_space<vmem>>[vector<16xi32>], vector<16xf32>,
      %mul3A_505 = arith.constant 4 : i32
      %mul3A_506 = arith.muli %scan3A_475, %mul3A_505 : i32
      %add3A_507 = arith.constant 3 : i32
      %add3A_508 = arith.addi %mul3A_506, %add3A_507 : i32
      %mul3A_509 = arith.constant 16 : i32
      %mul3A_510 = arith.muli %add3A_508, %mul3A_509 : i32
      %get3A_511 = arith.index_cast %mul3A_510 : i32 to index
      %get3A_512 = tpu.vector_load %arg5[%get3A_511] {strides = array<i32>} : memref<6288xi32, #tpu.memory_space<vmem>>, vector<16xi32>,
      %sub3A_513 = vector.broadcast %mul3A_224 : i32 to vector<16xi32>
      %sub3A_514 = arith.subi %get3A_512, %sub3A_513 : vector<16xi32>
      tpu.vector_store_idx %arg8[%sub3A_514], %broadcast_in_dim3A_1 : memref<50176xf32, #tpu.memory_space<vmem>>[vector<16xi32>], vector<16xf32>,
    }
    %scan3A_238 = arith.constant 98 : i32
    %mul3A_239 = arith.constant 6272 : i32
    %mul3A_240 = arith.muli %add3A_218, %mul3A_239 : i32
    "tpu.region"() ({
      %run_scoped3A = tpu.sem_alloc : memref<!tpu.dma_semaphore, #tpu.memory_space<semaphore_mem>>
      %dma_start3A_475 = arith.constant 0 : i32
      %dma_start3A_476 = tpu.memref_slice %arg5[%dma_start3A_475] : memref<6288xi32, #tpu.memory_space<vmem>> -> memref<6272xi32, #tpu.memory_space<vmem>>
      %dma_start3A_477 = tpu.memref_slice %arg2[%mul3A_240] : memref<2408448xi32, #tpu.memory_space<hbm>> -> memref<6272xi32, #tpu.memory_space<hbm>>
      %dma_start3A_478 = arith.constant 0 : i32
      %dma_start3A_479 = tpu.memref_slice %arg5[%dma_start3A_478] : memref<6288xi32, #tpu.memory_space<vmem>> -> memref<6272xi32, #tpu.memory_space<vmem>>
      %dma_start3A_480 = tpu.memref_slice %arg2[%mul3A_240] : memref<2408448xi32, #tpu.memory_space<hbm>> -> memref<6272xi32, #tpu.memory_space<hbm>>
      tpu.enqueue_dma source(%dma_start3A_480 : memref<6272xi32, #tpu.memory_space<hbm>>) target(%dma_start3A_479 : memref<6272xi32, #tpu.memory_space<vmem>>) target_semaphore(%run_scoped3A : memref<!tpu.dma_semaphore, #tpu.memory_space<semaphore_mem>>)
      %dma_wait3A_481 = arith.constant 0 : i32
      %dma_wait3A_482 = tpu.memref_slice %arg5[%dma_wait3A_481] : memref<6288xi32, #tpu.memory_space<vmem>> -> memref<6272xi32, #tpu.memory_space<vmem>>
      %dma_wait3A_483 = tpu.memref_slice %arg2[%mul3A_240] : memref<2408448xi32, #tpu.memory_space<hbm>> -> memref<6272xi32, #tpu.memory_space<hbm>>
      %dma_wait3A_484 = arith.constant 0 : i32
      %dma_wait3A_485 = tpu.memref_slice %arg5[%dma_wait3A_484] : memref<6288xi32, #tpu.memory_space<vmem>> -> memref<6272xi32, #tpu.memory_space<vmem>>
      %dma_wait3A_486 = tpu.memref_slice %arg2[%mul3A_240] : memref<2408448xi32, #tpu.memory_space<hbm>> -> memref<6272xi32, #tpu.memory_space<hbm>>
      tpu.wait_dma2 semaphore(%run_scoped3A : memref<!tpu.dma_semaphore, #tpu.memory_space<semaphore_mem>>) src(%dma_wait3A_486 : memref<6272xi32, #tpu.memory_space<hbm>>) dst(%dma_wait3A_485 : memref<6272xi32, #tpu.memory_space<vmem>>)
      tpu.yield
    }) : () -> ()
    %mul3A_241 = arith.constant 6272 : i32
    %mul3A_242 = arith.muli %add3A_218, %mul3A_241 : i32
    "tpu.region"() ({
      %run_scoped3A = tpu.sem_alloc : memref<!tpu.dma_semaphore, #tpu.memory_space<semaphore_mem>>
      %dma_start3A_475 = tpu.memref_slice %arg3[%mul3A_242] : memref<2408448xf32, #tpu.memory_space<hbm>> -> memref<6272xf32, #tpu.memory_space<hbm>>
      %dma_start3A_476 = tpu.memref_slice %arg3[%mul3A_242] : memref<2408448xf32, #tpu.memory_space<hbm>> -> memref<6272xf32, #tpu.memory_space<hbm>>
      tpu.enqueue_dma source(%dma_start3A_476 : memref<6272xf32, #tpu.memory_space<hbm>>) target(%arg7 : memref<6272xf32, #tpu.memory_space<vmem>>) target_semaphore(%run_scoped3A : memref<!tpu.dma_semaphore, #tpu.memory_space<semaphore_mem>>)
      %dma_wait3A_477 = tpu.memref_slice %arg3[%mul3A_242] : memref<2408448xf32, #tpu.memory_space<hbm>> -> memref<6272xf32, #tpu.memory_space<hbm>>
      %dma_wait3A_478 = tpu.memref_slice %arg3[%mul3A_242] : memref<2408448xf32, #tpu.memory_space<hbm>> -> memref<6272xf32, #tpu.memory_space<hbm>>
      tpu.wait_dma2 semaphore(%run_scoped3A : memref<!tpu.dma_semaphore, #tpu.memory_space<semaphore_mem>>) src(%dma_wait3A_478 : memref<6272xf32, #tpu.memory_space<hbm>>) dst(%arg7 : memref<6272xf32, #tpu.memory_space<vmem>>)
      tpu.yield
    }) : () -> ()
    %scan3A_243 = arith.constant 0 : i32
    %scan3A_244 = arith.constant 0 : i32
    %scan3A_245 = arith.constant 98 : i32
    %scan3A_246 = arith.addi %scan3A_244, %scan3A_245 : i32
    %scan3A_247 = arith.constant 1 : i32
    scf.for %scan3A_475 = %scan3A_244 to %scan3A_246 step %scan3A_247  : i32 {
      %mul3A_476 = arith.constant 4 : i32
      %mul3A_477 = arith.muli %scan3A_475, %mul3A_476 : i32
      %add3A_478 = arith.constant 0 : i32
      %add3A_479 = arith.addi %mul3A_477, %add3A_478 : i32
      %mul3A_480 = arith.constant 16 : i32
      %mul3A_481 = arith.muli %add3A_479, %mul3A_480 : i32
      %get3A = arith.index_cast %mul3A_481 : i32 to index
      %get3A_482 = tpu.vector_load %arg5[%get3A] {strides = array<i32>} : memref<6288xi32, #tpu.memory_space<vmem>>, vector<16xi32>,
      %add3A_483 = arith.constant 1 : i32
      %add3A_484 = arith.addi %mul3A_481, %add3A_483 : i32
      %get3A_485 = arith.index_cast %add3A_484 : i32 to index
      %get3A_486 = tpu.vector_load %arg5[%get3A_485] {strides = array<i32>} : memref<6288xi32, #tpu.memory_space<vmem>>, vector<16xi32>,
      %ne3A = arith.cmpi ne, %get3A_482, %get3A_486 : vector<16xi32>
      %sub3A_487 = vector.broadcast %mul3A_220 : i32 to vector<16xi32>
      %sub3A_488 = arith.subi %get3A_482, %sub3A_487 : vector<16xi32>
      %get3A_489 = arith.index_cast %mul3A_481 : i32 to index
      %get3A_490 = tpu.vector_load %arg7[%get3A_489] {strides = array<i32>} : memref<6272xf32, #tpu.memory_space<vmem>>, vector<16xf32>,
      tpu.vector_store_idx %arg8[%sub3A_488], %get3A_490 masked %ne3A : memref<50176xf32, #tpu.memory_space<vmem>>[vector<16xi32>], vector<16xf32>, vector<16xi1>
      %mul3A_491 = arith.constant 4 : i32
      %mul3A_492 = arith.muli %scan3A_475, %mul3A_491 : i32
      %add3A_493 = arith.constant 1 : i32
      %add3A_494 = arith.addi %mul3A_492, %add3A_493 : i32
      %mul3A_495 = arith.constant 16 : i32
      %mul3A_496 = arith.muli %add3A_494, %mul3A_495 : i32
      %get3A_497 = arith.index_cast %mul3A_496 : i32 to index
      %get3A_498 = tpu.vector_load %arg5[%get3A_497] {strides = array<i32>} : memref<6288xi32, #tpu.memory_space<vmem>>, vector<16xi32>,
      %add3A_499 = arith.constant 1 : i32
      %add3A_500 = arith.addi %mul3A_496, %add3A_499 : i32
      %get3A_501 = arith.index_cast %add3A_500 : i32 to index
      %get3A_502 = tpu.vector_load %arg5[%get3A_501] {strides = array<i32>} : memref<6288xi32, #tpu.memory_space<vmem>>, vector<16xi32>,
      %ne3A_503 = arith.cmpi ne, %get3A_498, %get3A_502 : vector<16xi32>
      %sub3A_504 = vector.broadcast %mul3A_220 : i32 to vector<16xi32>
      %sub3A_505 = arith.subi %get3A_498, %sub3A_504 : vector<16xi32>
      %get3A_506 = arith.index_cast %mul3A_496 : i32 to index
      %get3A_507 = tpu.vector_load %arg7[%get3A_506] {strides = array<i32>} : memref<6272xf32, #tpu.memory_space<vmem>>, vector<16xf32>,
      tpu.vector_store_idx %arg8[%sub3A_505], %get3A_507 masked %ne3A_503 : memref<50176xf32, #tpu.memory_space<vmem>>[vector<16xi32>], vector<16xf32>, vector<16xi1>
      %mul3A_508 = arith.constant 4 : i32
      %mul3A_509 = arith.muli %scan3A_475, %mul3A_508 : i32
      %add3A_510 = arith.constant 2 : i32
      %add3A_511 = arith.addi %mul3A_509, %add3A_510 : i32
      %mul3A_512 = arith.constant 16 : i32
      %mul3A_513 = arith.muli %add3A_511, %mul3A_512 : i32
      %get3A_514 = arith.index_cast %mul3A_513 : i32 to index
      %get3A_515 = tpu.vector_load %arg5[%get3A_514] {strides = array<i32>} : memref<6288xi32, #tpu.memory_space<vmem>>, vector<16xi32>,
      %add3A_516 = arith.constant 1 : i32
      %add3A_517 = arith.addi %mul3A_513, %add3A_516 : i32
      %get3A_518 = arith.index_cast %add3A_517 : i32 to index
      %get3A_519 = tpu.vector_load %arg5[%get3A_518] {strides = array<i32>} : memref<6288xi32, #tpu.memory_space<vmem>>, vector<16xi32>,
      %ne3A_520 = arith.cmpi ne, %get3A_515, %get3A_519 : vector<16xi32>
      %sub3A_521 = vector.broadcast %mul3A_220 : i32 to vector<16xi32>
      %sub3A_522 = arith.subi %get3A_515, %sub3A_521 : vector<16xi32>
      %get3A_523 = arith.index_cast %mul3A_513 : i32 to index
      %get3A_524 = tpu.vector_load %arg7[%get3A_523] {strides = array<i32>} : memref<6272xf32, #tpu.memory_space<vmem>>, vector<16xf32>,
      tpu.vector_store_idx %arg8[%sub3A_522], %get3A_524 masked %ne3A_520 : memref<50176xf32, #tpu.memory_space<vmem>>[vector<16xi32>], vector<16xf32>, vector<16xi1>
      %mul3A_525 = arith.constant 4 : i32
      %mul3A_526 = arith.muli %scan3A_475, %mul3A_525 : i32
      %add3A_527 = arith.constant 3 : i32
      %add3A_528 = arith.addi %mul3A_526, %add3A_527 : i32
      %mul3A_529 = arith.constant 16 : i32
      %mul3A_530 = arith.muli %add3A_528, %mul3A_529 : i32
      %get3A_531 = arith.index_cast %mul3A_530 : i32 to index
      %get3A_532 = tpu.vector_load %arg5[%get3A_531] {strides = array<i32>} : memref<6288xi32, #tpu.memory_space<vmem>>, vector<16xi32>,
      %add3A_533 = arith.constant 1 : i32
      %add3A_534 = arith.addi %mul3A_530, %add3A_533 : i32
      %get3A_535 = arith.index_cast %add3A_534 : i32 to index
      %get3A_536 = tpu.vector_load %arg5[%get3A_535] {strides = array<i32>} : memref<6288xi32, #tpu.memory_space<vmem>>, vector<16xi32>,
      %ne3A_537 = arith.cmpi ne, %get3A_532, %get3A_536 : vector<16xi32>
      %sub3A_538 = vector.broadcast %mul3A_220 : i32 to vector<16xi32>
      %sub3A_539 = arith.subi %get3A_532, %sub3A_538 : vector<16xi32>
      %get3A_540 = arith.index_cast %mul3A_530 : i32 to index
      %get3A_541 = tpu.vector_load %arg7[%get3A_540] {strides = array<i32>} : memref<6272xf32, #tpu.memory_space<vmem>>, vector<16xf32>,
      tpu.vector_store_idx %arg8[%sub3A_539], %get3A_541 masked %ne3A_537 : memref<50176xf32, #tpu.memory_space<vmem>>[vector<16xi32>], vector<16xf32>, vector<16xi1>
    }
    %scan3A_248 = arith.constant 98 : i32
    %dma_start3A_249 = arith.constant 0 : i32
    %dma_start3A_250 = tpu.memref_slice %arg4[%add3A_218, %dma_start3A_249] : memref<384x50176xf32, #tpu.memory_space<hbm>> -> memref<1x50176xf32, #tpu.memory_space<hbm>>
    %dma_start3A_251 = tpu.memref_squeeze %dma_start3A_250 : memref<1x50176xf32, #tpu.memory_space<hbm>> -> memref<50176xf32, #tpu.memory_space<hbm>>
    %dma_start3A_252 = arith.constant 0 : i32
    %dma_start3A_253 = tpu.memref_slice %arg4[%add3A_218, %dma_start3A_252] : memref<384x50176xf32, #tpu.memory_space<hbm>> -> memref<1x50176xf32, #tpu.memory_space<hbm>>
    %dma_start3A_254 = tpu.memref_squeeze %dma_start3A_253 : memref<1x50176xf32, #tpu.memory_space<hbm>> -> memref<50176xf32, #tpu.memory_space<hbm>>
    tpu.enqueue_dma source(%arg8 : memref<50176xf32, #tpu.memory_space<vmem>>) target(%dma_start3A_254 : memref<50176xf32, #tpu.memory_space<hbm>>) target_semaphore(%arg10 : memref<!tpu.dma_semaphore, #tpu.memory_space<semaphore_mem>>)
    %mul3A_255 = arith.constant 12 : i32
    %mul3A_256 = arith.muli %add3A, %mul3A_255 : i32
    %add3A_257 = arith.constant 7 : i32
    %add3A_258 = arith.addi %mul3A_256, %add3A_257 : i32
    %mul3A_259 = arith.constant 50176 : i32
    %mul3A_260 = arith.muli %add3A_258, %mul3A_259 : i32
    %sub3A_261 = arith.constant 2 : i32
    %sub3A_262 = arith.subi %add3A_258, %sub3A_261 : i32
    %mul3A_263 = arith.constant 50176 : i32
    %mul3A_264 = arith.muli %sub3A_262, %mul3A_263 : i32
    %sub3A_265 = arith.constant 2 : i32
    %sub3A_266 = arith.subi %add3A_258, %sub3A_265 : i32
    %dma_wait3A_267 = arith.constant 0 : i32
    %dma_wait3A_268 = tpu.memref_slice %arg4[%sub3A_266, %dma_wait3A_267] : memref<384x50176xf32, #tpu.memory_space<hbm>> -> memref<1x50176xf32, #tpu.memory_space<hbm>>
    %dma_wait3A_269 = tpu.memref_squeeze %dma_wait3A_268 : memref<1x50176xf32, #tpu.memory_space<hbm>> -> memref<50176xf32, #tpu.memory_space<hbm>>
    %dma_wait3A_270 = arith.constant 0 : i32
    %dma_wait3A_271 = tpu.memref_slice %arg4[%sub3A_266, %dma_wait3A_270] : memref<384x50176xf32, #tpu.memory_space<hbm>> -> memref<1x50176xf32, #tpu.memory_space<hbm>>
    %dma_wait3A_272 = tpu.memref_squeeze %dma_wait3A_271 : memref<1x50176xf32, #tpu.memory_space<hbm>> -> memref<50176xf32, #tpu.memory_space<hbm>>
    tpu.wait_dma2 semaphore(%arg11 : memref<!tpu.dma_semaphore, #tpu.memory_space<semaphore_mem>>) src(%arg9 : memref<50176xf32, #tpu.memory_space<vmem>>) dst(%dma_wait3A_272 : memref<50176xf32, #tpu.memory_space<hbm>>)
    %scan3A_273 = arith.constant 0 : i32
    %scan3A_274 = arith.constant 0 : i32
    %scan3A_275 = arith.constant 98 : i32
    %scan3A_276 = arith.addi %scan3A_274, %scan3A_275 : i32
    %scan3A_277 = arith.constant 1 : i32
    scf.for %scan3A_475 = %scan3A_274 to %scan3A_276 step %scan3A_277  : i32 {
      %mul3A_476 = arith.constant 4 : i32
      %mul3A_477 = arith.muli %scan3A_475, %mul3A_476 : i32
      %add3A_478 = arith.constant 0 : i32
      %add3A_479 = arith.addi %mul3A_477, %add3A_478 : i32
      %mul3A_480 = arith.constant 16 : i32
      %mul3A_481 = arith.muli %add3A_479, %mul3A_480 : i32
      %get3A = arith.index_cast %mul3A_481 : i32 to index
      %get3A_482 = tpu.vector_load %arg6[%get3A] {strides = array<i32>} : memref<6288xi32, #tpu.memory_space<vmem>>, vector<16xi32>,
      %sub3A_483 = vector.broadcast %mul3A_264 : i32 to vector<16xi32>
      %sub3A_484 = arith.subi %get3A_482, %sub3A_483 : vector<16xi32>
      tpu.vector_store_idx %arg9[%sub3A_484], %broadcast_in_dim3A_1 : memref<50176xf32, #tpu.memory_space<vmem>>[vector<16xi32>], vector<16xf32>,
      %mul3A_485 = arith.constant 4 : i32
      %mul3A_486 = arith.muli %scan3A_475, %mul3A_485 : i32
      %add3A_487 = arith.constant 1 : i32
      %add3A_488 = arith.addi %mul3A_486, %add3A_487 : i32
      %mul3A_489 = arith.constant 16 : i32
      %mul3A_490 = arith.muli %add3A_488, %mul3A_489 : i32
      %get3A_491 = arith.index_cast %mul3A_490 : i32 to index
      %get3A_492 = tpu.vector_load %arg6[%get3A_491] {strides = array<i32>} : memref<6288xi32, #tpu.memory_space<vmem>>, vector<16xi32>,
      %sub3A_493 = vector.broadcast %mul3A_264 : i32 to vector<16xi32>
      %sub3A_494 = arith.subi %get3A_492, %sub3A_493 : vector<16xi32>
      tpu.vector_store_idx %arg9[%sub3A_494], %broadcast_in_dim3A_1 : memref<50176xf32, #tpu.memory_space<vmem>>[vector<16xi32>], vector<16xf32>,
      %mul3A_495 = arith.constant 4 : i32
      %mul3A_496 = arith.muli %scan3A_475, %mul3A_495 : i32
      %add3A_497 = arith.constant 2 : i32
      %add3A_498 = arith.addi %mul3A_496, %add3A_497 : i32
      %mul3A_499 = arith.constant 16 : i32
      %mul3A_500 = arith.muli %add3A_498, %mul3A_499 : i32
      %get3A_501 = arith.index_cast %mul3A_500 : i32 to index
      %get3A_502 = tpu.vector_load %arg6[%get3A_501] {strides = array<i32>} : memref<6288xi32, #tpu.memory_space<vmem>>, vector<16xi32>,
      %sub3A_503 = vector.broadcast %mul3A_264 : i32 to vector<16xi32>
      %sub3A_504 = arith.subi %get3A_502, %sub3A_503 : vector<16xi32>
      tpu.vector_store_idx %arg9[%sub3A_504], %broadcast_in_dim3A_1 : memref<50176xf32, #tpu.memory_space<vmem>>[vector<16xi32>], vector<16xf32>,
      %mul3A_505 = arith.constant 4 : i32
      %mul3A_506 = arith.muli %scan3A_475, %mul3A_505 : i32
      %add3A_507 = arith.constant 3 : i32
      %add3A_508 = arith.addi %mul3A_506, %add3A_507 : i32
      %mul3A_509 = arith.constant 16 : i32
      %mul3A_510 = arith.muli %add3A_508, %mul3A_509 : i32
      %get3A_511 = arith.index_cast %mul3A_510 : i32 to index
      %get3A_512 = tpu.vector_load %arg6[%get3A_511] {strides = array<i32>} : memref<6288xi32, #tpu.memory_space<vmem>>, vector<16xi32>,
      %sub3A_513 = vector.broadcast %mul3A_264 : i32 to vector<16xi32>
      %sub3A_514 = arith.subi %get3A_512, %sub3A_513 : vector<16xi32>
      tpu.vector_store_idx %arg9[%sub3A_514], %broadcast_in_dim3A_1 : memref<50176xf32, #tpu.memory_space<vmem>>[vector<16xi32>], vector<16xf32>,
    }
    %scan3A_278 = arith.constant 98 : i32
    %mul3A_279 = arith.constant 6272 : i32
    %mul3A_280 = arith.muli %add3A_258, %mul3A_279 : i32
    "tpu.region"() ({
      %run_scoped3A = tpu.sem_alloc : memref<!tpu.dma_semaphore, #tpu.memory_space<semaphore_mem>>
      %dma_start3A_475 = arith.constant 0 : i32
      %dma_start3A_476 = tpu.memref_slice %arg6[%dma_start3A_475] : memref<6288xi32, #tpu.memory_space<vmem>> -> memref<6272xi32, #tpu.memory_space<vmem>>
      %dma_start3A_477 = tpu.memref_slice %arg2[%mul3A_280] : memref<2408448xi32, #tpu.memory_space<hbm>> -> memref<6272xi32, #tpu.memory_space<hbm>>
      %dma_start3A_478 = arith.constant 0 : i32
      %dma_start3A_479 = tpu.memref_slice %arg6[%dma_start3A_478] : memref<6288xi32, #tpu.memory_space<vmem>> -> memref<6272xi32, #tpu.memory_space<vmem>>
      %dma_start3A_480 = tpu.memref_slice %arg2[%mul3A_280] : memref<2408448xi32, #tpu.memory_space<hbm>> -> memref<6272xi32, #tpu.memory_space<hbm>>
      tpu.enqueue_dma source(%dma_start3A_480 : memref<6272xi32, #tpu.memory_space<hbm>>) target(%dma_start3A_479 : memref<6272xi32, #tpu.memory_space<vmem>>) target_semaphore(%run_scoped3A : memref<!tpu.dma_semaphore, #tpu.memory_space<semaphore_mem>>)
      %dma_wait3A_481 = arith.constant 0 : i32
      %dma_wait3A_482 = tpu.memref_slice %arg6[%dma_wait3A_481] : memref<6288xi32, #tpu.memory_space<vmem>> -> memref<6272xi32, #tpu.memory_space<vmem>>
      %dma_wait3A_483 = tpu.memref_slice %arg2[%mul3A_280] : memref<2408448xi32, #tpu.memory_space<hbm>> -> memref<6272xi32, #tpu.memory_space<hbm>>
      %dma_wait3A_484 = arith.constant 0 : i32
      %dma_wait3A_485 = tpu.memref_slice %arg6[%dma_wait3A_484] : memref<6288xi32, #tpu.memory_space<vmem>> -> memref<6272xi32, #tpu.memory_space<vmem>>
      %dma_wait3A_486 = tpu.memref_slice %arg2[%mul3A_280] : memref<2408448xi32, #tpu.memory_space<hbm>> -> memref<6272xi32, #tpu.memory_space<hbm>>
      tpu.wait_dma2 semaphore(%run_scoped3A : memref<!tpu.dma_semaphore, #tpu.memory_space<semaphore_mem>>) src(%dma_wait3A_486 : memref<6272xi32, #tpu.memory_space<hbm>>) dst(%dma_wait3A_485 : memref<6272xi32, #tpu.memory_space<vmem>>)
      tpu.yield
    }) : () -> ()
    %mul3A_281 = arith.constant 6272 : i32
    %mul3A_282 = arith.muli %add3A_258, %mul3A_281 : i32
    "tpu.region"() ({
      %run_scoped3A = tpu.sem_alloc : memref<!tpu.dma_semaphore, #tpu.memory_space<semaphore_mem>>
      %dma_start3A_475 = tpu.memref_slice %arg3[%mul3A_282] : memref<2408448xf32, #tpu.memory_space<hbm>> -> memref<6272xf32, #tpu.memory_space<hbm>>
      %dma_start3A_476 = tpu.memref_slice %arg3[%mul3A_282] : memref<2408448xf32, #tpu.memory_space<hbm>> -> memref<6272xf32, #tpu.memory_space<hbm>>
      tpu.enqueue_dma source(%dma_start3A_476 : memref<6272xf32, #tpu.memory_space<hbm>>) target(%arg7 : memref<6272xf32, #tpu.memory_space<vmem>>) target_semaphore(%run_scoped3A : memref<!tpu.dma_semaphore, #tpu.memory_space<semaphore_mem>>)
      %dma_wait3A_477 = tpu.memref_slice %arg3[%mul3A_282] : memref<2408448xf32, #tpu.memory_space<hbm>> -> memref<6272xf32, #tpu.memory_space<hbm>>
      %dma_wait3A_478 = tpu.memref_slice %arg3[%mul3A_282] : memref<2408448xf32, #tpu.memory_space<hbm>> -> memref<6272xf32, #tpu.memory_space<hbm>>
      tpu.wait_dma2 semaphore(%run_scoped3A : memref<!tpu.dma_semaphore, #tpu.memory_space<semaphore_mem>>) src(%dma_wait3A_478 : memref<6272xf32, #tpu.memory_space<hbm>>) dst(%arg7 : memref<6272xf32, #tpu.memory_space<vmem>>)
      tpu.yield
    }) : () -> ()
    %scan3A_283 = arith.constant 0 : i32
    %scan3A_284 = arith.constant 0 : i32
    %scan3A_285 = arith.constant 98 : i32
    %scan3A_286 = arith.addi %scan3A_284, %scan3A_285 : i32
    %scan3A_287 = arith.constant 1 : i32
    scf.for %scan3A_475 = %scan3A_284 to %scan3A_286 step %scan3A_287  : i32 {
      %mul3A_476 = arith.constant 4 : i32
      %mul3A_477 = arith.muli %scan3A_475, %mul3A_476 : i32
      %add3A_478 = arith.constant 0 : i32
      %add3A_479 = arith.addi %mul3A_477, %add3A_478 : i32
      %mul3A_480 = arith.constant 16 : i32
      %mul3A_481 = arith.muli %add3A_479, %mul3A_480 : i32
      %get3A = arith.index_cast %mul3A_481 : i32 to index
      %get3A_482 = tpu.vector_load %arg6[%get3A] {strides = array<i32>} : memref<6288xi32, #tpu.memory_space<vmem>>, vector<16xi32>,
      %add3A_483 = arith.constant 1 : i32
      %add3A_484 = arith.addi %mul3A_481, %add3A_483 : i32
      %get3A_485 = arith.index_cast %add3A_484 : i32 to index
      %get3A_486 = tpu.vector_load %arg6[%get3A_485] {strides = array<i32>} : memref<6288xi32, #tpu.memory_space<vmem>>, vector<16xi32>,
      %ne3A = arith.cmpi ne, %get3A_482, %get3A_486 : vector<16xi32>
      %sub3A_487 = vector.broadcast %mul3A_260 : i32 to vector<16xi32>
      %sub3A_488 = arith.subi %get3A_482, %sub3A_487 : vector<16xi32>
      %get3A_489 = arith.index_cast %mul3A_481 : i32 to index
      %get3A_490 = tpu.vector_load %arg7[%get3A_489] {strides = array<i32>} : memref<6272xf32, #tpu.memory_space<vmem>>, vector<16xf32>,
      tpu.vector_store_idx %arg9[%sub3A_488], %get3A_490 masked %ne3A : memref<50176xf32, #tpu.memory_space<vmem>>[vector<16xi32>], vector<16xf32>, vector<16xi1>
      %mul3A_491 = arith.constant 4 : i32
      %mul3A_492 = arith.muli %scan3A_475, %mul3A_491 : i32
      %add3A_493 = arith.constant 1 : i32
      %add3A_494 = arith.addi %mul3A_492, %add3A_493 : i32
      %mul3A_495 = arith.constant 16 : i32
      %mul3A_496 = arith.muli %add3A_494, %mul3A_495 : i32
      %get3A_497 = arith.index_cast %mul3A_496 : i32 to index
      %get3A_498 = tpu.vector_load %arg6[%get3A_497] {strides = array<i32>} : memref<6288xi32, #tpu.memory_space<vmem>>, vector<16xi32>,
      %add3A_499 = arith.constant 1 : i32
      %add3A_500 = arith.addi %mul3A_496, %add3A_499 : i32
      %get3A_501 = arith.index_cast %add3A_500 : i32 to index
      %get3A_502 = tpu.vector_load %arg6[%get3A_501] {strides = array<i32>} : memref<6288xi32, #tpu.memory_space<vmem>>, vector<16xi32>,
      %ne3A_503 = arith.cmpi ne, %get3A_498, %get3A_502 : vector<16xi32>
      %sub3A_504 = vector.broadcast %mul3A_260 : i32 to vector<16xi32>
      %sub3A_505 = arith.subi %get3A_498, %sub3A_504 : vector<16xi32>
      %get3A_506 = arith.index_cast %mul3A_496 : i32 to index
      %get3A_507 = tpu.vector_load %arg7[%get3A_506] {strides = array<i32>} : memref<6272xf32, #tpu.memory_space<vmem>>, vector<16xf32>,
      tpu.vector_store_idx %arg9[%sub3A_505], %get3A_507 masked %ne3A_503 : memref<50176xf32, #tpu.memory_space<vmem>>[vector<16xi32>], vector<16xf32>, vector<16xi1>
      %mul3A_508 = arith.constant 4 : i32
      %mul3A_509 = arith.muli %scan3A_475, %mul3A_508 : i32
      %add3A_510 = arith.constant 2 : i32
      %add3A_511 = arith.addi %mul3A_509, %add3A_510 : i32
      %mul3A_512 = arith.constant 16 : i32
      %mul3A_513 = arith.muli %add3A_511, %mul3A_512 : i32
      %get3A_514 = arith.index_cast %mul3A_513 : i32 to index
      %get3A_515 = tpu.vector_load %arg6[%get3A_514] {strides = array<i32>} : memref<6288xi32, #tpu.memory_space<vmem>>, vector<16xi32>,
      %add3A_516 = arith.constant 1 : i32
      %add3A_517 = arith.addi %mul3A_513, %add3A_516 : i32
      %get3A_518 = arith.index_cast %add3A_517 : i32 to index
      %get3A_519 = tpu.vector_load %arg6[%get3A_518] {strides = array<i32>} : memref<6288xi32, #tpu.memory_space<vmem>>, vector<16xi32>,
      %ne3A_520 = arith.cmpi ne, %get3A_515, %get3A_519 : vector<16xi32>
      %sub3A_521 = vector.broadcast %mul3A_260 : i32 to vector<16xi32>
      %sub3A_522 = arith.subi %get3A_515, %sub3A_521 : vector<16xi32>
      %get3A_523 = arith.index_cast %mul3A_513 : i32 to index
      %get3A_524 = tpu.vector_load %arg7[%get3A_523] {strides = array<i32>} : memref<6272xf32, #tpu.memory_space<vmem>>, vector<16xf32>,
      tpu.vector_store_idx %arg9[%sub3A_522], %get3A_524 masked %ne3A_520 : memref<50176xf32, #tpu.memory_space<vmem>>[vector<16xi32>], vector<16xf32>, vector<16xi1>
      %mul3A_525 = arith.constant 4 : i32
      %mul3A_526 = arith.muli %scan3A_475, %mul3A_525 : i32
      %add3A_527 = arith.constant 3 : i32
      %add3A_528 = arith.addi %mul3A_526, %add3A_527 : i32
      %mul3A_529 = arith.constant 16 : i32
      %mul3A_530 = arith.muli %add3A_528, %mul3A_529 : i32
      %get3A_531 = arith.index_cast %mul3A_530 : i32 to index
      %get3A_532 = tpu.vector_load %arg6[%get3A_531] {strides = array<i32>} : memref<6288xi32, #tpu.memory_space<vmem>>, vector<16xi32>,
      %add3A_533 = arith.constant 1 : i32
      %add3A_534 = arith.addi %mul3A_530, %add3A_533 : i32
      %get3A_535 = arith.index_cast %add3A_534 : i32 to index
      %get3A_536 = tpu.vector_load %arg6[%get3A_535] {strides = array<i32>} : memref<6288xi32, #tpu.memory_space<vmem>>, vector<16xi32>,
      %ne3A_537 = arith.cmpi ne, %get3A_532, %get3A_536 : vector<16xi32>
      %sub3A_538 = vector.broadcast %mul3A_260 : i32 to vector<16xi32>
      %sub3A_539 = arith.subi %get3A_532, %sub3A_538 : vector<16xi32>
      %get3A_540 = arith.index_cast %mul3A_530 : i32 to index
      %get3A_541 = tpu.vector_load %arg7[%get3A_540] {strides = array<i32>} : memref<6272xf32, #tpu.memory_space<vmem>>, vector<16xf32>,
      tpu.vector_store_idx %arg9[%sub3A_539], %get3A_541 masked %ne3A_537 : memref<50176xf32, #tpu.memory_space<vmem>>[vector<16xi32>], vector<16xf32>, vector<16xi1>
    }
    %scan3A_288 = arith.constant 98 : i32
    %dma_start3A_289 = arith.constant 0 : i32
    %dma_start3A_290 = tpu.memref_slice %arg4[%add3A_258, %dma_start3A_289] : memref<384x50176xf32, #tpu.memory_space<hbm>> -> memref<1x50176xf32, #tpu.memory_space<hbm>>
    %dma_start3A_291 = tpu.memref_squeeze %dma_start3A_290 : memref<1x50176xf32, #tpu.memory_space<hbm>> -> memref<50176xf32, #tpu.memory_space<hbm>>
    %dma_start3A_292 = arith.constant 0 : i32
    %dma_start3A_293 = tpu.memref_slice %arg4[%add3A_258, %dma_start3A_292] : memref<384x50176xf32, #tpu.memory_space<hbm>> -> memref<1x50176xf32, #tpu.memory_space<hbm>>
    %dma_start3A_294 = tpu.memref_squeeze %dma_start3A_293 : memref<1x50176xf32, #tpu.memory_space<hbm>> -> memref<50176xf32, #tpu.memory_space<hbm>>
    tpu.enqueue_dma source(%arg9 : memref<50176xf32, #tpu.memory_space<vmem>>) target(%dma_start3A_294 : memref<50176xf32, #tpu.memory_space<hbm>>) target_semaphore(%arg11 : memref<!tpu.dma_semaphore, #tpu.memory_space<semaphore_mem>>)
    %mul3A_295 = arith.constant 12 : i32
    %mul3A_296 = arith.muli %add3A, %mul3A_295 : i32
    %add3A_297 = arith.constant 8 : i32
    %add3A_298 = arith.addi %mul3A_296, %add3A_297 : i32
    %mul3A_299 = arith.constant 50176 : i32
    %mul3A_300 = arith.muli %add3A_298, %mul3A_299 : i32
    %sub3A_301 = arith.constant 2 : i32
    %sub3A_302 = arith.subi %add3A_298, %sub3A_301 : i32
    %mul3A_303 = arith.constant 50176 : i32
    %mul3A_304 = arith.muli %sub3A_302, %mul3A_303 : i32
    %sub3A_305 = arith.constant 2 : i32
    %sub3A_306 = arith.subi %add3A_298, %sub3A_305 : i32
    %dma_wait3A_307 = arith.constant 0 : i32
    %dma_wait3A_308 = tpu.memref_slice %arg4[%sub3A_306, %dma_wait3A_307] : memref<384x50176xf32, #tpu.memory_space<hbm>> -> memref<1x50176xf32, #tpu.memory_space<hbm>>
    %dma_wait3A_309 = tpu.memref_squeeze %dma_wait3A_308 : memref<1x50176xf32, #tpu.memory_space<hbm>> -> memref<50176xf32, #tpu.memory_space<hbm>>
    %dma_wait3A_310 = arith.constant 0 : i32
    %dma_wait3A_311 = tpu.memref_slice %arg4[%sub3A_306, %dma_wait3A_310] : memref<384x50176xf32, #tpu.memory_space<hbm>> -> memref<1x50176xf32, #tpu.memory_space<hbm>>
    %dma_wait3A_312 = tpu.memref_squeeze %dma_wait3A_311 : memref<1x50176xf32, #tpu.memory_space<hbm>> -> memref<50176xf32, #tpu.memory_space<hbm>>
    tpu.wait_dma2 semaphore(%arg10 : memref<!tpu.dma_semaphore, #tpu.memory_space<semaphore_mem>>) src(%arg8 : memref<50176xf32, #tpu.memory_space<vmem>>) dst(%dma_wait3A_312 : memref<50176xf32, #tpu.memory_space<hbm>>)
    %scan3A_313 = arith.constant 0 : i32
    %scan3A_314 = arith.constant 0 : i32
    %scan3A_315 = arith.constant 98 : i32
    %scan3A_316 = arith.addi %scan3A_314, %scan3A_315 : i32
    %scan3A_317 = arith.constant 1 : i32
    scf.for %scan3A_475 = %scan3A_314 to %scan3A_316 step %scan3A_317  : i32 {
      %mul3A_476 = arith.constant 4 : i32
      %mul3A_477 = arith.muli %scan3A_475, %mul3A_476 : i32
      %add3A_478 = arith.constant 0 : i32
      %add3A_479 = arith.addi %mul3A_477, %add3A_478 : i32
      %mul3A_480 = arith.constant 16 : i32
      %mul3A_481 = arith.muli %add3A_479, %mul3A_480 : i32
      %get3A = arith.index_cast %mul3A_481 : i32 to index
      %get3A_482 = tpu.vector_load %arg5[%get3A] {strides = array<i32>} : memref<6288xi32, #tpu.memory_space<vmem>>, vector<16xi32>,
      %sub3A_483 = vector.broadcast %mul3A_304 : i32 to vector<16xi32>
      %sub3A_484 = arith.subi %get3A_482, %sub3A_483 : vector<16xi32>
      tpu.vector_store_idx %arg8[%sub3A_484], %broadcast_in_dim3A_1 : memref<50176xf32, #tpu.memory_space<vmem>>[vector<16xi32>], vector<16xf32>,
      %mul3A_485 = arith.constant 4 : i32
      %mul3A_486 = arith.muli %scan3A_475, %mul3A_485 : i32
      %add3A_487 = arith.constant 1 : i32
      %add3A_488 = arith.addi %mul3A_486, %add3A_487 : i32
      %mul3A_489 = arith.constant 16 : i32
      %mul3A_490 = arith.muli %add3A_488, %mul3A_489 : i32
      %get3A_491 = arith.index_cast %mul3A_490 : i32 to index
      %get3A_492 = tpu.vector_load %arg5[%get3A_491] {strides = array<i32>} : memref<6288xi32, #tpu.memory_space<vmem>>, vector<16xi32>,
      %sub3A_493 = vector.broadcast %mul3A_304 : i32 to vector<16xi32>
      %sub3A_494 = arith.subi %get3A_492, %sub3A_493 : vector<16xi32>
      tpu.vector_store_idx %arg8[%sub3A_494], %broadcast_in_dim3A_1 : memref<50176xf32, #tpu.memory_space<vmem>>[vector<16xi32>], vector<16xf32>,
      %mul3A_495 = arith.constant 4 : i32
      %mul3A_496 = arith.muli %scan3A_475, %mul3A_495 : i32
      %add3A_497 = arith.constant 2 : i32
      %add3A_498 = arith.addi %mul3A_496, %add3A_497 : i32
      %mul3A_499 = arith.constant 16 : i32
      %mul3A_500 = arith.muli %add3A_498, %mul3A_499 : i32
      %get3A_501 = arith.index_cast %mul3A_500 : i32 to index
      %get3A_502 = tpu.vector_load %arg5[%get3A_501] {strides = array<i32>} : memref<6288xi32, #tpu.memory_space<vmem>>, vector<16xi32>,
      %sub3A_503 = vector.broadcast %mul3A_304 : i32 to vector<16xi32>
      %sub3A_504 = arith.subi %get3A_502, %sub3A_503 : vector<16xi32>
      tpu.vector_store_idx %arg8[%sub3A_504], %broadcast_in_dim3A_1 : memref<50176xf32, #tpu.memory_space<vmem>>[vector<16xi32>], vector<16xf32>,
      %mul3A_505 = arith.constant 4 : i32
      %mul3A_506 = arith.muli %scan3A_475, %mul3A_505 : i32
      %add3A_507 = arith.constant 3 : i32
      %add3A_508 = arith.addi %mul3A_506, %add3A_507 : i32
      %mul3A_509 = arith.constant 16 : i32
      %mul3A_510 = arith.muli %add3A_508, %mul3A_509 : i32
      %get3A_511 = arith.index_cast %mul3A_510 : i32 to index
      %get3A_512 = tpu.vector_load %arg5[%get3A_511] {strides = array<i32>} : memref<6288xi32, #tpu.memory_space<vmem>>, vector<16xi32>,
      %sub3A_513 = vector.broadcast %mul3A_304 : i32 to vector<16xi32>
      %sub3A_514 = arith.subi %get3A_512, %sub3A_513 : vector<16xi32>
      tpu.vector_store_idx %arg8[%sub3A_514], %broadcast_in_dim3A_1 : memref<50176xf32, #tpu.memory_space<vmem>>[vector<16xi32>], vector<16xf32>,
    }
    %scan3A_318 = arith.constant 98 : i32
    %mul3A_319 = arith.constant 6272 : i32
    %mul3A_320 = arith.muli %add3A_298, %mul3A_319 : i32
    "tpu.region"() ({
      %run_scoped3A = tpu.sem_alloc : memref<!tpu.dma_semaphore, #tpu.memory_space<semaphore_mem>>
      %dma_start3A_475 = arith.constant 0 : i32
      %dma_start3A_476 = tpu.memref_slice %arg5[%dma_start3A_475] : memref<6288xi32, #tpu.memory_space<vmem>> -> memref<6272xi32, #tpu.memory_space<vmem>>
      %dma_start3A_477 = tpu.memref_slice %arg2[%mul3A_320] : memref<2408448xi32, #tpu.memory_space<hbm>> -> memref<6272xi32, #tpu.memory_space<hbm>>
      %dma_start3A_478 = arith.constant 0 : i32
      %dma_start3A_479 = tpu.memref_slice %arg5[%dma_start3A_478] : memref<6288xi32, #tpu.memory_space<vmem>> -> memref<6272xi32, #tpu.memory_space<vmem>>
      %dma_start3A_480 = tpu.memref_slice %arg2[%mul3A_320] : memref<2408448xi32, #tpu.memory_space<hbm>> -> memref<6272xi32, #tpu.memory_space<hbm>>
      tpu.enqueue_dma source(%dma_start3A_480 : memref<6272xi32, #tpu.memory_space<hbm>>) target(%dma_start3A_479 : memref<6272xi32, #tpu.memory_space<vmem>>) target_semaphore(%run_scoped3A : memref<!tpu.dma_semaphore, #tpu.memory_space<semaphore_mem>>)
      %dma_wait3A_481 = arith.constant 0 : i32
      %dma_wait3A_482 = tpu.memref_slice %arg5[%dma_wait3A_481] : memref<6288xi32, #tpu.memory_space<vmem>> -> memref<6272xi32, #tpu.memory_space<vmem>>
      %dma_wait3A_483 = tpu.memref_slice %arg2[%mul3A_320] : memref<2408448xi32, #tpu.memory_space<hbm>> -> memref<6272xi32, #tpu.memory_space<hbm>>
      %dma_wait3A_484 = arith.constant 0 : i32
      %dma_wait3A_485 = tpu.memref_slice %arg5[%dma_wait3A_484] : memref<6288xi32, #tpu.memory_space<vmem>> -> memref<6272xi32, #tpu.memory_space<vmem>>
      %dma_wait3A_486 = tpu.memref_slice %arg2[%mul3A_320] : memref<2408448xi32, #tpu.memory_space<hbm>> -> memref<6272xi32, #tpu.memory_space<hbm>>
      tpu.wait_dma2 semaphore(%run_scoped3A : memref<!tpu.dma_semaphore, #tpu.memory_space<semaphore_mem>>) src(%dma_wait3A_486 : memref<6272xi32, #tpu.memory_space<hbm>>) dst(%dma_wait3A_485 : memref<6272xi32, #tpu.memory_space<vmem>>)
      tpu.yield
    }) : () -> ()
    %mul3A_321 = arith.constant 6272 : i32
    %mul3A_322 = arith.muli %add3A_298, %mul3A_321 : i32
    "tpu.region"() ({
      %run_scoped3A = tpu.sem_alloc : memref<!tpu.dma_semaphore, #tpu.memory_space<semaphore_mem>>
      %dma_start3A_475 = tpu.memref_slice %arg3[%mul3A_322] : memref<2408448xf32, #tpu.memory_space<hbm>> -> memref<6272xf32, #tpu.memory_space<hbm>>
      %dma_start3A_476 = tpu.memref_slice %arg3[%mul3A_322] : memref<2408448xf32, #tpu.memory_space<hbm>> -> memref<6272xf32, #tpu.memory_space<hbm>>
      tpu.enqueue_dma source(%dma_start3A_476 : memref<6272xf32, #tpu.memory_space<hbm>>) target(%arg7 : memref<6272xf32, #tpu.memory_space<vmem>>) target_semaphore(%run_scoped3A : memref<!tpu.dma_semaphore, #tpu.memory_space<semaphore_mem>>)
      %dma_wait3A_477 = tpu.memref_slice %arg3[%mul3A_322] : memref<2408448xf32, #tpu.memory_space<hbm>> -> memref<6272xf32, #tpu.memory_space<hbm>>
      %dma_wait3A_478 = tpu.memref_slice %arg3[%mul3A_322] : memref<2408448xf32, #tpu.memory_space<hbm>> -> memref<6272xf32, #tpu.memory_space<hbm>>
      tpu.wait_dma2 semaphore(%run_scoped3A : memref<!tpu.dma_semaphore, #tpu.memory_space<semaphore_mem>>) src(%dma_wait3A_478 : memref<6272xf32, #tpu.memory_space<hbm>>) dst(%arg7 : memref<6272xf32, #tpu.memory_space<vmem>>)
      tpu.yield
    }) : () -> ()
    %scan3A_323 = arith.constant 0 : i32
    %scan3A_324 = arith.constant 0 : i32
    %scan3A_325 = arith.constant 98 : i32
    %scan3A_326 = arith.addi %scan3A_324, %scan3A_325 : i32
    %scan3A_327 = arith.constant 1 : i32
    scf.for %scan3A_475 = %scan3A_324 to %scan3A_326 step %scan3A_327  : i32 {
      %mul3A_476 = arith.constant 4 : i32
      %mul3A_477 = arith.muli %scan3A_475, %mul3A_476 : i32
      %add3A_478 = arith.constant 0 : i32
      %add3A_479 = arith.addi %mul3A_477, %add3A_478 : i32
      %mul3A_480 = arith.constant 16 : i32
      %mul3A_481 = arith.muli %add3A_479, %mul3A_480 : i32
      %get3A = arith.index_cast %mul3A_481 : i32 to index
      %get3A_482 = tpu.vector_load %arg5[%get3A] {strides = array<i32>} : memref<6288xi32, #tpu.memory_space<vmem>>, vector<16xi32>,
      %add3A_483 = arith.constant 1 : i32
      %add3A_484 = arith.addi %mul3A_481, %add3A_483 : i32
      %get3A_485 = arith.index_cast %add3A_484 : i32 to index
      %get3A_486 = tpu.vector_load %arg5[%get3A_485] {strides = array<i32>} : memref<6288xi32, #tpu.memory_space<vmem>>, vector<16xi32>,
      %ne3A = arith.cmpi ne, %get3A_482, %get3A_486 : vector<16xi32>
      %sub3A_487 = vector.broadcast %mul3A_300 : i32 to vector<16xi32>
      %sub3A_488 = arith.subi %get3A_482, %sub3A_487 : vector<16xi32>
      %get3A_489 = arith.index_cast %mul3A_481 : i32 to index
      %get3A_490 = tpu.vector_load %arg7[%get3A_489] {strides = array<i32>} : memref<6272xf32, #tpu.memory_space<vmem>>, vector<16xf32>,
      tpu.vector_store_idx %arg8[%sub3A_488], %get3A_490 masked %ne3A : memref<50176xf32, #tpu.memory_space<vmem>>[vector<16xi32>], vector<16xf32>, vector<16xi1>
      %mul3A_491 = arith.constant 4 : i32
      %mul3A_492 = arith.muli %scan3A_475, %mul3A_491 : i32
      %add3A_493 = arith.constant 1 : i32
      %add3A_494 = arith.addi %mul3A_492, %add3A_493 : i32
      %mul3A_495 = arith.constant 16 : i32
      %mul3A_496 = arith.muli %add3A_494, %mul3A_495 : i32
      %get3A_497 = arith.index_cast %mul3A_496 : i32 to index
      %get3A_498 = tpu.vector_load %arg5[%get3A_497] {strides = array<i32>} : memref<6288xi32, #tpu.memory_space<vmem>>, vector<16xi32>,
      %add3A_499 = arith.constant 1 : i32
      %add3A_500 = arith.addi %mul3A_496, %add3A_499 : i32
      %get3A_501 = arith.index_cast %add3A_500 : i32 to index
      %get3A_502 = tpu.vector_load %arg5[%get3A_501] {strides = array<i32>} : memref<6288xi32, #tpu.memory_space<vmem>>, vector<16xi32>,
      %ne3A_503 = arith.cmpi ne, %get3A_498, %get3A_502 : vector<16xi32>
      %sub3A_504 = vector.broadcast %mul3A_300 : i32 to vector<16xi32>
      %sub3A_505 = arith.subi %get3A_498, %sub3A_504 : vector<16xi32>
      %get3A_506 = arith.index_cast %mul3A_496 : i32 to index
      %get3A_507 = tpu.vector_load %arg7[%get3A_506] {strides = array<i32>} : memref<6272xf32, #tpu.memory_space<vmem>>, vector<16xf32>,
      tpu.vector_store_idx %arg8[%sub3A_505], %get3A_507 masked %ne3A_503 : memref<50176xf32, #tpu.memory_space<vmem>>[vector<16xi32>], vector<16xf32>, vector<16xi1>
      %mul3A_508 = arith.constant 4 : i32
      %mul3A_509 = arith.muli %scan3A_475, %mul3A_508 : i32
      %add3A_510 = arith.constant 2 : i32
      %add3A_511 = arith.addi %mul3A_509, %add3A_510 : i32
      %mul3A_512 = arith.constant 16 : i32
      %mul3A_513 = arith.muli %add3A_511, %mul3A_512 : i32
      %get3A_514 = arith.index_cast %mul3A_513 : i32 to index
      %get3A_515 = tpu.vector_load %arg5[%get3A_514] {strides = array<i32>} : memref<6288xi32, #tpu.memory_space<vmem>>, vector<16xi32>,
      %add3A_516 = arith.constant 1 : i32
      %add3A_517 = arith.addi %mul3A_513, %add3A_516 : i32
      %get3A_518 = arith.index_cast %add3A_517 : i32 to index
      %get3A_519 = tpu.vector_load %arg5[%get3A_518] {strides = array<i32>} : memref<6288xi32, #tpu.memory_space<vmem>>, vector<16xi32>,
      %ne3A_520 = arith.cmpi ne, %get3A_515, %get3A_519 : vector<16xi32>
      %sub3A_521 = vector.broadcast %mul3A_300 : i32 to vector<16xi32>
      %sub3A_522 = arith.subi %get3A_515, %sub3A_521 : vector<16xi32>
      %get3A_523 = arith.index_cast %mul3A_513 : i32 to index
      %get3A_524 = tpu.vector_load %arg7[%get3A_523] {strides = array<i32>} : memref<6272xf32, #tpu.memory_space<vmem>>, vector<16xf32>,
      tpu.vector_store_idx %arg8[%sub3A_522], %get3A_524 masked %ne3A_520 : memref<50176xf32, #tpu.memory_space<vmem>>[vector<16xi32>], vector<16xf32>, vector<16xi1>
      %mul3A_525 = arith.constant 4 : i32
      %mul3A_526 = arith.muli %scan3A_475, %mul3A_525 : i32
      %add3A_527 = arith.constant 3 : i32
      %add3A_528 = arith.addi %mul3A_526, %add3A_527 : i32
      %mul3A_529 = arith.constant 16 : i32
      %mul3A_530 = arith.muli %add3A_528, %mul3A_529 : i32
      %get3A_531 = arith.index_cast %mul3A_530 : i32 to index
      %get3A_532 = tpu.vector_load %arg5[%get3A_531] {strides = array<i32>} : memref<6288xi32, #tpu.memory_space<vmem>>, vector<16xi32>,
      %add3A_533 = arith.constant 1 : i32
      %add3A_534 = arith.addi %mul3A_530, %add3A_533 : i32
      %get3A_535 = arith.index_cast %add3A_534 : i32 to index
      %get3A_536 = tpu.vector_load %arg5[%get3A_535] {strides = array<i32>} : memref<6288xi32, #tpu.memory_space<vmem>>, vector<16xi32>,
      %ne3A_537 = arith.cmpi ne, %get3A_532, %get3A_536 : vector<16xi32>
      %sub3A_538 = vector.broadcast %mul3A_300 : i32 to vector<16xi32>
      %sub3A_539 = arith.subi %get3A_532, %sub3A_538 : vector<16xi32>
      %get3A_540 = arith.index_cast %mul3A_530 : i32 to index
      %get3A_541 = tpu.vector_load %arg7[%get3A_540] {strides = array<i32>} : memref<6272xf32, #tpu.memory_space<vmem>>, vector<16xf32>,
      tpu.vector_store_idx %arg8[%sub3A_539], %get3A_541 masked %ne3A_537 : memref<50176xf32, #tpu.memory_space<vmem>>[vector<16xi32>], vector<16xf32>, vector<16xi1>
    }
    %scan3A_328 = arith.constant 98 : i32
    %dma_start3A_329 = arith.constant 0 : i32
    %dma_start3A_330 = tpu.memref_slice %arg4[%add3A_298, %dma_start3A_329] : memref<384x50176xf32, #tpu.memory_space<hbm>> -> memref<1x50176xf32, #tpu.memory_space<hbm>>
    %dma_start3A_331 = tpu.memref_squeeze %dma_start3A_330 : memref<1x50176xf32, #tpu.memory_space<hbm>> -> memref<50176xf32, #tpu.memory_space<hbm>>
    %dma_start3A_332 = arith.constant 0 : i32
    %dma_start3A_333 = tpu.memref_slice %arg4[%add3A_298, %dma_start3A_332] : memref<384x50176xf32, #tpu.memory_space<hbm>> -> memref<1x50176xf32, #tpu.memory_space<hbm>>
    %dma_start3A_334 = tpu.memref_squeeze %dma_start3A_333 : memref<1x50176xf32, #tpu.memory_space<hbm>> -> memref<50176xf32, #tpu.memory_space<hbm>>
    tpu.enqueue_dma source(%arg8 : memref<50176xf32, #tpu.memory_space<vmem>>) target(%dma_start3A_334 : memref<50176xf32, #tpu.memory_space<hbm>>) target_semaphore(%arg10 : memref<!tpu.dma_semaphore, #tpu.memory_space<semaphore_mem>>)
    %mul3A_335 = arith.constant 12 : i32
    %mul3A_336 = arith.muli %add3A, %mul3A_335 : i32
    %add3A_337 = arith.constant 9 : i32
    %add3A_338 = arith.addi %mul3A_336, %add3A_337 : i32
    %mul3A_339 = arith.constant 50176 : i32
    %mul3A_340 = arith.muli %add3A_338, %mul3A_339 : i32
    %sub3A_341 = arith.constant 2 : i32
    %sub3A_342 = arith.subi %add3A_338, %sub3A_341 : i32
    %mul3A_343 = arith.constant 50176 : i32
    %mul3A_344 = arith.muli %sub3A_342, %mul3A_343 : i32
    %sub3A_345 = arith.constant 2 : i32
    %sub3A_346 = arith.subi %add3A_338, %sub3A_345 : i32
    %dma_wait3A_347 = arith.constant 0 : i32
    %dma_wait3A_348 = tpu.memref_slice %arg4[%sub3A_346, %dma_wait3A_347] : memref<384x50176xf32, #tpu.memory_space<hbm>> -> memref<1x50176xf32, #tpu.memory_space<hbm>>
    %dma_wait3A_349 = tpu.memref_squeeze %dma_wait3A_348 : memref<1x50176xf32, #tpu.memory_space<hbm>> -> memref<50176xf32, #tpu.memory_space<hbm>>
    %dma_wait3A_350 = arith.constant 0 : i32
    %dma_wait3A_351 = tpu.memref_slice %arg4[%sub3A_346, %dma_wait3A_350] : memref<384x50176xf32, #tpu.memory_space<hbm>> -> memref<1x50176xf32, #tpu.memory_space<hbm>>
    %dma_wait3A_352 = tpu.memref_squeeze %dma_wait3A_351 : memref<1x50176xf32, #tpu.memory_space<hbm>> -> memref<50176xf32, #tpu.memory_space<hbm>>
    tpu.wait_dma2 semaphore(%arg11 : memref<!tpu.dma_semaphore, #tpu.memory_space<semaphore_mem>>) src(%arg9 : memref<50176xf32, #tpu.memory_space<vmem>>) dst(%dma_wait3A_352 : memref<50176xf32, #tpu.memory_space<hbm>>)
    %scan3A_353 = arith.constant 0 : i32
    %scan3A_354 = arith.constant 0 : i32
    %scan3A_355 = arith.constant 98 : i32
    %scan3A_356 = arith.addi %scan3A_354, %scan3A_355 : i32
    %scan3A_357 = arith.constant 1 : i32
    scf.for %scan3A_475 = %scan3A_354 to %scan3A_356 step %scan3A_357  : i32 {
      %mul3A_476 = arith.constant 4 : i32
      %mul3A_477 = arith.muli %scan3A_475, %mul3A_476 : i32
      %add3A_478 = arith.constant 0 : i32
      %add3A_479 = arith.addi %mul3A_477, %add3A_478 : i32
      %mul3A_480 = arith.constant 16 : i32
      %mul3A_481 = arith.muli %add3A_479, %mul3A_480 : i32
      %get3A = arith.index_cast %mul3A_481 : i32 to index
      %get3A_482 = tpu.vector_load %arg6[%get3A] {strides = array<i32>} : memref<6288xi32, #tpu.memory_space<vmem>>, vector<16xi32>,
      %sub3A_483 = vector.broadcast %mul3A_344 : i32 to vector<16xi32>
      %sub3A_484 = arith.subi %get3A_482, %sub3A_483 : vector<16xi32>
      tpu.vector_store_idx %arg9[%sub3A_484], %broadcast_in_dim3A_1 : memref<50176xf32, #tpu.memory_space<vmem>>[vector<16xi32>], vector<16xf32>,
      %mul3A_485 = arith.constant 4 : i32
      %mul3A_486 = arith.muli %scan3A_475, %mul3A_485 : i32
      %add3A_487 = arith.constant 1 : i32
      %add3A_488 = arith.addi %mul3A_486, %add3A_487 : i32
      %mul3A_489 = arith.constant 16 : i32
      %mul3A_490 = arith.muli %add3A_488, %mul3A_489 : i32
      %get3A_491 = arith.index_cast %mul3A_490 : i32 to index
      %get3A_492 = tpu.vector_load %arg6[%get3A_491] {strides = array<i32>} : memref<6288xi32, #tpu.memory_space<vmem>>, vector<16xi32>,
      %sub3A_493 = vector.broadcast %mul3A_344 : i32 to vector<16xi32>
      %sub3A_494 = arith.subi %get3A_492, %sub3A_493 : vector<16xi32>
      tpu.vector_store_idx %arg9[%sub3A_494], %broadcast_in_dim3A_1 : memref<50176xf32, #tpu.memory_space<vmem>>[vector<16xi32>], vector<16xf32>,
      %mul3A_495 = arith.constant 4 : i32
      %mul3A_496 = arith.muli %scan3A_475, %mul3A_495 : i32
      %add3A_497 = arith.constant 2 : i32
      %add3A_498 = arith.addi %mul3A_496, %add3A_497 : i32
      %mul3A_499 = arith.constant 16 : i32
      %mul3A_500 = arith.muli %add3A_498, %mul3A_499 : i32
      %get3A_501 = arith.index_cast %mul3A_500 : i32 to index
      %get3A_502 = tpu.vector_load %arg6[%get3A_501] {strides = array<i32>} : memref<6288xi32, #tpu.memory_space<vmem>>, vector<16xi32>,
      %sub3A_503 = vector.broadcast %mul3A_344 : i32 to vector<16xi32>
      %sub3A_504 = arith.subi %get3A_502, %sub3A_503 : vector<16xi32>
      tpu.vector_store_idx %arg9[%sub3A_504], %broadcast_in_dim3A_1 : memref<50176xf32, #tpu.memory_space<vmem>>[vector<16xi32>], vector<16xf32>,
      %mul3A_505 = arith.constant 4 : i32
      %mul3A_506 = arith.muli %scan3A_475, %mul3A_505 : i32
      %add3A_507 = arith.constant 3 : i32
      %add3A_508 = arith.addi %mul3A_506, %add3A_507 : i32
      %mul3A_509 = arith.constant 16 : i32
      %mul3A_510 = arith.muli %add3A_508, %mul3A_509 : i32
      %get3A_511 = arith.index_cast %mul3A_510 : i32 to index
      %get3A_512 = tpu.vector_load %arg6[%get3A_511] {strides = array<i32>} : memref<6288xi32, #tpu.memory_space<vmem>>, vector<16xi32>,
      %sub3A_513 = vector.broadcast %mul3A_344 : i32 to vector<16xi32>
      %sub3A_514 = arith.subi %get3A_512, %sub3A_513 : vector<16xi32>
      tpu.vector_store_idx %arg9[%sub3A_514], %broadcast_in_dim3A_1 : memref<50176xf32, #tpu.memory_space<vmem>>[vector<16xi32>], vector<16xf32>,
    }
    %scan3A_358 = arith.constant 98 : i32
    %mul3A_359 = arith.constant 6272 : i32
    %mul3A_360 = arith.muli %add3A_338, %mul3A_359 : i32
    "tpu.region"() ({
      %run_scoped3A = tpu.sem_alloc : memref<!tpu.dma_semaphore, #tpu.memory_space<semaphore_mem>>
      %dma_start3A_475 = arith.constant 0 : i32
      %dma_start3A_476 = tpu.memref_slice %arg6[%dma_start3A_475] : memref<6288xi32, #tpu.memory_space<vmem>> -> memref<6272xi32, #tpu.memory_space<vmem>>
      %dma_start3A_477 = tpu.memref_slice %arg2[%mul3A_360] : memref<2408448xi32, #tpu.memory_space<hbm>> -> memref<6272xi32, #tpu.memory_space<hbm>>
      %dma_start3A_478 = arith.constant 0 : i32
      %dma_start3A_479 = tpu.memref_slice %arg6[%dma_start3A_478] : memref<6288xi32, #tpu.memory_space<vmem>> -> memref<6272xi32, #tpu.memory_space<vmem>>
      %dma_start3A_480 = tpu.memref_slice %arg2[%mul3A_360] : memref<2408448xi32, #tpu.memory_space<hbm>> -> memref<6272xi32, #tpu.memory_space<hbm>>
      tpu.enqueue_dma source(%dma_start3A_480 : memref<6272xi32, #tpu.memory_space<hbm>>) target(%dma_start3A_479 : memref<6272xi32, #tpu.memory_space<vmem>>) target_semaphore(%run_scoped3A : memref<!tpu.dma_semaphore, #tpu.memory_space<semaphore_mem>>)
      %dma_wait3A_481 = arith.constant 0 : i32
      %dma_wait3A_482 = tpu.memref_slice %arg6[%dma_wait3A_481] : memref<6288xi32, #tpu.memory_space<vmem>> -> memref<6272xi32, #tpu.memory_space<vmem>>
      %dma_wait3A_483 = tpu.memref_slice %arg2[%mul3A_360] : memref<2408448xi32, #tpu.memory_space<hbm>> -> memref<6272xi32, #tpu.memory_space<hbm>>
      %dma_wait3A_484 = arith.constant 0 : i32
      %dma_wait3A_485 = tpu.memref_slice %arg6[%dma_wait3A_484] : memref<6288xi32, #tpu.memory_space<vmem>> -> memref<6272xi32, #tpu.memory_space<vmem>>
      %dma_wait3A_486 = tpu.memref_slice %arg2[%mul3A_360] : memref<2408448xi32, #tpu.memory_space<hbm>> -> memref<6272xi32, #tpu.memory_space<hbm>>
      tpu.wait_dma2 semaphore(%run_scoped3A : memref<!tpu.dma_semaphore, #tpu.memory_space<semaphore_mem>>) src(%dma_wait3A_486 : memref<6272xi32, #tpu.memory_space<hbm>>) dst(%dma_wait3A_485 : memref<6272xi32, #tpu.memory_space<vmem>>)
      tpu.yield
    }) : () -> ()
    %mul3A_361 = arith.constant 6272 : i32
    %mul3A_362 = arith.muli %add3A_338, %mul3A_361 : i32
    "tpu.region"() ({
      %run_scoped3A = tpu.sem_alloc : memref<!tpu.dma_semaphore, #tpu.memory_space<semaphore_mem>>
      %dma_start3A_475 = tpu.memref_slice %arg3[%mul3A_362] : memref<2408448xf32, #tpu.memory_space<hbm>> -> memref<6272xf32, #tpu.memory_space<hbm>>
      %dma_start3A_476 = tpu.memref_slice %arg3[%mul3A_362] : memref<2408448xf32, #tpu.memory_space<hbm>> -> memref<6272xf32, #tpu.memory_space<hbm>>
      tpu.enqueue_dma source(%dma_start3A_476 : memref<6272xf32, #tpu.memory_space<hbm>>) target(%arg7 : memref<6272xf32, #tpu.memory_space<vmem>>) target_semaphore(%run_scoped3A : memref<!tpu.dma_semaphore, #tpu.memory_space<semaphore_mem>>)
      %dma_wait3A_477 = tpu.memref_slice %arg3[%mul3A_362] : memref<2408448xf32, #tpu.memory_space<hbm>> -> memref<6272xf32, #tpu.memory_space<hbm>>
      %dma_wait3A_478 = tpu.memref_slice %arg3[%mul3A_362] : memref<2408448xf32, #tpu.memory_space<hbm>> -> memref<6272xf32, #tpu.memory_space<hbm>>
      tpu.wait_dma2 semaphore(%run_scoped3A : memref<!tpu.dma_semaphore, #tpu.memory_space<semaphore_mem>>) src(%dma_wait3A_478 : memref<6272xf32, #tpu.memory_space<hbm>>) dst(%arg7 : memref<6272xf32, #tpu.memory_space<vmem>>)
      tpu.yield
    }) : () -> ()
    %scan3A_363 = arith.constant 0 : i32
    %scan3A_364 = arith.constant 0 : i32
    %scan3A_365 = arith.constant 98 : i32
    %scan3A_366 = arith.addi %scan3A_364, %scan3A_365 : i32
    %scan3A_367 = arith.constant 1 : i32
    scf.for %scan3A_475 = %scan3A_364 to %scan3A_366 step %scan3A_367  : i32 {
      %mul3A_476 = arith.constant 4 : i32
      %mul3A_477 = arith.muli %scan3A_475, %mul3A_476 : i32
      %add3A_478 = arith.constant 0 : i32
      %add3A_479 = arith.addi %mul3A_477, %add3A_478 : i32
      %mul3A_480 = arith.constant 16 : i32
      %mul3A_481 = arith.muli %add3A_479, %mul3A_480 : i32
      %get3A = arith.index_cast %mul3A_481 : i32 to index
      %get3A_482 = tpu.vector_load %arg6[%get3A] {strides = array<i32>} : memref<6288xi32, #tpu.memory_space<vmem>>, vector<16xi32>,
      %add3A_483 = arith.constant 1 : i32
      %add3A_484 = arith.addi %mul3A_481, %add3A_483 : i32
      %get3A_485 = arith.index_cast %add3A_484 : i32 to index
      %get3A_486 = tpu.vector_load %arg6[%get3A_485] {strides = array<i32>} : memref<6288xi32, #tpu.memory_space<vmem>>, vector<16xi32>,
      %ne3A = arith.cmpi ne, %get3A_482, %get3A_486 : vector<16xi32>
      %sub3A_487 = vector.broadcast %mul3A_340 : i32 to vector<16xi32>
      %sub3A_488 = arith.subi %get3A_482, %sub3A_487 : vector<16xi32>
      %get3A_489 = arith.index_cast %mul3A_481 : i32 to index
      %get3A_490 = tpu.vector_load %arg7[%get3A_489] {strides = array<i32>} : memref<6272xf32, #tpu.memory_space<vmem>>, vector<16xf32>,
      tpu.vector_store_idx %arg9[%sub3A_488], %get3A_490 masked %ne3A : memref<50176xf32, #tpu.memory_space<vmem>>[vector<16xi32>], vector<16xf32>, vector<16xi1>
      %mul3A_491 = arith.constant 4 : i32
      %mul3A_492 = arith.muli %scan3A_475, %mul3A_491 : i32
      %add3A_493 = arith.constant 1 : i32
      %add3A_494 = arith.addi %mul3A_492, %add3A_493 : i32
      %mul3A_495 = arith.constant 16 : i32
      %mul3A_496 = arith.muli %add3A_494, %mul3A_495 : i32
      %get3A_497 = arith.index_cast %mul3A_496 : i32 to index
      %get3A_498 = tpu.vector_load %arg6[%get3A_497] {strides = array<i32>} : memref<6288xi32, #tpu.memory_space<vmem>>, vector<16xi32>,
      %add3A_499 = arith.constant 1 : i32
      %add3A_500 = arith.addi %mul3A_496, %add3A_499 : i32
      %get3A_501 = arith.index_cast %add3A_500 : i32 to index
      %get3A_502 = tpu.vector_load %arg6[%get3A_501] {strides = array<i32>} : memref<6288xi32, #tpu.memory_space<vmem>>, vector<16xi32>,
      %ne3A_503 = arith.cmpi ne, %get3A_498, %get3A_502 : vector<16xi32>
      %sub3A_504 = vector.broadcast %mul3A_340 : i32 to vector<16xi32>
      %sub3A_505 = arith.subi %get3A_498, %sub3A_504 : vector<16xi32>
      %get3A_506 = arith.index_cast %mul3A_496 : i32 to index
      %get3A_507 = tpu.vector_load %arg7[%get3A_506] {strides = array<i32>} : memref<6272xf32, #tpu.memory_space<vmem>>, vector<16xf32>,
      tpu.vector_store_idx %arg9[%sub3A_505], %get3A_507 masked %ne3A_503 : memref<50176xf32, #tpu.memory_space<vmem>>[vector<16xi32>], vector<16xf32>, vector<16xi1>
      %mul3A_508 = arith.constant 4 : i32
      %mul3A_509 = arith.muli %scan3A_475, %mul3A_508 : i32
      %add3A_510 = arith.constant 2 : i32
      %add3A_511 = arith.addi %mul3A_509, %add3A_510 : i32
      %mul3A_512 = arith.constant 16 : i32
      %mul3A_513 = arith.muli %add3A_511, %mul3A_512 : i32
      %get3A_514 = arith.index_cast %mul3A_513 : i32 to index
      %get3A_515 = tpu.vector_load %arg6[%get3A_514] {strides = array<i32>} : memref<6288xi32, #tpu.memory_space<vmem>>, vector<16xi32>,
      %add3A_516 = arith.constant 1 : i32
      %add3A_517 = arith.addi %mul3A_513, %add3A_516 : i32
      %get3A_518 = arith.index_cast %add3A_517 : i32 to index
      %get3A_519 = tpu.vector_load %arg6[%get3A_518] {strides = array<i32>} : memref<6288xi32, #tpu.memory_space<vmem>>, vector<16xi32>,
      %ne3A_520 = arith.cmpi ne, %get3A_515, %get3A_519 : vector<16xi32>
      %sub3A_521 = vector.broadcast %mul3A_340 : i32 to vector<16xi32>
      %sub3A_522 = arith.subi %get3A_515, %sub3A_521 : vector<16xi32>
      %get3A_523 = arith.index_cast %mul3A_513 : i32 to index
      %get3A_524 = tpu.vector_load %arg7[%get3A_523] {strides = array<i32>} : memref<6272xf32, #tpu.memory_space<vmem>>, vector<16xf32>,
      tpu.vector_store_idx %arg9[%sub3A_522], %get3A_524 masked %ne3A_520 : memref<50176xf32, #tpu.memory_space<vmem>>[vector<16xi32>], vector<16xf32>, vector<16xi1>
      %mul3A_525 = arith.constant 4 : i32
      %mul3A_526 = arith.muli %scan3A_475, %mul3A_525 : i32
      %add3A_527 = arith.constant 3 : i32
      %add3A_528 = arith.addi %mul3A_526, %add3A_527 : i32
      %mul3A_529 = arith.constant 16 : i32
      %mul3A_530 = arith.muli %add3A_528, %mul3A_529 : i32
      %get3A_531 = arith.index_cast %mul3A_530 : i32 to index
      %get3A_532 = tpu.vector_load %arg6[%get3A_531] {strides = array<i32>} : memref<6288xi32, #tpu.memory_space<vmem>>, vector<16xi32>,
      %add3A_533 = arith.constant 1 : i32
      %add3A_534 = arith.addi %mul3A_530, %add3A_533 : i32
      %get3A_535 = arith.index_cast %add3A_534 : i32 to index
      %get3A_536 = tpu.vector_load %arg6[%get3A_535] {strides = array<i32>} : memref<6288xi32, #tpu.memory_space<vmem>>, vector<16xi32>,
      %ne3A_537 = arith.cmpi ne, %get3A_532, %get3A_536 : vector<16xi32>
      %sub3A_538 = vector.broadcast %mul3A_340 : i32 to vector<16xi32>
      %sub3A_539 = arith.subi %get3A_532, %sub3A_538 : vector<16xi32>
      %get3A_540 = arith.index_cast %mul3A_530 : i32 to index
      %get3A_541 = tpu.vector_load %arg7[%get3A_540] {strides = array<i32>} : memref<6272xf32, #tpu.memory_space<vmem>>, vector<16xf32>,
      tpu.vector_store_idx %arg9[%sub3A_539], %get3A_541 masked %ne3A_537 : memref<50176xf32, #tpu.memory_space<vmem>>[vector<16xi32>], vector<16xf32>, vector<16xi1>
    }
    %scan3A_368 = arith.constant 98 : i32
    %dma_start3A_369 = arith.constant 0 : i32
    %dma_start3A_370 = tpu.memref_slice %arg4[%add3A_338, %dma_start3A_369] : memref<384x50176xf32, #tpu.memory_space<hbm>> -> memref<1x50176xf32, #tpu.memory_space<hbm>>
    %dma_start3A_371 = tpu.memref_squeeze %dma_start3A_370 : memref<1x50176xf32, #tpu.memory_space<hbm>> -> memref<50176xf32, #tpu.memory_space<hbm>>
    %dma_start3A_372 = arith.constant 0 : i32
    %dma_start3A_373 = tpu.memref_slice %arg4[%add3A_338, %dma_start3A_372] : memref<384x50176xf32, #tpu.memory_space<hbm>> -> memref<1x50176xf32, #tpu.memory_space<hbm>>
    %dma_start3A_374 = tpu.memref_squeeze %dma_start3A_373 : memref<1x50176xf32, #tpu.memory_space<hbm>> -> memref<50176xf32, #tpu.memory_space<hbm>>
    tpu.enqueue_dma source(%arg9 : memref<50176xf32, #tpu.memory_space<vmem>>) target(%dma_start3A_374 : memref<50176xf32, #tpu.memory_space<hbm>>) target_semaphore(%arg11 : memref<!tpu.dma_semaphore, #tpu.memory_space<semaphore_mem>>)
    %mul3A_375 = arith.constant 12 : i32
    %mul3A_376 = arith.muli %add3A, %mul3A_375 : i32
    %add3A_377 = arith.constant 10 : i32
    %add3A_378 = arith.addi %mul3A_376, %add3A_377 : i32
    %mul3A_379 = arith.constant 50176 : i32
    %mul3A_380 = arith.muli %add3A_378, %mul3A_379 : i32
    %sub3A_381 = arith.constant 2 : i32
    %sub3A_382 = arith.subi %add3A_378, %sub3A_381 : i32
    %mul3A_383 = arith.constant 50176 : i32
    %mul3A_384 = arith.muli %sub3A_382, %mul3A_383 : i32
    %sub3A_385 = arith.constant 2 : i32
    %sub3A_386 = arith.subi %add3A_378, %sub3A_385 : i32
    %dma_wait3A_387 = arith.constant 0 : i32
    %dma_wait3A_388 = tpu.memref_slice %arg4[%sub3A_386, %dma_wait3A_387] : memref<384x50176xf32, #tpu.memory_space<hbm>> -> memref<1x50176xf32, #tpu.memory_space<hbm>>
    %dma_wait3A_389 = tpu.memref_squeeze %dma_wait3A_388 : memref<1x50176xf32, #tpu.memory_space<hbm>> -> memref<50176xf32, #tpu.memory_space<hbm>>
    %dma_wait3A_390 = arith.constant 0 : i32
    %dma_wait3A_391 = tpu.memref_slice %arg4[%sub3A_386, %dma_wait3A_390] : memref<384x50176xf32, #tpu.memory_space<hbm>> -> memref<1x50176xf32, #tpu.memory_space<hbm>>
    %dma_wait3A_392 = tpu.memref_squeeze %dma_wait3A_391 : memref<1x50176xf32, #tpu.memory_space<hbm>> -> memref<50176xf32, #tpu.memory_space<hbm>>
    tpu.wait_dma2 semaphore(%arg10 : memref<!tpu.dma_semaphore, #tpu.memory_space<semaphore_mem>>) src(%arg8 : memref<50176xf32, #tpu.memory_space<vmem>>) dst(%dma_wait3A_392 : memref<50176xf32, #tpu.memory_space<hbm>>)
    %scan3A_393 = arith.constant 0 : i32
    %scan3A_394 = arith.constant 0 : i32
    %scan3A_395 = arith.constant 98 : i32
    %scan3A_396 = arith.addi %scan3A_394, %scan3A_395 : i32
    %scan3A_397 = arith.constant 1 : i32
    scf.for %scan3A_475 = %scan3A_394 to %scan3A_396 step %scan3A_397  : i32 {
      %mul3A_476 = arith.constant 4 : i32
      %mul3A_477 = arith.muli %scan3A_475, %mul3A_476 : i32
      %add3A_478 = arith.constant 0 : i32
      %add3A_479 = arith.addi %mul3A_477, %add3A_478 : i32
      %mul3A_480 = arith.constant 16 : i32
      %mul3A_481 = arith.muli %add3A_479, %mul3A_480 : i32
      %get3A = arith.index_cast %mul3A_481 : i32 to index
      %get3A_482 = tpu.vector_load %arg5[%get3A] {strides = array<i32>} : memref<6288xi32, #tpu.memory_space<vmem>>, vector<16xi32>,
      %sub3A_483 = vector.broadcast %mul3A_384 : i32 to vector<16xi32>
      %sub3A_484 = arith.subi %get3A_482, %sub3A_483 : vector<16xi32>
      tpu.vector_store_idx %arg8[%sub3A_484], %broadcast_in_dim3A_1 : memref<50176xf32, #tpu.memory_space<vmem>>[vector<16xi32>], vector<16xf32>,
      %mul3A_485 = arith.constant 4 : i32
      %mul3A_486 = arith.muli %scan3A_475, %mul3A_485 : i32
      %add3A_487 = arith.constant 1 : i32
      %add3A_488 = arith.addi %mul3A_486, %add3A_487 : i32
      %mul3A_489 = arith.constant 16 : i32
      %mul3A_490 = arith.muli %add3A_488, %mul3A_489 : i32
      %get3A_491 = arith.index_cast %mul3A_490 : i32 to index
      %get3A_492 = tpu.vector_load %arg5[%get3A_491] {strides = array<i32>} : memref<6288xi32, #tpu.memory_space<vmem>>, vector<16xi32>,
      %sub3A_493 = vector.broadcast %mul3A_384 : i32 to vector<16xi32>
      %sub3A_494 = arith.subi %get3A_492, %sub3A_493 : vector<16xi32>
      tpu.vector_store_idx %arg8[%sub3A_494], %broadcast_in_dim3A_1 : memref<50176xf32, #tpu.memory_space<vmem>>[vector<16xi32>], vector<16xf32>,
      %mul3A_495 = arith.constant 4 : i32
      %mul3A_496 = arith.muli %scan3A_475, %mul3A_495 : i32
      %add3A_497 = arith.constant 2 : i32
      %add3A_498 = arith.addi %mul3A_496, %add3A_497 : i32
      %mul3A_499 = arith.constant 16 : i32
      %mul3A_500 = arith.muli %add3A_498, %mul3A_499 : i32
      %get3A_501 = arith.index_cast %mul3A_500 : i32 to index
      %get3A_502 = tpu.vector_load %arg5[%get3A_501] {strides = array<i32>} : memref<6288xi32, #tpu.memory_space<vmem>>, vector<16xi32>,
      %sub3A_503 = vector.broadcast %mul3A_384 : i32 to vector<16xi32>
      %sub3A_504 = arith.subi %get3A_502, %sub3A_503 : vector<16xi32>
      tpu.vector_store_idx %arg8[%sub3A_504], %broadcast_in_dim3A_1 : memref<50176xf32, #tpu.memory_space<vmem>>[vector<16xi32>], vector<16xf32>,
      %mul3A_505 = arith.constant 4 : i32
      %mul3A_506 = arith.muli %scan3A_475, %mul3A_505 : i32
      %add3A_507 = arith.constant 3 : i32
      %add3A_508 = arith.addi %mul3A_506, %add3A_507 : i32
      %mul3A_509 = arith.constant 16 : i32
      %mul3A_510 = arith.muli %add3A_508, %mul3A_509 : i32
      %get3A_511 = arith.index_cast %mul3A_510 : i32 to index
      %get3A_512 = tpu.vector_load %arg5[%get3A_511] {strides = array<i32>} : memref<6288xi32, #tpu.memory_space<vmem>>, vector<16xi32>,
      %sub3A_513 = vector.broadcast %mul3A_384 : i32 to vector<16xi32>
      %sub3A_514 = arith.subi %get3A_512, %sub3A_513 : vector<16xi32>
      tpu.vector_store_idx %arg8[%sub3A_514], %broadcast_in_dim3A_1 : memref<50176xf32, #tpu.memory_space<vmem>>[vector<16xi32>], vector<16xf32>,
    }
    %scan3A_398 = arith.constant 98 : i32
    %mul3A_399 = arith.constant 6272 : i32
    %mul3A_400 = arith.muli %add3A_378, %mul3A_399 : i32
    "tpu.region"() ({
      %run_scoped3A = tpu.sem_alloc : memref<!tpu.dma_semaphore, #tpu.memory_space<semaphore_mem>>
      %dma_start3A_475 = arith.constant 0 : i32
      %dma_start3A_476 = tpu.memref_slice %arg5[%dma_start3A_475] : memref<6288xi32, #tpu.memory_space<vmem>> -> memref<6272xi32, #tpu.memory_space<vmem>>
      %dma_start3A_477 = tpu.memref_slice %arg2[%mul3A_400] : memref<2408448xi32, #tpu.memory_space<hbm>> -> memref<6272xi32, #tpu.memory_space<hbm>>
      %dma_start3A_478 = arith.constant 0 : i32
      %dma_start3A_479 = tpu.memref_slice %arg5[%dma_start3A_478] : memref<6288xi32, #tpu.memory_space<vmem>> -> memref<6272xi32, #tpu.memory_space<vmem>>
      %dma_start3A_480 = tpu.memref_slice %arg2[%mul3A_400] : memref<2408448xi32, #tpu.memory_space<hbm>> -> memref<6272xi32, #tpu.memory_space<hbm>>
      tpu.enqueue_dma source(%dma_start3A_480 : memref<6272xi32, #tpu.memory_space<hbm>>) target(%dma_start3A_479 : memref<6272xi32, #tpu.memory_space<vmem>>) target_semaphore(%run_scoped3A : memref<!tpu.dma_semaphore, #tpu.memory_space<semaphore_mem>>)
      %dma_wait3A_481 = arith.constant 0 : i32
      %dma_wait3A_482 = tpu.memref_slice %arg5[%dma_wait3A_481] : memref<6288xi32, #tpu.memory_space<vmem>> -> memref<6272xi32, #tpu.memory_space<vmem>>
      %dma_wait3A_483 = tpu.memref_slice %arg2[%mul3A_400] : memref<2408448xi32, #tpu.memory_space<hbm>> -> memref<6272xi32, #tpu.memory_space<hbm>>
      %dma_wait3A_484 = arith.constant 0 : i32
      %dma_wait3A_485 = tpu.memref_slice %arg5[%dma_wait3A_484] : memref<6288xi32, #tpu.memory_space<vmem>> -> memref<6272xi32, #tpu.memory_space<vmem>>
      %dma_wait3A_486 = tpu.memref_slice %arg2[%mul3A_400] : memref<2408448xi32, #tpu.memory_space<hbm>> -> memref<6272xi32, #tpu.memory_space<hbm>>
      tpu.wait_dma2 semaphore(%run_scoped3A : memref<!tpu.dma_semaphore, #tpu.memory_space<semaphore_mem>>) src(%dma_wait3A_486 : memref<6272xi32, #tpu.memory_space<hbm>>) dst(%dma_wait3A_485 : memref<6272xi32, #tpu.memory_space<vmem>>)
      tpu.yield
    }) : () -> ()
    %mul3A_401 = arith.constant 6272 : i32
    %mul3A_402 = arith.muli %add3A_378, %mul3A_401 : i32
    "tpu.region"() ({
      %run_scoped3A = tpu.sem_alloc : memref<!tpu.dma_semaphore, #tpu.memory_space<semaphore_mem>>
      %dma_start3A_475 = tpu.memref_slice %arg3[%mul3A_402] : memref<2408448xf32, #tpu.memory_space<hbm>> -> memref<6272xf32, #tpu.memory_space<hbm>>
      %dma_start3A_476 = tpu.memref_slice %arg3[%mul3A_402] : memref<2408448xf32, #tpu.memory_space<hbm>> -> memref<6272xf32, #tpu.memory_space<hbm>>
      tpu.enqueue_dma source(%dma_start3A_476 : memref<6272xf32, #tpu.memory_space<hbm>>) target(%arg7 : memref<6272xf32, #tpu.memory_space<vmem>>) target_semaphore(%run_scoped3A : memref<!tpu.dma_semaphore, #tpu.memory_space<semaphore_mem>>)
      %dma_wait3A_477 = tpu.memref_slice %arg3[%mul3A_402] : memref<2408448xf32, #tpu.memory_space<hbm>> -> memref<6272xf32, #tpu.memory_space<hbm>>
      %dma_wait3A_478 = tpu.memref_slice %arg3[%mul3A_402] : memref<2408448xf32, #tpu.memory_space<hbm>> -> memref<6272xf32, #tpu.memory_space<hbm>>
      tpu.wait_dma2 semaphore(%run_scoped3A : memref<!tpu.dma_semaphore, #tpu.memory_space<semaphore_mem>>) src(%dma_wait3A_478 : memref<6272xf32, #tpu.memory_space<hbm>>) dst(%arg7 : memref<6272xf32, #tpu.memory_space<vmem>>)
      tpu.yield
    }) : () -> ()
    %scan3A_403 = arith.constant 0 : i32
    %scan3A_404 = arith.constant 0 : i32
    %scan3A_405 = arith.constant 98 : i32
    %scan3A_406 = arith.addi %scan3A_404, %scan3A_405 : i32
    %scan3A_407 = arith.constant 1 : i32
    scf.for %scan3A_475 = %scan3A_404 to %scan3A_406 step %scan3A_407  : i32 {
      %mul3A_476 = arith.constant 4 : i32
      %mul3A_477 = arith.muli %scan3A_475, %mul3A_476 : i32
      %add3A_478 = arith.constant 0 : i32
      %add3A_479 = arith.addi %mul3A_477, %add3A_478 : i32
      %mul3A_480 = arith.constant 16 : i32
      %mul3A_481 = arith.muli %add3A_479, %mul3A_480 : i32
      %get3A = arith.index_cast %mul3A_481 : i32 to index
      %get3A_482 = tpu.vector_load %arg5[%get3A] {strides = array<i32>} : memref<6288xi32, #tpu.memory_space<vmem>>, vector<16xi32>,
      %add3A_483 = arith.constant 1 : i32
      %add3A_484 = arith.addi %mul3A_481, %add3A_483 : i32
      %get3A_485 = arith.index_cast %add3A_484 : i32 to index
      %get3A_486 = tpu.vector_load %arg5[%get3A_485] {strides = array<i32>} : memref<6288xi32, #tpu.memory_space<vmem>>, vector<16xi32>,
      %ne3A = arith.cmpi ne, %get3A_482, %get3A_486 : vector<16xi32>
      %sub3A_487 = vector.broadcast %mul3A_380 : i32 to vector<16xi32>
      %sub3A_488 = arith.subi %get3A_482, %sub3A_487 : vector<16xi32>
      %get3A_489 = arith.index_cast %mul3A_481 : i32 to index
      %get3A_490 = tpu.vector_load %arg7[%get3A_489] {strides = array<i32>} : memref<6272xf32, #tpu.memory_space<vmem>>, vector<16xf32>,
      tpu.vector_store_idx %arg8[%sub3A_488], %get3A_490 masked %ne3A : memref<50176xf32, #tpu.memory_space<vmem>>[vector<16xi32>], vector<16xf32>, vector<16xi1>
      %mul3A_491 = arith.constant 4 : i32
      %mul3A_492 = arith.muli %scan3A_475, %mul3A_491 : i32
      %add3A_493 = arith.constant 1 : i32
      %add3A_494 = arith.addi %mul3A_492, %add3A_493 : i32
      %mul3A_495 = arith.constant 16 : i32
      %mul3A_496 = arith.muli %add3A_494, %mul3A_495 : i32
      %get3A_497 = arith.index_cast %mul3A_496 : i32 to index
      %get3A_498 = tpu.vector_load %arg5[%get3A_497] {strides = array<i32>} : memref<6288xi32, #tpu.memory_space<vmem>>, vector<16xi32>,
      %add3A_499 = arith.constant 1 : i32
      %add3A_500 = arith.addi %mul3A_496, %add3A_499 : i32
      %get3A_501 = arith.index_cast %add3A_500 : i32 to index
      %get3A_502 = tpu.vector_load %arg5[%get3A_501] {strides = array<i32>} : memref<6288xi32, #tpu.memory_space<vmem>>, vector<16xi32>,
      %ne3A_503 = arith.cmpi ne, %get3A_498, %get3A_502 : vector<16xi32>
      %sub3A_504 = vector.broadcast %mul3A_380 : i32 to vector<16xi32>
      %sub3A_505 = arith.subi %get3A_498, %sub3A_504 : vector<16xi32>
      %get3A_506 = arith.index_cast %mul3A_496 : i32 to index
      %get3A_507 = tpu.vector_load %arg7[%get3A_506] {strides = array<i32>} : memref<6272xf32, #tpu.memory_space<vmem>>, vector<16xf32>,
      tpu.vector_store_idx %arg8[%sub3A_505], %get3A_507 masked %ne3A_503 : memref<50176xf32, #tpu.memory_space<vmem>>[vector<16xi32>], vector<16xf32>, vector<16xi1>
      %mul3A_508 = arith.constant 4 : i32
      %mul3A_509 = arith.muli %scan3A_475, %mul3A_508 : i32
      %add3A_510 = arith.constant 2 : i32
      %add3A_511 = arith.addi %mul3A_509, %add3A_510 : i32
      %mul3A_512 = arith.constant 16 : i32
      %mul3A_513 = arith.muli %add3A_511, %mul3A_512 : i32
      %get3A_514 = arith.index_cast %mul3A_513 : i32 to index
      %get3A_515 = tpu.vector_load %arg5[%get3A_514] {strides = array<i32>} : memref<6288xi32, #tpu.memory_space<vmem>>, vector<16xi32>,
      %add3A_516 = arith.constant 1 : i32
      %add3A_517 = arith.addi %mul3A_513, %add3A_516 : i32
      %get3A_518 = arith.index_cast %add3A_517 : i32 to index
      %get3A_519 = tpu.vector_load %arg5[%get3A_518] {strides = array<i32>} : memref<6288xi32, #tpu.memory_space<vmem>>, vector<16xi32>,
      %ne3A_520 = arith.cmpi ne, %get3A_515, %get3A_519 : vector<16xi32>
      %sub3A_521 = vector.broadcast %mul3A_380 : i32 to vector<16xi32>
      %sub3A_522 = arith.subi %get3A_515, %sub3A_521 : vector<16xi32>
      %get3A_523 = arith.index_cast %mul3A_513 : i32 to index
      %get3A_524 = tpu.vector_load %arg7[%get3A_523] {strides = array<i32>} : memref<6272xf32, #tpu.memory_space<vmem>>, vector<16xf32>,
      tpu.vector_store_idx %arg8[%sub3A_522], %get3A_524 masked %ne3A_520 : memref<50176xf32, #tpu.memory_space<vmem>>[vector<16xi32>], vector<16xf32>, vector<16xi1>
      %mul3A_525 = arith.constant 4 : i32
      %mul3A_526 = arith.muli %scan3A_475, %mul3A_525 : i32
      %add3A_527 = arith.constant 3 : i32
      %add3A_528 = arith.addi %mul3A_526, %add3A_527 : i32
      %mul3A_529 = arith.constant 16 : i32
      %mul3A_530 = arith.muli %add3A_528, %mul3A_529 : i32
      %get3A_531 = arith.index_cast %mul3A_530 : i32 to index
      %get3A_532 = tpu.vector_load %arg5[%get3A_531] {strides = array<i32>} : memref<6288xi32, #tpu.memory_space<vmem>>, vector<16xi32>,
      %add3A_533 = arith.constant 1 : i32
      %add3A_534 = arith.addi %mul3A_530, %add3A_533 : i32
      %get3A_535 = arith.index_cast %add3A_534 : i32 to index
      %get3A_536 = tpu.vector_load %arg5[%get3A_535] {strides = array<i32>} : memref<6288xi32, #tpu.memory_space<vmem>>, vector<16xi32>,
      %ne3A_537 = arith.cmpi ne, %get3A_532, %get3A_536 : vector<16xi32>
      %sub3A_538 = vector.broadcast %mul3A_380 : i32 to vector<16xi32>
      %sub3A_539 = arith.subi %get3A_532, %sub3A_538 : vector<16xi32>
      %get3A_540 = arith.index_cast %mul3A_530 : i32 to index
      %get3A_541 = tpu.vector_load %arg7[%get3A_540] {strides = array<i32>} : memref<6272xf32, #tpu.memory_space<vmem>>, vector<16xf32>,
      tpu.vector_store_idx %arg8[%sub3A_539], %get3A_541 masked %ne3A_537 : memref<50176xf32, #tpu.memory_space<vmem>>[vector<16xi32>], vector<16xf32>, vector<16xi1>
    }
    %scan3A_408 = arith.constant 98 : i32
    %dma_start3A_409 = arith.constant 0 : i32
    %dma_start3A_410 = tpu.memref_slice %arg4[%add3A_378, %dma_start3A_409] : memref<384x50176xf32, #tpu.memory_space<hbm>> -> memref<1x50176xf32, #tpu.memory_space<hbm>>
    %dma_start3A_411 = tpu.memref_squeeze %dma_start3A_410 : memref<1x50176xf32, #tpu.memory_space<hbm>> -> memref<50176xf32, #tpu.memory_space<hbm>>
    %dma_start3A_412 = arith.constant 0 : i32
    %dma_start3A_413 = tpu.memref_slice %arg4[%add3A_378, %dma_start3A_412] : memref<384x50176xf32, #tpu.memory_space<hbm>> -> memref<1x50176xf32, #tpu.memory_space<hbm>>
    %dma_start3A_414 = tpu.memref_squeeze %dma_start3A_413 : memref<1x50176xf32, #tpu.memory_space<hbm>> -> memref<50176xf32, #tpu.memory_space<hbm>>
    tpu.enqueue_dma source(%arg8 : memref<50176xf32, #tpu.memory_space<vmem>>) target(%dma_start3A_414 : memref<50176xf32, #tpu.memory_space<hbm>>) target_semaphore(%arg10 : memref<!tpu.dma_semaphore, #tpu.memory_space<semaphore_mem>>)
    %mul3A_415 = arith.constant 12 : i32
    %mul3A_416 = arith.muli %add3A, %mul3A_415 : i32
    %add3A_417 = arith.constant 11 : i32
    %add3A_418 = arith.addi %mul3A_416, %add3A_417 : i32
    %mul3A_419 = arith.constant 50176 : i32
    %mul3A_420 = arith.muli %add3A_418, %mul3A_419 : i32
    %sub3A_421 = arith.constant 2 : i32
    %sub3A_422 = arith.subi %add3A_418, %sub3A_421 : i32
    %mul3A_423 = arith.constant 50176 : i32
    %mul3A_424 = arith.muli %sub3A_422, %mul3A_423 : i32
    %sub3A_425 = arith.constant 2 : i32
    %sub3A_426 = arith.subi %add3A_418, %sub3A_425 : i32
    %dma_wait3A_427 = arith.constant 0 : i32
    %dma_wait3A_428 = tpu.memref_slice %arg4[%sub3A_426, %dma_wait3A_427] : memref<384x50176xf32, #tpu.memory_space<hbm>> -> memref<1x50176xf32, #tpu.memory_space<hbm>>
    %dma_wait3A_429 = tpu.memref_squeeze %dma_wait3A_428 : memref<1x50176xf32, #tpu.memory_space<hbm>> -> memref<50176xf32, #tpu.memory_space<hbm>>
    %dma_wait3A_430 = arith.constant 0 : i32
    %dma_wait3A_431 = tpu.memref_slice %arg4[%sub3A_426, %dma_wait3A_430] : memref<384x50176xf32, #tpu.memory_space<hbm>> -> memref<1x50176xf32, #tpu.memory_space<hbm>>
    %dma_wait3A_432 = tpu.memref_squeeze %dma_wait3A_431 : memref<1x50176xf32, #tpu.memory_space<hbm>> -> memref<50176xf32, #tpu.memory_space<hbm>>
    tpu.wait_dma2 semaphore(%arg11 : memref<!tpu.dma_semaphore, #tpu.memory_space<semaphore_mem>>) src(%arg9 : memref<50176xf32, #tpu.memory_space<vmem>>) dst(%dma_wait3A_432 : memref<50176xf32, #tpu.memory_space<hbm>>)
    %scan3A_433 = arith.constant 0 : i32
    %scan3A_434 = arith.constant 0 : i32
    %scan3A_435 = arith.constant 98 : i32
    %scan3A_436 = arith.addi %scan3A_434, %scan3A_435 : i32
    %scan3A_437 = arith.constant 1 : i32
    scf.for %scan3A_475 = %scan3A_434 to %scan3A_436 step %scan3A_437  : i32 {
      %mul3A_476 = arith.constant 4 : i32
      %mul3A_477 = arith.muli %scan3A_475, %mul3A_476 : i32
      %add3A_478 = arith.constant 0 : i32
      %add3A_479 = arith.addi %mul3A_477, %add3A_478 : i32
      %mul3A_480 = arith.constant 16 : i32
      %mul3A_481 = arith.muli %add3A_479, %mul3A_480 : i32
      %get3A = arith.index_cast %mul3A_481 : i32 to index
      %get3A_482 = tpu.vector_load %arg6[%get3A] {strides = array<i32>} : memref<6288xi32, #tpu.memory_space<vmem>>, vector<16xi32>,
      %sub3A_483 = vector.broadcast %mul3A_424 : i32 to vector<16xi32>
      %sub3A_484 = arith.subi %get3A_482, %sub3A_483 : vector<16xi32>
      tpu.vector_store_idx %arg9[%sub3A_484], %broadcast_in_dim3A_1 : memref<50176xf32, #tpu.memory_space<vmem>>[vector<16xi32>], vector<16xf32>,
      %mul3A_485 = arith.constant 4 : i32
      %mul3A_486 = arith.muli %scan3A_475, %mul3A_485 : i32
      %add3A_487 = arith.constant 1 : i32
      %add3A_488 = arith.addi %mul3A_486, %add3A_487 : i32
      %mul3A_489 = arith.constant 16 : i32
      %mul3A_490 = arith.muli %add3A_488, %mul3A_489 : i32
      %get3A_491 = arith.index_cast %mul3A_490 : i32 to index
      %get3A_492 = tpu.vector_load %arg6[%get3A_491] {strides = array<i32>} : memref<6288xi32, #tpu.memory_space<vmem>>, vector<16xi32>,
      %sub3A_493 = vector.broadcast %mul3A_424 : i32 to vector<16xi32>
      %sub3A_494 = arith.subi %get3A_492, %sub3A_493 : vector<16xi32>
      tpu.vector_store_idx %arg9[%sub3A_494], %broadcast_in_dim3A_1 : memref<50176xf32, #tpu.memory_space<vmem>>[vector<16xi32>], vector<16xf32>,
      %mul3A_495 = arith.constant 4 : i32
      %mul3A_496 = arith.muli %scan3A_475, %mul3A_495 : i32
      %add3A_497 = arith.constant 2 : i32
      %add3A_498 = arith.addi %mul3A_496, %add3A_497 : i32
      %mul3A_499 = arith.constant 16 : i32
      %mul3A_500 = arith.muli %add3A_498, %mul3A_499 : i32
      %get3A_501 = arith.index_cast %mul3A_500 : i32 to index
      %get3A_502 = tpu.vector_load %arg6[%get3A_501] {strides = array<i32>} : memref<6288xi32, #tpu.memory_space<vmem>>, vector<16xi32>,
      %sub3A_503 = vector.broadcast %mul3A_424 : i32 to vector<16xi32>
      %sub3A_504 = arith.subi %get3A_502, %sub3A_503 : vector<16xi32>
      tpu.vector_store_idx %arg9[%sub3A_504], %broadcast_in_dim3A_1 : memref<50176xf32, #tpu.memory_space<vmem>>[vector<16xi32>], vector<16xf32>,
      %mul3A_505 = arith.constant 4 : i32
      %mul3A_506 = arith.muli %scan3A_475, %mul3A_505 : i32
      %add3A_507 = arith.constant 3 : i32
      %add3A_508 = arith.addi %mul3A_506, %add3A_507 : i32
      %mul3A_509 = arith.constant 16 : i32
      %mul3A_510 = arith.muli %add3A_508, %mul3A_509 : i32
      %get3A_511 = arith.index_cast %mul3A_510 : i32 to index
      %get3A_512 = tpu.vector_load %arg6[%get3A_511] {strides = array<i32>} : memref<6288xi32, #tpu.memory_space<vmem>>, vector<16xi32>,
      %sub3A_513 = vector.broadcast %mul3A_424 : i32 to vector<16xi32>
      %sub3A_514 = arith.subi %get3A_512, %sub3A_513 : vector<16xi32>
      tpu.vector_store_idx %arg9[%sub3A_514], %broadcast_in_dim3A_1 : memref<50176xf32, #tpu.memory_space<vmem>>[vector<16xi32>], vector<16xf32>,
    }
    %scan3A_438 = arith.constant 98 : i32
    %mul3A_439 = arith.constant 6272 : i32
    %mul3A_440 = arith.muli %add3A_418, %mul3A_439 : i32
    "tpu.region"() ({
      %run_scoped3A = tpu.sem_alloc : memref<!tpu.dma_semaphore, #tpu.memory_space<semaphore_mem>>
      %dma_start3A_475 = arith.constant 0 : i32
      %dma_start3A_476 = tpu.memref_slice %arg6[%dma_start3A_475] : memref<6288xi32, #tpu.memory_space<vmem>> -> memref<6272xi32, #tpu.memory_space<vmem>>
      %dma_start3A_477 = tpu.memref_slice %arg2[%mul3A_440] : memref<2408448xi32, #tpu.memory_space<hbm>> -> memref<6272xi32, #tpu.memory_space<hbm>>
      %dma_start3A_478 = arith.constant 0 : i32
      %dma_start3A_479 = tpu.memref_slice %arg6[%dma_start3A_478] : memref<6288xi32, #tpu.memory_space<vmem>> -> memref<6272xi32, #tpu.memory_space<vmem>>
      %dma_start3A_480 = tpu.memref_slice %arg2[%mul3A_440] : memref<2408448xi32, #tpu.memory_space<hbm>> -> memref<6272xi32, #tpu.memory_space<hbm>>
      tpu.enqueue_dma source(%dma_start3A_480 : memref<6272xi32, #tpu.memory_space<hbm>>) target(%dma_start3A_479 : memref<6272xi32, #tpu.memory_space<vmem>>) target_semaphore(%run_scoped3A : memref<!tpu.dma_semaphore, #tpu.memory_space<semaphore_mem>>)
      %dma_wait3A_481 = arith.constant 0 : i32
      %dma_wait3A_482 = tpu.memref_slice %arg6[%dma_wait3A_481] : memref<6288xi32, #tpu.memory_space<vmem>> -> memref<6272xi32, #tpu.memory_space<vmem>>
      %dma_wait3A_483 = tpu.memref_slice %arg2[%mul3A_440] : memref<2408448xi32, #tpu.memory_space<hbm>> -> memref<6272xi32, #tpu.memory_space<hbm>>
      %dma_wait3A_484 = arith.constant 0 : i32
      %dma_wait3A_485 = tpu.memref_slice %arg6[%dma_wait3A_484] : memref<6288xi32, #tpu.memory_space<vmem>> -> memref<6272xi32, #tpu.memory_space<vmem>>
      %dma_wait3A_486 = tpu.memref_slice %arg2[%mul3A_440] : memref<2408448xi32, #tpu.memory_space<hbm>> -> memref<6272xi32, #tpu.memory_space<hbm>>
      tpu.wait_dma2 semaphore(%run_scoped3A : memref<!tpu.dma_semaphore, #tpu.memory_space<semaphore_mem>>) src(%dma_wait3A_486 : memref<6272xi32, #tpu.memory_space<hbm>>) dst(%dma_wait3A_485 : memref<6272xi32, #tpu.memory_space<vmem>>)
      tpu.yield
    }) : () -> ()
    %mul3A_441 = arith.constant 6272 : i32
    %mul3A_442 = arith.muli %add3A_418, %mul3A_441 : i32
    "tpu.region"() ({
      %run_scoped3A = tpu.sem_alloc : memref<!tpu.dma_semaphore, #tpu.memory_space<semaphore_mem>>
      %dma_start3A_475 = tpu.memref_slice %arg3[%mul3A_442] : memref<2408448xf32, #tpu.memory_space<hbm>> -> memref<6272xf32, #tpu.memory_space<hbm>>
      %dma_start3A_476 = tpu.memref_slice %arg3[%mul3A_442] : memref<2408448xf32, #tpu.memory_space<hbm>> -> memref<6272xf32, #tpu.memory_space<hbm>>
      tpu.enqueue_dma source(%dma_start3A_476 : memref<6272xf32, #tpu.memory_space<hbm>>) target(%arg7 : memref<6272xf32, #tpu.memory_space<vmem>>) target_semaphore(%run_scoped3A : memref<!tpu.dma_semaphore, #tpu.memory_space<semaphore_mem>>)
      %dma_wait3A_477 = tpu.memref_slice %arg3[%mul3A_442] : memref<2408448xf32, #tpu.memory_space<hbm>> -> memref<6272xf32, #tpu.memory_space<hbm>>
      %dma_wait3A_478 = tpu.memref_slice %arg3[%mul3A_442] : memref<2408448xf32, #tpu.memory_space<hbm>> -> memref<6272xf32, #tpu.memory_space<hbm>>
      tpu.wait_dma2 semaphore(%run_scoped3A : memref<!tpu.dma_semaphore, #tpu.memory_space<semaphore_mem>>) src(%dma_wait3A_478 : memref<6272xf32, #tpu.memory_space<hbm>>) dst(%arg7 : memref<6272xf32, #tpu.memory_space<vmem>>)
      tpu.yield
    }) : () -> ()
    %scan3A_443 = arith.constant 0 : i32
    %scan3A_444 = arith.constant 0 : i32
    %scan3A_445 = arith.constant 98 : i32
    %scan3A_446 = arith.addi %scan3A_444, %scan3A_445 : i32
    %scan3A_447 = arith.constant 1 : i32
    scf.for %scan3A_475 = %scan3A_444 to %scan3A_446 step %scan3A_447  : i32 {
      %mul3A_476 = arith.constant 4 : i32
      %mul3A_477 = arith.muli %scan3A_475, %mul3A_476 : i32
      %add3A_478 = arith.constant 0 : i32
      %add3A_479 = arith.addi %mul3A_477, %add3A_478 : i32
      %mul3A_480 = arith.constant 16 : i32
      %mul3A_481 = arith.muli %add3A_479, %mul3A_480 : i32
      %get3A = arith.index_cast %mul3A_481 : i32 to index
      %get3A_482 = tpu.vector_load %arg6[%get3A] {strides = array<i32>} : memref<6288xi32, #tpu.memory_space<vmem>>, vector<16xi32>,
      %add3A_483 = arith.constant 1 : i32
      %add3A_484 = arith.addi %mul3A_481, %add3A_483 : i32
      %get3A_485 = arith.index_cast %add3A_484 : i32 to index
      %get3A_486 = tpu.vector_load %arg6[%get3A_485] {strides = array<i32>} : memref<6288xi32, #tpu.memory_space<vmem>>, vector<16xi32>,
      %ne3A = arith.cmpi ne, %get3A_482, %get3A_486 : vector<16xi32>
      %sub3A_487 = vector.broadcast %mul3A_420 : i32 to vector<16xi32>
      %sub3A_488 = arith.subi %get3A_482, %sub3A_487 : vector<16xi32>
      %get3A_489 = arith.index_cast %mul3A_481 : i32 to index
      %get3A_490 = tpu.vector_load %arg7[%get3A_489] {strides = array<i32>} : memref<6272xf32, #tpu.memory_space<vmem>>, vector<16xf32>,
      tpu.vector_store_idx %arg9[%sub3A_488], %get3A_490 masked %ne3A : memref<50176xf32, #tpu.memory_space<vmem>>[vector<16xi32>], vector<16xf32>, vector<16xi1>
      %mul3A_491 = arith.constant 4 : i32
      %mul3A_492 = arith.muli %scan3A_475, %mul3A_491 : i32
      %add3A_493 = arith.constant 1 : i32
      %add3A_494 = arith.addi %mul3A_492, %add3A_493 : i32
      %mul3A_495 = arith.constant 16 : i32
      %mul3A_496 = arith.muli %add3A_494, %mul3A_495 : i32
      %get3A_497 = arith.index_cast %mul3A_496 : i32 to index
      %get3A_498 = tpu.vector_load %arg6[%get3A_497] {strides = array<i32>} : memref<6288xi32, #tpu.memory_space<vmem>>, vector<16xi32>,
      %add3A_499 = arith.constant 1 : i32
      %add3A_500 = arith.addi %mul3A_496, %add3A_499 : i32
      %get3A_501 = arith.index_cast %add3A_500 : i32 to index
      %get3A_502 = tpu.vector_load %arg6[%get3A_501] {strides = array<i32>} : memref<6288xi32, #tpu.memory_space<vmem>>, vector<16xi32>,
      %ne3A_503 = arith.cmpi ne, %get3A_498, %get3A_502 : vector<16xi32>
      %sub3A_504 = vector.broadcast %mul3A_420 : i32 to vector<16xi32>
      %sub3A_505 = arith.subi %get3A_498, %sub3A_504 : vector<16xi32>
      %get3A_506 = arith.index_cast %mul3A_496 : i32 to index
      %get3A_507 = tpu.vector_load %arg7[%get3A_506] {strides = array<i32>} : memref<6272xf32, #tpu.memory_space<vmem>>, vector<16xf32>,
      tpu.vector_store_idx %arg9[%sub3A_505], %get3A_507 masked %ne3A_503 : memref<50176xf32, #tpu.memory_space<vmem>>[vector<16xi32>], vector<16xf32>, vector<16xi1>
      %mul3A_508 = arith.constant 4 : i32
      %mul3A_509 = arith.muli %scan3A_475, %mul3A_508 : i32
      %add3A_510 = arith.constant 2 : i32
      %add3A_511 = arith.addi %mul3A_509, %add3A_510 : i32
      %mul3A_512 = arith.constant 16 : i32
      %mul3A_513 = arith.muli %add3A_511, %mul3A_512 : i32
      %get3A_514 = arith.index_cast %mul3A_513 : i32 to index
      %get3A_515 = tpu.vector_load %arg6[%get3A_514] {strides = array<i32>} : memref<6288xi32, #tpu.memory_space<vmem>>, vector<16xi32>,
      %add3A_516 = arith.constant 1 : i32
      %add3A_517 = arith.addi %mul3A_513, %add3A_516 : i32
      %get3A_518 = arith.index_cast %add3A_517 : i32 to index
      %get3A_519 = tpu.vector_load %arg6[%get3A_518] {strides = array<i32>} : memref<6288xi32, #tpu.memory_space<vmem>>, vector<16xi32>,
      %ne3A_520 = arith.cmpi ne, %get3A_515, %get3A_519 : vector<16xi32>
      %sub3A_521 = vector.broadcast %mul3A_420 : i32 to vector<16xi32>
      %sub3A_522 = arith.subi %get3A_515, %sub3A_521 : vector<16xi32>
      %get3A_523 = arith.index_cast %mul3A_513 : i32 to index
      %get3A_524 = tpu.vector_load %arg7[%get3A_523] {strides = array<i32>} : memref<6272xf32, #tpu.memory_space<vmem>>, vector<16xf32>,
      tpu.vector_store_idx %arg9[%sub3A_522], %get3A_524 masked %ne3A_520 : memref<50176xf32, #tpu.memory_space<vmem>>[vector<16xi32>], vector<16xf32>, vector<16xi1>
      %mul3A_525 = arith.constant 4 : i32
      %mul3A_526 = arith.muli %scan3A_475, %mul3A_525 : i32
      %add3A_527 = arith.constant 3 : i32
      %add3A_528 = arith.addi %mul3A_526, %add3A_527 : i32
      %mul3A_529 = arith.constant 16 : i32
      %mul3A_530 = arith.muli %add3A_528, %mul3A_529 : i32
      %get3A_531 = arith.index_cast %mul3A_530 : i32 to index
      %get3A_532 = tpu.vector_load %arg6[%get3A_531] {strides = array<i32>} : memref<6288xi32, #tpu.memory_space<vmem>>, vector<16xi32>,
      %add3A_533 = arith.constant 1 : i32
      %add3A_534 = arith.addi %mul3A_530, %add3A_533 : i32
      %get3A_535 = arith.index_cast %add3A_534 : i32 to index
      %get3A_536 = tpu.vector_load %arg6[%get3A_535] {strides = array<i32>} : memref<6288xi32, #tpu.memory_space<vmem>>, vector<16xi32>,
      %ne3A_537 = arith.cmpi ne, %get3A_532, %get3A_536 : vector<16xi32>
      %sub3A_538 = vector.broadcast %mul3A_420 : i32 to vector<16xi32>
      %sub3A_539 = arith.subi %get3A_532, %sub3A_538 : vector<16xi32>
      %get3A_540 = arith.index_cast %mul3A_530 : i32 to index
      %get3A_541 = tpu.vector_load %arg7[%get3A_540] {strides = array<i32>} : memref<6272xf32, #tpu.memory_space<vmem>>, vector<16xf32>,
      tpu.vector_store_idx %arg9[%sub3A_539], %get3A_541 masked %ne3A_537 : memref<50176xf32, #tpu.memory_space<vmem>>[vector<16xi32>], vector<16xf32>, vector<16xi1>
    }
    %scan3A_448 = arith.constant 98 : i32
    %dma_start3A_449 = arith.constant 0 : i32
    %dma_start3A_450 = tpu.memref_slice %arg4[%add3A_418, %dma_start3A_449] : memref<384x50176xf32, #tpu.memory_space<hbm>> -> memref<1x50176xf32, #tpu.memory_space<hbm>>
    %dma_start3A_451 = tpu.memref_squeeze %dma_start3A_450 : memref<1x50176xf32, #tpu.memory_space<hbm>> -> memref<50176xf32, #tpu.memory_space<hbm>>
    %dma_start3A_452 = arith.constant 0 : i32
    %dma_start3A_453 = tpu.memref_slice %arg4[%add3A_418, %dma_start3A_452] : memref<384x50176xf32, #tpu.memory_space<hbm>> -> memref<1x50176xf32, #tpu.memory_space<hbm>>
    %dma_start3A_454 = tpu.memref_squeeze %dma_start3A_453 : memref<1x50176xf32, #tpu.memory_space<hbm>> -> memref<50176xf32, #tpu.memory_space<hbm>>
    tpu.enqueue_dma source(%arg9 : memref<50176xf32, #tpu.memory_space<vmem>>) target(%dma_start3A_454 : memref<50176xf32, #tpu.memory_space<hbm>>) target_semaphore(%arg11 : memref<!tpu.dma_semaphore, #tpu.memory_space<semaphore_mem>>)
    %mul3A_455 = arith.constant 12 : i32
    %mul3A_456 = arith.muli %add3A, %mul3A_455 : i32
    %add3A_457 = arith.constant 10 : i32
    %add3A_458 = arith.addi %mul3A_456, %add3A_457 : i32
    %dma_wait3A_459 = arith.constant 0 : i32
    %dma_wait3A_460 = tpu.memref_slice %arg4[%add3A_458, %dma_wait3A_459] : memref<384x50176xf32, #tpu.memory_space<hbm>> -> memref<1x50176xf32, #tpu.memory_space<hbm>>
    %dma_wait3A_461 = tpu.memref_squeeze %dma_wait3A_460 : memref<1x50176xf32, #tpu.memory_space<hbm>> -> memref<50176xf32, #tpu.memory_space<hbm>>
    %dma_wait3A_462 = arith.constant 0 : i32
    %dma_wait3A_463 = tpu.memref_slice %arg4[%add3A_458, %dma_wait3A_462] : memref<384x50176xf32, #tpu.memory_space<hbm>> -> memref<1x50176xf32, #tpu.memory_space<hbm>>
    %dma_wait3A_464 = tpu.memref_squeeze %dma_wait3A_463 : memref<1x50176xf32, #tpu.memory_space<hbm>> -> memref<50176xf32, #tpu.memory_space<hbm>>
    tpu.wait_dma2 semaphore(%arg10 : memref<!tpu.dma_semaphore, #tpu.memory_space<semaphore_mem>>) src(%arg8 : memref<50176xf32, #tpu.memory_space<vmem>>) dst(%dma_wait3A_464 : memref<50176xf32, #tpu.memory_space<hbm>>)
    %mul3A_465 = arith.constant 12 : i32
    %mul3A_466 = arith.muli %add3A, %mul3A_465 : i32
    %add3A_467 = arith.constant 11 : i32
    %add3A_468 = arith.addi %mul3A_466, %add3A_467 : i32
    %dma_wait3A_469 = arith.constant 0 : i32
    %dma_wait3A_470 = tpu.memref_slice %arg4[%add3A_468, %dma_wait3A_469] : memref<384x50176xf32, #tpu.memory_space<hbm>> -> memref<1x50176xf32, #tpu.memory_space<hbm>>
    %dma_wait3A_471 = tpu.memref_squeeze %dma_wait3A_470 : memref<1x50176xf32, #tpu.memory_space<hbm>> -> memref<50176xf32, #tpu.memory_space<hbm>>
    %dma_wait3A_472 = arith.constant 0 : i32
    %dma_wait3A_473 = tpu.memref_slice %arg4[%add3A_468, %dma_wait3A_472] : memref<384x50176xf32, #tpu.memory_space<hbm>> -> memref<1x50176xf32, #tpu.memory_space<hbm>>
    %dma_wait3A_474 = tpu.memref_squeeze %dma_wait3A_473 : memref<1x50176xf32, #tpu.memory_space<hbm>> -> memref<50176xf32, #tpu.memory_space<hbm>>
    tpu.wait_dma2 semaphore(%arg11 : memref<!tpu.dma_semaphore, #tpu.memory_space<semaphore_mem>>) src(%arg9 : memref<50176xf32, #tpu.memory_space<vmem>>) dst(%dma_wait3A_474 : memref<50176xf32, #tpu.memory_space<hbm>>)
    return
  }
}

</mosaic_0001>

<sc_bundles>
// kernel: kernel.3.cloned.1.call-start
scs
__scs_entry_jumppad:
0x0: {  	(pc) =	sbr.rel $0x88, $3  }
0x1: {  	(tag) =	ssettag $0x0;
	lr =	simm.s32 $0x1  }
0x2: {  	[smem:$0x3F9F] =	sst lr;
	_ =	strace $0xD0000000  }
0x3: {  	_ = 	snop  }
0x4: {  	_ = 	snop  }
0x5: {  	_ = 	snop  }
0x6: {  	_ = 	snop  }
0x7: {  	_ = 	snop  }
__scs_overlays_trampoline_lowered:
0x8: {  	[smem:$0x3FAE] =	sst s0  }
0x9: {  	[smem:$0x3FAF] =	sst s1  }
0xa: {  	[smem:$0x3FB0] =	sst s2  }
0xb: {  	[smem:$0x3FB1] =	sst s3  }
0xc: {  	[smem:$0x3FB2] =	sst s4  }
0xd: {  	[smem:$0x3FB3] =	sst s5  }
0xe: {  	[smem:$0x3FB4] =	sst s6  }
0xf: {  	[smem:$0x3FB5] =	sst s7  }
0x10: {  	[smem:$0x3FB6] =	sst s8  }
0x11: {  	[smem:$0x3FB7] =	sst s9;
	s0 =	simm.s32 @!p0 $0x0  }
0x12: {  	s1 =	sld [smem:$0x3F9D];
	s0 =	simm.s32 @p0 $0x1  }
0x13: {  	[smem:$0x3FB8] =	sst s0;
	s0 =	simm.s32 @!p1 $0x0  }
0x14: {  	s2 =	sld [smem:$0x3F9C];
	s0 =	simm.s32 @p1 $0x1  }
0x15: {  	[smem:$0x3FB9] =	sst s0;
	s0 =	simm.s32 @!p2 $0x0  }
0x16: {  	s3 =	sld [smem:$0x3FDB];
	s0 =	simm.s32 @p2 $0x1  }
0x17: {  	s4 =	simm.s32 $0x1BF5;
	[smem:$0x3FBB] =	sst s0  }
0x18: {  	s0 =	sld [smem:$0x3F9E];
	_ =	swait.ge [sflag:s4], $0x0  }
0x19: {  	s7 =	sld [smem:$0x3F9F]  }
0x1a: {  	s8 =	sadd.s32 $0xFFFFE003, lr  }
0x1b: {  	s9 =	sadd.s32 $0xFFFFFEF7, lr;
	s5 =	simm.s32 $0xFFFFFFFF;
	p2 =	slt.u32 s8, $0xFFFFF086  }
0x1c: {  	p1 =	slt.u32 s9, $0xF7A;
	s5 =	simm.s32 @!p2 $0x0  }
0x1d: {  	s5 =	simm.s32 @p1 $0x1;
	p0 =	seq.s32 s7, s2  }
0x1e: {  	s7 =	smul.u32 @!p0 $0xF7A, s2;
	p2 =	seq.s32 @!p0 s5, $0x0  }
0x1f: {  	s9 =	smul.u32 $0xF7A, s1;
	s8 =	simm.s32 @!p0 $0x1BF5;
	p2 =	por !p2, p0  }
0x20: {  	[sflag:s8] =	ssyncset.s32 @!p0 $0xFFFFF086;
	s6 =	sadd.s32 @!p0 s3, s7;
	s7 =	simm.s32 @!p0 $0x108  }
0x21: {  	s3 =	sadd.s32 s3, s9;
	s6 =	sadd.s32 @!p0 $0x88, s6;
	s7 =	simm.s32 @p2 $0x1082  }
0x22: {  	[simem:s7], [sflag:s8] =	dma.local @!p0 [hbm:s6], $0xF7A  }
0x23: {  	s9 =	sor.u32 $0xD0000000, s2;
	s6 =	simm.s32 $0x108;
	_ =	swait.ge @!p0 [sflag:s8], $0x0  }
0x24: {  	s3 =	sadd.s32 $0x88, s3;
	s6 =	simm.s32 @!p1 $0x1082;
	[sflag:s4] =	ssyncset.s32 $0xFFFFF086  }
0x25: {  	[simem:s6], [sflag:s4] =	dma.local [hbm:s3], $0xF7A  }
0x26: {  	[smem:$0x3F9F] =	sst s1;
	(tag) =	ssettag s2;
	_ =	strace s9  }
0x27: {  	s1 =	sld [smem:$0x3FAF]  }
0x28: {  	s2 =	sld [smem:$0x3FB0]  }
0x29: {  	s4 =	sld [smem:$0x3FB2]  }
0x2a: {  	p0 =	seq.s32 s5, $0x0;
	s5 =	sld [smem:$0x3FB3]  }
0x2b: {  	s6 =	sld [smem:$0x3FB4]  }
0x2c: {  	s7 =	sld [smem:$0x3FB5]  }
0x2d: {  	s3 =	simm.s32 $0x108;
	s8 =	sld [smem:$0x3FB6]  }
0x2e: {  	s3 =	simm.s32 @!p0 $0x1082;
	s9 =	sld [smem:$0x3FB7]  }
0x2f: {  	lr =	sadd.s32 s0, s3;
	s0 =	sld [smem:$0x3FAE]  }
0x30: {  	s3 =	sld [smem:$0x3FB1]  }
0x31: {  	[smem:$0x3FBA] =	sst s10  }
0x32: {  	s10 =	sld [smem:$0x3FB8];
	_ =	sdelay $0x3  }
0x33: {  	p0 =	seq.s32 s10, $0x1;
	s10 =	sld [smem:$0x3FBA];
	_ =	sdelay $0x3  }
0x34: {  	[smem:$0x3FBA] =	sst s10  }
0x35: {  	s10 =	sld [smem:$0x3FB9];
	_ =	sdelay $0x3  }
0x36: {  	p1 =	seq.s32 s10, $0x1;
	s10 =	sld [smem:$0x3FBA];
	_ =	sdelay $0x3  }
0x37: {  	[smem:$0x3FBA] =	sst s10  }
0x38: {  	s10 =	sld [smem:$0x3FBB]  }
0x39: {  	_ = 	snop;
	(pc) =	sbr.ind lr, $3  }
0x3a: {  	_ = 	snop  }
0x3b: {  	_ = 	snop  }
0x3c: {  	p2 =	seq.s32 s10, $0x1;
	s10 =	sld [smem:$0x3FBA]  }
0x3d: {  	_ =	shalt  }
0x3e: {  	_ =	shalt  }
0x3f: {  	_ =	shalt  }
0x40: {  	_ =	shalt  }
0x41: {  	_ =	shalt  }
0x42: {  	_ =	shalt  }
0x43: {  	_ =	shalt  }
0x44: {  	_ =	shalt  }
0x45: {  	_ =	shalt  }
0x46: {  	_ =	shalt  }
0x47: {  	_ =	shalt  }
0x48: {  	_ =	shalt  }
0x49: {  	_ =	shalt  }
0x4a: {  	_ =	shalt  }
0x4b: {  	_ =	shalt  }
0x4c: {  	_ =	shalt  }
0x4d: {  	_ =	shalt  }
0x4e: {  	_ =	shalt  }
0x4f: {  	_ =	shalt  }
0x50: {  	_ =	shalt  }
0x51: {  	_ =	shalt  }
0x52: {  	_ =	shalt  }
0x53: {  	_ =	shalt  }
0x54: {  	_ =	shalt  }
0x55: {  	_ =	shalt  }
0x56: {  	_ =	shalt  }
0x57: {  	_ =	shalt  }
0x58: {  	_ =	shalt  }
0x59: {  	_ =	shalt  }
0x5a: {  	_ =	shalt  }
0x5b: {  	_ =	shalt  }
0x5c: {  	_ =	shalt  }
0x5d: {  	_ =	shalt  }
0x5e: {  	_ =	shalt  }
0x5f: {  	_ =	shalt  }
0x60: {  	_ =	shalt  }
0x61: {  	_ =	shalt  }
0x62: {  	_ =	shalt  }
0x63: {  	_ =	shalt  }
0x64: {  	_ =	shalt  }
0x65: {  	_ =	shalt  }
0x66: {  	_ =	shalt  }
0x67: {  	_ =	shalt  }
0x68: {  	_ =	shalt  }
0x69: {  	_ =	shalt  }
0x6a: {  	_ =	shalt  }
0x6b: {  	_ =	shalt  }
0x6c: {  	_ =	shalt  }
0x6d: {  	_ =	shalt  }
0x6e: {  	_ =	shalt  }
0x6f: {  	_ =	shalt  }
0x70: {  	_ =	shalt  }
0x71: {  	_ =	shalt  }
0x72: {  	_ =	shalt  }
0x73: {  	_ =	shalt  }
0x74: {  	_ =	shalt  }
0x75: {  	_ =	shalt  }
0x76: {  	_ =	shalt  }
0x77: {  	_ =	shalt  }
0x78: {  	_ =	shalt  }
0x79: {  	_ =	shalt  }
0x7a: {  	_ =	shalt  }
0x7b: {  	_ =	shalt  }
0x7c: {  	_ =	shalt  }
0x7d: {  	_ =	shalt  }
0x7e: {  	_ =	shalt  }
0x7f: {  	_ =	shalt  }
0x80: {  	_ =	shalt  }
0x81: {  	_ =	shalt  }
0x82: {  	_ =	shalt  }
0x83: {  	_ =	shalt  }
0x84: {  	_ =	shalt  }
0x85: {  	_ =	shalt  }
0x86: {  	_ =	shalt  }
0x87: {  	_ =	shalt  }
.Lfunc_end0:
.L_simem_size_0:
called_computation.1_lowered:
.L_overlay_start_0:
0x88: {  	s2 =	sld [smem:$0x3FD9]  }
0x89: {  	s3 =	sld [smem:$0x3FFE];
	_ =	sdelay $0x1  }
0x8a: {  	s1 =	srdreg.scid  }
0x8b: {  	s0 =	sand.u32 $0x1, s1  }
0x8c: {  	s17 =	sshll.u32 s0, $0xA;
	s2 =	sadd.s32 s3, s2  }
0x8d: {  	s2 =	sadd.s32 s2, s17  }
0x8e: {  	[smem:$0x3FC6] =	sst s2  }
0x8f: {  	_ = 	snop  }
0x90: {  	s2 =	sld [smem:$0x3FD0];
	(tm) =	ssettm $0x1  }
0x91: {  	s18 =	sld [smem:$0x3FFB];
	_ =	sdelay $0x3  }
0x92: {  	_ =	strace s18  }
0x93: {  	s3 =	sld [smem:$0x3FFC];
	_ =	sdelay $0x3  }
0x94: {  	_ =	strace s3  }
0x95: {  	s3 =	sld [smem:$0x3FFD];
	_ =	sdelay $0x3  }
0x96: {  	_ =	strace s3  }
0x97: {  	_ =	strace $0x8FFFFFFF  }
0x98: {  	s19 =	sld [smem:$0x3FDB];
	_ =	sdelay $0x1  }
0x99: {  	s4 =	simm.s32 $_scs_section_size  }
0x9a: {  	s5 =	simm.s32 $_size__tile_overlayer_lowered;
	s6 =	simm.s32 $_tile_overlayer_lowered  }
0x9b: {  	s22 =	simm.s32 $0x1BFF;
	s21 =	sshll.u32 s6, $0x1;
	s3 =	sadd.s32 s4, s19  }
0x9c: {  	s7 =	simm.s32 $0x0;
	s20 =	sshll.u32 s5, $0x1;
	s5 =	sadd.s32 s21, s3  }
0x9d: {  	[timem:s7], [sflag:s22] =	dma.local [hbm:s5], s20  }
0x9e: {  	_ =	swait.ge [sflag:s22], s20  }
0x9f: {  	s4 =	ssub.s32 $0x0, s20;
	[sflag:s22] =	ssyncset.done $0x0  }
0xa0: {  	[sflag:s22] =	ssyncadd.s32 s4;
	_ =	sdelay $0x1  }
0xa1: {  	s23 =	simm.s32 $0x1B8B  }
0xa2: {  	_ =	swait.ge [sflag:s23], $0x1  }
0xa3: {  	[sflag:s23] =	ssyncset.done $0x0  }
0xa4: {  	s25 =	simm.s32 $0x1B8E;
	s24 =	sld [smem:$0x3FFE];
	[sflag:s23] =	ssyncadd.s32 $0xFFFFFFFF  }
0xa5: {  	s26 =	simm.s32 $execute0_lowered;
	[smem:$0x3FD2] =	sst s25  }
0xa6: {  	s5 =	sshll.u32 s26, $0x1;
	_ =	strace $0x80000046;
	[dreg:$0x1] =	wrdreg $0xFFFFFFFF  }
0xa7: {  	s28 =	simm.s32 $_size_execute0_lowered;
	s3 =	sadd.s32 s3, s5;
	[dreg:$0x0] =	wrdreg $0x0  }
0xa8: {  	s5 =	sshll.u32 s28, $0x1;
	[dreg:$0x2] =	wrdreg s3  }
0xa9: {  	[dreg:$0x3] =	wrdreg s5  }
0xaa: {  	[dreg:$0x4] =	wrdreg $0xC0  }
0xab: {  	_ =	task [dreg:s7], $0x5FFFF  }
0xac: {  	[dreg:$0x1] =	wrdreg $0xFFFFFFFF  }
0xad: {  	[dreg:$0x0] =	wrdreg $0x60  }
0xae: {  	[dreg:$0x2] =	wrdreg s24  }
0xaf: {  	[dreg:$0x3] =	wrdreg s2  }
0xb0: {  	[dreg:$0x4] =	wrdreg $0x9  }
0xb1: {  	_ =	task.clear_ibuf [dreg:s7], $0x5FFFF;
	_ =	strace $0x90000046  }
0xb2: {  	s29 =	simm.s32 $0x9;
	_ =	strace $0x80000048  }
0xb3: {  	_ =	swait.ge [sflag:s29], $0x1  }
0xb4: {  	[sflag:s29] =	ssyncadd.s32 $0xFFFFFFFF  }
0xb5: {  	_ =	strace $0x90000048  }
0xb6: {  	_ =	sfence  }
0xb7: {  	s30 =	sld [smem:$0x0];
	_ =	sdelay $0x2  }
0xb8: {  	s31 =	sshll.u32 s1, $0xD;
	s1 =	sshrl.u32 s1, $0x2  }
0xb9: {  	s3 =	sand.u32 $0x4000, s31;
	s1 =	sadd.s32 s1, s30  }
0xba: {  	s0 =	sor.u32 s3, s0;
	s1 =	sshll.u32 s1, $0x11  }
0xbb: {  	s0 =	sor.u32 s1, s0  }
0xbc: {  	s0 =	sadd.s32 $0x8F2B, s0  }
0xbd: {  	[sflag:s0] =	ssyncadd.remote.s32 $0x1  }
0xbe: {  	_ =	sfence.sel $0xFFFF  }
0xbf: {  	[dreg:$0x0] =	wrdreg $0xFFFFFFFF;
	(pc) =	sbr.abs _section_cstart, $3  }
0xc0: {  	[dreg:$0x1] =	wrdreg $0xFFFFFFFF  }
0xc1: {  	_ =	task.clear_ibuf [dreg:s7], $0x2FFFF;
	_ =	strace $0x9FFFFFFF  }
0xc2: {  	(tm) =	ssettm $0x7FFFFFFF  }
0xc3: {  	_ =	shalt  }
tec
execute0_lowered:
.L_overlay_start_1:
0x0: {  	(tag) =	ssettag $0x1  }
0x1: {  	s0 =	srdreg.scid;
	s1 =	stileid.u32  }
0x2: {  	s2 =	sand.u32 $0x1, s0;
	s13 =	sshll.u32 s1, $0x1  }
0x3: {  	s3 =	rddreg [dreg:$0x0];
	s0 =	sor.u32 s2, s13;
	s7 =	ssub.s32 $0x2, s2  }
0x4: {  	s5 =	sadd.s32 $0x2200, s3;
	s4 =	smul.u32 $0xC, s0;
	s8 =	sshrl.u32 s7, $0x1  }
0x5: {  	s6 =	sadd.s32 $0x4BA00, s3;
	s15 =	ssub.s32 s7, s8;
	s7 =	sshll.u32 s2, $0x9  }
0x6: {  	s14 =	sshrl.u32 s4, $0x3;
	s1 =	sor.u32 $0x1, s4;
	[dreg:$0x15] =	wrdreg s15  }
0x7: {  	s2 =	sor.u32 $0x2, s4;
	s8 =	sor.u32 $0x3, s4;
	s9 =	smul.u32 $0x62000, s14  }
0x8: {  	s13 =	sadd.s32 $0x5, s4;
	s11 =	sadd.s32 $0x7, s4;
	s17 =	smul.u32 $0x310, s1  }
0x9: {  	s18 =	sshll.u32 s1, $0x7;
	s20 =	sshll.u32 s2, $0x7;
	s10 =	sshll.u32 s8, $0x7  }
0xa: {  	s14 =	sshrl.u32 s13, $0x3;
	s15 =	sshll.u32 s13, $0x7;
	s19 =	sand.u32 $0x280, s18  }
0xb: {  	s18 =	smul.u32 $0x310, s2;
	s3 =	sand.u32 $0x300, s20;
	s10 =	sand.u32 $0x380, s10  }
0xc: {  	s14 =	smul.u32 $0x62000, s14;
	s23 =	sand.u32 $0x280, s15;
	s20 =	sshrl.u32 s11, $0x3  }
0xd: {  	s26 =	sor.u32 s7, s9;
	s16 =	sadd.s32 s5, s17;
	s28 =	sor.u32 s9, s19  }
0xe: {  	s29 =	sor.u32 s9, s3;
	s30 =	sor.u32 s9, s10;
	s9 =	sadd.s32 $0x4, s4  }
0xf: {  	s19 =	sadd.s32 $0x8, s4;
	[dreg:$0x3] =	wrdreg s16;
	s21 =	sshrl.u32 s9, $0x3  }
0x10: {  	s22 =	sshll.u32 s9, $0x7;
	s16 =	sadd.s32 $0x6, s4;
	s14 =	sor.u32 s23, s14  }
0x11: {  	s19 =	sshrl.u32 s19, $0x3;
	s23 =	sadd.s32 $0xA, s4;
	s3 =	smul.u32 $0x62000, s21  }
0x12: {  	s24 =	sshrl.u32 s16, $0x3;
	s12 =	sshll.u32 s16, $0x7;
	s16 =	smul.u32 $0x62000, s20  }
0x13: {  	s10 =	sand.u32 $0x200, s22;
	s19 =	smul.u32 $0x62000, s19;
	s21 =	sadd.s32 $0x9, s4  }
0x14: {  	s20 =	sshrl.u32 s23, $0x3;
	s25 =	smul.u32 $0x62000, s24;
	s15 =	sand.u32 $0x300, s12  }
0x15: {  	s22 =	sshrl.u32 s21, $0x3;
	s20 =	smul.u32 $0x62000, s20;
	s12 =	sadd.s32 s5, s18  }
0x16: {  	s13 =	sor.u32 s10, s3;
	s10 =	sshll.u32 s11, $0x7;
	s11 =	sadd.s32 s6, s17  }
0x17: {  	[dreg:$0x5] =	wrdreg s12;
	s10 =	sand.u32 $0x380, s10;
	s3 =	sor.u32 s15, s25  }
0x18: {  	[dreg:$0x4] =	wrdreg s11;
	s25 =	smul.u32 $0x310, s9;
	s15 =	sor.u32 s10, s16  }
0x19: {  	s16 =	sor.u32 s7, s19;
	s7 =	smul.u32 $0x62000, s22;
	s10 =	sshll.u32 s21, $0x7  }
0x1a: {  	s19 =	sshll.u32 s23, $0x7;
	s21 =	smul.u32 $0x310, s8;
	s10 =	sand.u32 $0x280, s10  }
0x1b: {  	s24 =	sand.u32 $0x300, s19;
	s19 =	sadd.s32 s6, s18;
	s18 =	smul.u32 $0x24C0, s0  }
0x1c: {  	s23 =	sadd.s32 s5, s25;
	s10 =	sor.u32 s10, s7;
	[dreg:$0x6] =	wrdreg s19  }
0x1d: {  	s7 =	sor.u32 s24, s20;
	s20 =	sadd.s32 s5, s21;
	[dreg:$0x9] =	wrdreg s23  }
0x1e: {  	s22 =	sadd.s32 s6, s21;
	[dreg:$0x7] =	wrdreg s20  }
0x1f: {  	s24 =	sadd.s32 s6, s25;
	[dreg:$0x8] =	wrdreg s22;
	s25 =	sadd.s32 $0xF50, s18  }
0x20: {  	[dreg:$0xa] =	wrdreg s24;
	s20 =	sadd.s32 s5, s25  }
0x21: {  	s12 =	sadd.s32 $0x1260, s18;
	s21 =	sadd.s32 s6, s25;
	[dreg:$0xb] =	wrdreg s20  }
0x22: {  	s22 =	sadd.s32 s5, s12;
	[dreg:$0xc] =	wrdreg s21  }
0x23: {  	s24 =	sadd.s32 $0x1570, s18;
	s23 =	sadd.s32 s6, s12;
	[dreg:$0xd] =	wrdreg s22  }
0x24: {  	s12 =	sadd.s32 s5, s24;
	[dreg:$0xe] =	wrdreg s23  }
0x25: {  	s4 =	sadd.s32 $0xB, s4;
	s17 =	sadd.s32 s6, s24;
	[dreg:$0xf] =	wrdreg s12  }
0x26: {  	s11 =	sadd.s32 $0x21B0, s18;
	s25 =	sadd.s32 $0x1880, s18;
	[dreg:$0x10] =	wrdreg s17  }
0x27: {  	s20 =	sadd.s32 s5, s25;
	s21 =	sadd.s32 s6, s25;
	s22 =	sadd.s32 $0x1B90, s18  }
0x28: {  	s23 =	sadd.s32 $0x1EA0, s18;
	s12 =	sshrl.u32 s4, $0x3;
	[dreg:$0x11] =	wrdreg s20  }
0x29: {  	s4 =	sshll.u32 s4, $0x7;
	s17 =	smul.u32 $0x93000, s0;
	[dreg:$0x12] =	wrdreg s21  }
0x2a: {  	s24 =	sadd.s32 s5, s22;
	s25 =	sadd.s32 s6, s22;
	s19 =	sadd.s32 s5, s23  }
0x2b: {  	s20 =	sadd.s32 s6, s23;
	s21 =	sadd.s32 s5, s18;
	s22 =	sadd.s32 s6, s18  }
0x2c: {  	s23 =	sadd.s32 s5, s11;
	s18 =	smul.u32 $0x62000, s12;
	s4 =	sand.u32 $0x380, s4  }
0x2d: {  	s12 =	sshrl.u32 s28, $0x3;
	s5 =	sshrl.u32 s30, $0x3;
	[dreg:$0x13] =	wrdreg s24  }
0x2e: {  	[dreg:$0x14] =	wrdreg s25;
	s24 =	sadd.s32 s6, s11;
	s25 =	simm.s32 $0x0  }
0x2f: {  	s11 =	sshrl.u32 s26, $0x3;
	s6 =	sor.u32 s4, s18;
	s18 =	rddreg [dreg:$0x1]  }
0x30: {  	[smem:$0x7FF] =	sst s25;
	s26 =	sadd.s32 s18, s11;
	s11 =	smul.u32 $0xC400, s1  }
0x31: {  	s4 =	sshrl.u32 s29, $0x3;
	s28 =	sadd.s32 s18, s12;
	s12 =	smul.u32 $0xC400, s2  }
0x32: {  	s29 =	sadd.s32 s18, s4;
	s30 =	sadd.s32 s18, s5;
	s1 =	sshrl.u32 s13, $0x3  }
0x33: {  	s2 =	sshrl.u32 s14, $0x3;
	s4 =	sshrl.u32 s3, $0x3;
	s5 =	sshrl.u32 s15, $0x3  }
0x34: {  	s13 =	sshrl.u32 s16, $0x3;
	s14 =	sshrl.u32 s10, $0x3;
	s15 =	sshrl.u32 s7, $0x3  }
0x35: {  	s6 =	sshrl.u32 s6, $0x3;
	_ =	strace $0x80000047;
	s16 =	smul.u32 $0xC400, s8  }
0x36: {  	s10 =	sadd.s32 $0x49800, s17;
	s8 =	simm.s32 $0x3;
	s31 =	sadd.s32 s18, s1  }
0x37: {  	s0 =	sadd.s32 s18, s2;
	s1 =	sadd.s32 s18, s4;
	s2 =	sadd.s32 s18, s5  }
0x38: {  	s3 =	sadd.s32 s18, s13;
	s4 =	sadd.s32 s18, s14;
	s5 =	sadd.s32 s18, s15  }
0x39: {  	s6 =	sadd.s32 s18, s6;
	s18 =	smul.u32 $0xC400, s9;
	s9 =	sadd.s32 $0x3D400, s17  }
0x3a: {  	v12 =	vimm.s32 $0xFFFFFFFF;
	v13 =	vimm.f32 $0.0e+00;
	s13 =	sadd.s32 $0x55C00, s17;
	s14 =	sadd.s32 $0x62000, s17;
	s15 =	sadd.s32 $0x6E400, s17  }
0x3b: {  	v4 =	vmov s17;
	v6 =	vmov s10;
	s10 =	simm.s32 $0x4A80;
	v2 =	vmov s16;
	s16 =	sadd.s32 $0x7A800, s17;
	s17 =	sadd.s32 $0x86C00, s17  }
0x3c: {  	v0 =	vmov s11;
	v1 =	vmov s12;
	v5 =	vmov s9;
	s9 =	simm.s32 $0x3200;
	s11 =	simm.s32 $0x80;
	s12 =	simm.s32 $0x400  }
0x3d: {  	v7 =	vmov s13;
	v8 =	vmov s14;
	s13 =	simm.s32 $0x1900;
	s14 =	simm.s32 $0x10E80;
	v3 =	vmov s18;
	s18 =	rddreg [dreg:$0x15]  }
0x3e: {  	v9 =	vmov s15;
	s15 =	simm.s32 $0x1;
	v10 =	vmov s16;
	v11 =	vmov s17;
	s16 =	simm.s32 $0x2;
	s7 =	smax.u32 s18, $0x1  }
.LBB2_1:
0x3f: {  	[tilespmem:$0x1880] =	vst v12  }
0x40: {  	[tilespmem:$0x3180] =	vst v12;
	s17 =	simm.s32 $0x0;
	s18 =	simm.s32 $0x200  }
.LBB2_2:
0x41: {  	p0 =	sne.s32 s18, $0x30E00;
	[tilespmem:s17+$0x10EF0] =	vst v13  }
0x42: {  	[tilespmem:s17+$0x4A80] =	vst v13  }
0x43: {  	[tilespmem:s17+$0x4A90] =	vst v13  }
0x44: {  	[tilespmem:s17+$0x4AA0] =	vst v13  }
0x45: {  	[tilespmem:s17+$0x4AB0] =	vst v13  }
0x46: {  	[tilespmem:s17+$0x4AC0] =	vst v13  }
0x47: {  	[tilespmem:s17+$0x4AD0] =	vst v13  }
0x48: {  	[tilespmem:s17+$0x4AE0] =	vst v13  }
0x49: {  	[tilespmem:s17+$0x4AF0] =	vst v13  }
0x4a: {  	[tilespmem:s17+$0x10E80] =	vst v13  }
0x4b: {  	[tilespmem:s17+$0x10E90] =	vst v13  }
.Ltmp0:
0x4c: {  	[tilespmem:s17+$0x10EA0] =	vst v13;
	(pc) =	sbr.rel @p0 .LBB2_2-.Ltmp0, $4  }
0x4d: {  	[tilespmem:s17+$0x10EB0] =	vst v13  }
0x4e: {  	[tilespmem:s17+$0x10EC0] =	vst v13  }
0x4f: {  	[tilespmem:s17+$0x10ED0] =	vst v13  }
0x50: {  	[tilespmem:s17+$0x10EE0] =	vst v13;
	s17 =	sshra.s32 s18, $0x2;
	s18 =	sadd.s32 $0x200, s18  }
0x51: {  	[tilespmem:s17+$0x10EF0] =	vst v13  }
0x52: {  	[tilespmem:s17+$0x4A80] =	vst v13  }
0x53: {  	[tilespmem:s17+$0x4A90] =	vst v13  }
0x54: {  	[tilespmem:s17+$0x4AA0] =	vst v13  }
0x55: {  	[tilespmem:s17+$0x4AB0] =	vst v13  }
0x56: {  	[tilespmem:s17+$0x4AC0] =	vst v13  }
0x57: {  	[tilespmem:s17+$0x4AD0] =	vst v13  }
0x58: {  	[tilespmem:s17+$0x4AE0] =	vst v13  }
0x59: {  	[tilespmem:s17+$0x4AF0] =	vst v13  }
0x5a: {  	[tilespmem:s17+$0x10E80] =	vst v13  }
0x5b: {  	[tilespmem:s17+$0x10E90] =	vst v13  }
0x5c: {  	[tilespmem:s17+$0x10EA0] =	vst v13  }
0x5d: {  	[tilespmem:s17+$0x10EB0] =	vst v13  }
0x5e: {  	[tilespmem:s17+$0x10EC0] =	vst v13  }
0x5f: {  	[tilespmem:s17+$0x10ED0] =	vst v13  }
0x60: {  	[tilespmem:s17+$0x10EE0] =	vst v13;
	s17 =	simm.s32 $0x0  }
0x61: {  	[tilespmem:s17], [sflag:$0x3] =	stream.linear.gather [hbm4b:s21+s17], $0x1880, $0x38;
	[tilespmem:$0x1D280] =	vst v63  }
0x62: {  	_ =	swait.ge [sflag:s8], $0x1880  }
0x63: {  	[sflag:s8] =	ssyncset.done $0x0  }
0x64: {  	[sflag:s8] =	ssyncadd.s32 $0xFFFFE780  }
0x65: {  	[tilespmem:s9], [sflag:$0x3] =	stream.linear.gather [hbm4b:s22+s17], $0x1880, $0x38;
	[tilespmem:$0x1D280] =	vst v63  }
0x66: {  	_ =	swait.ge [sflag:s8], $0x1880  }
0x67: {  	[sflag:s8] =	ssyncset.done $0x0  }
0x68: {  	[sflag:s8] =	ssyncadd.s32 $0xFFFFE780  }
.LBB2_4:
0x69: {  	s18 =	sshra.s32 s17, $0x2  }
0x6a: {  	v14 =	vld [tilespmem:s18+$0x0]  }
0x6b: {  	v15 =	vld [tilespmem:s18+$0x1];
	_ =	sdelay $0x3  }
0x6c: {  	v16 =	vsub.s32 v14, v4  }
0x6d: {  	vm0 =	vne.s32 v14, v15;
	v14 =	vand.u32 $0x7F, v14;
	v15 =	vand.u32 $0xFFFFFF80, v16  }
0x6e: {  	v57 =	vld [tilespmem:s18+$0x3200];
	v14 =	vor.u32 v14, v15;
	_ =	sdelay $0x4  }
0x6f: {  	[tilespmem:v14+s10+$0x0] =	vst.idx.msk vm0, v57  }
0x70: {  	v14 =	vld [tilespmem:s18+$0x10]  }
0x71: {  	v15 =	vld [tilespmem:s18+$0x11];
	_ =	sdelay $0x3  }
0x72: {  	v58 =	vsub.s32 v14, v4  }
0x73: {  	vm13 =	vne.s32 v14, v15;
	v14 =	vand.u32 $0x7F, v14;
	v15 =	vand.u32 $0xFFFFFF80, v58  }
0x74: {  	v59 =	vld [tilespmem:s18+$0x3210];
	v14 =	vor.u32 v14, v15;
	_ =	sdelay $0x4  }
0x75: {  	[tilespmem:v14+s10+$0x0] =	vst.idx.msk vm13, v59  }
0x76: {  	v14 =	vld [tilespmem:s18+$0x20]  }
0x77: {  	v15 =	vld [tilespmem:s18+$0x21];
	_ =	sdelay $0x3  }
0x78: {  	v60 =	vsub.s32 v14, v4  }
0x79: {  	vm14 =	vne.s32 v14, v15;
	v14 =	vand.u32 $0x7F, v14;
	v15 =	vand.u32 $0xFFFFFF80, v60  }
0x7a: {  	v61 =	vld [tilespmem:s18+$0x3220];
	v14 =	vor.u32 v14, v15;
	_ =	sdelay $0x4  }
0x7b: {  	[tilespmem:v14+s10+$0x0] =	vst.idx.msk vm14, v61  }
0x7c: {  	v14 =	vld [tilespmem:s18+$0x30]  }
0x7d: {  	v15 =	vld [tilespmem:s18+$0x31];
	_ =	sdelay $0x3  }
0x7e: {  	v62 =	vsub.s32 v14, v4  }
0x7f: {  	vm15 =	vne.s32 v14, v15;
	v14 =	vand.u32 $0x7F, v14;
	v15 =	vand.u32 $0xFFFFFF80, v62  }
0x80: {  	p0 =	sne.s32 s17, $0x6100;
	v63 =	vld [tilespmem:s18+$0x3230];
	v14 =	vor.u32 v14, v15  }
.Ltmp1:
0x81: {  	_ = 	snop;
	(pc) =	sbr.rel @p0 .LBB2_4-.Ltmp1, $2  }
0x82: {  	_ =	sdelay $0x2  }
0x83: {  	s17 =	sadd.s32 $0x100, s17;
	[tilespmem:v14+s10+$0x0] =	vst.idx.msk vm15, v63  }
0x84: {  	[hbm4b:s26+s11] =	stream.strided.scatter [tilespmem:s10], [sflag:$0x1], $0xC400, s12, s11, $0x38;
	[tilespmem:$0x1D280] =	vst v63  }
0x85: {  	s17 =	simm.s32 $0x0;
	s18 =	rddreg [dreg:$0x3]  }
0x86: {  	[tilespmem:s13], [sflag:$0x3] =	stream.linear.gather [hbm4b:s18+s17], $0x1880, $0x38;
	[tilespmem:$0x1D280] =	vst v63  }
0x87: {  	_ =	swait.ge [sflag:s8], $0x1880  }
0x88: {  	[sflag:s8] =	ssyncset.done $0x0  }
0x89: {  	s18 =	rddreg [dreg:$0x4];
	[sflag:s8] =	ssyncadd.s32 $0xFFFFE780  }
0x8a: {  	[tilespmem:s9], [sflag:$0x3] =	stream.linear.gather [hbm4b:s18+s17], $0x1880, $0x38;
	[tilespmem:$0x1D280] =	vst v63  }
0x8b: {  	_ =	swait.ge [sflag:s8], $0x1880  }
0x8c: {  	[sflag:s8] =	ssyncset.done $0x0  }
0x8d: {  	[sflag:s8] =	ssyncadd.s32 $0xFFFFE780  }
.LBB2_6:
0x8e: {  	s18 =	sshra.s32 s17, $0x2  }
0x8f: {  	v14 =	vld [tilespmem:s18+$0x1900]  }
0x90: {  	v15 =	vld [tilespmem:s18+$0x1901];
	_ =	sdelay $0x3  }
0x91: {  	v16 =	vsub.s32 v14, v0  }
0x92: {  	vm0 =	vne.s32 v14, v15;
	v14 =	vand.u32 $0x7F, v14;
	v15 =	vand.u32 $0xFFFFFF80, v16  }
0x93: {  	v57 =	vld [tilespmem:s18+$0x3200];
	v14 =	vor.u32 v14, v15;
	_ =	sdelay $0x4  }
0x94: {  	[tilespmem:v14+s14+$0x0] =	vst.idx.msk vm0, v57  }
0x95: {  	v14 =	vld [tilespmem:s18+$0x1910]  }
0x96: {  	v15 =	vld [tilespmem:s18+$0x1911];
	_ =	sdelay $0x3  }
0x97: {  	v58 =	vsub.s32 v14, v0  }
0x98: {  	vm13 =	vne.s32 v14, v15;
	v14 =	vand.u32 $0x7F, v14;
	v15 =	vand.u32 $0xFFFFFF80, v58  }
0x99: {  	v59 =	vld [tilespmem:s18+$0x3210];
	v14 =	vor.u32 v14, v15;
	_ =	sdelay $0x4  }
0x9a: {  	[tilespmem:v14+s14+$0x0] =	vst.idx.msk vm13, v59  }
0x9b: {  	v14 =	vld [tilespmem:s18+$0x1920]  }
0x9c: {  	v15 =	vld [tilespmem:s18+$0x1921];
	_ =	sdelay $0x3  }
0x9d: {  	v60 =	vsub.s32 v14, v0  }
0x9e: {  	vm14 =	vne.s32 v14, v15;
	v14 =	vand.u32 $0x7F, v14;
	v15 =	vand.u32 $0xFFFFFF80, v60  }
0x9f: {  	v61 =	vld [tilespmem:s18+$0x3220];
	v14 =	vor.u32 v14, v15;
	_ =	sdelay $0x4  }
0xa0: {  	[tilespmem:v14+s14+$0x0] =	vst.idx.msk vm14, v61  }
0xa1: {  	v14 =	vld [tilespmem:s18+$0x1930]  }
0xa2: {  	v15 =	vld [tilespmem:s18+$0x1931];
	_ =	sdelay $0x3  }
0xa3: {  	v62 =	vsub.s32 v14, v0  }
0xa4: {  	vm15 =	vne.s32 v14, v15;
	v14 =	vand.u32 $0x7F, v14;
	v15 =	vand.u32 $0xFFFFFF80, v62  }
0xa5: {  	p0 =	sne.s32 s17, $0x6100;
	v63 =	vld [tilespmem:s18+$0x3230];
	v14 =	vor.u32 v14, v15  }
.Ltmp2:
0xa6: {  	_ = 	snop;
	(pc) =	sbr.rel @p0 .LBB2_6-.Ltmp2, $2  }
0xa7: {  	_ =	sdelay $0x2  }
0xa8: {  	s17 =	sadd.s32 $0x100, s17;
	[tilespmem:v14+s14+$0x0] =	vst.idx.msk vm15, v63  }
0xa9: {  	[hbm4b:s28+s11] =	stream.strided.scatter [tilespmem:s14], [sflag:$0x2], $0xC400, s12, s11, $0x38;
	[tilespmem:$0x1D280] =	vst v63  }
0xaa: {  	_ =	swait.ge [sflag:s15], $0xC400  }
0xab: {  	[sflag:s15] =	ssyncset.done $0x0  }
0xac: {  	s17 =	simm.s32 $0x0;
	[sflag:s15] =	ssyncadd.s32 $0xFFFF3C00  }
.LBB2_8:
0xad: {  	s18 =	sshra.s32 s17, $0x2  }
0xae: {  	v14 =	vld [tilespmem:s18+$0x0];
	_ =	sdelay $0x4  }
0xaf: {  	v15 =	vsub.s32 v14, v4  }
0xb0: {  	v14 =	vand.u32 $0x7F, v14;
	v15 =	vand.u32 $0xFFFFFF80, v15  }
0xb1: {  	v14 =	vor.u32 v14, v15;
	_ =	sdelay $0x4  }
0xb2: {  	[tilespmem:v14+s10+$0x0] =	vst.idx.msk $0xffff, v13  }
0xb3: {  	v14 =	vld [tilespmem:s18+$0x10];
	_ =	sdelay $0x4  }
0xb4: {  	v15 =	vsub.s32 v14, v4  }
0xb5: {  	v14 =	vand.u32 $0x7F, v14;
	v15 =	vand.u32 $0xFFFFFF80, v15  }
0xb6: {  	v14 =	vor.u32 v14, v15;
	_ =	sdelay $0x4  }
0xb7: {  	[tilespmem:v14+s10+$0x0] =	vst.idx.msk $0xffff, v13  }
0xb8: {  	v14 =	vld [tilespmem:s18+$0x20];
	_ =	sdelay $0x4  }
0xb9: {  	v15 =	vsub.s32 v14, v4  }
0xba: {  	v14 =	vand.u32 $0x7F, v14;
	v15 =	vand.u32 $0xFFFFFF80, v15  }
0xbb: {  	v14 =	vor.u32 v14, v15;
	_ =	sdelay $0x4  }
0xbc: {  	[tilespmem:v14+s10+$0x0] =	vst.idx.msk $0xffff, v13  }
0xbd: {  	v14 =	vld [tilespmem:s18+$0x30];
	_ =	sdelay $0x4  }
0xbe: {  	v15 =	vsub.s32 v14, v4  }
0xbf: {  	v14 =	vand.u32 $0x7F, v14;
	v15 =	vand.u32 $0xFFFFFF80, v15  }
0xc0: {  	p0 =	sne.s32 s17, $0x6100;
	v14 =	vor.u32 v14, v15  }
.Ltmp3:
0xc1: {  	_ = 	snop;
	(pc) =	sbr.rel @p0 .LBB2_8-.Ltmp3, $2  }
0xc2: {  	_ =	sdelay $0x2  }
0xc3: {  	s17 =	sadd.s32 $0x100, s17;
	[tilespmem:v14+s10+$0x0] =	vst.idx.msk $0xffff, v13  }
0xc4: {  	s17 =	simm.s32 $0x0;
	s18 =	rddreg [dreg:$0x5]  }
0xc5: {  	[tilespmem:s17], [sflag:$0x3] =	stream.linear.gather [hbm4b:s18+s17], $0x1880, $0x38;
	[tilespmem:$0x1D280] =	vst v63  }
0xc6: {  	_ =	swait.ge [sflag:s8], $0x1880  }
0xc7: {  	[sflag:s8] =	ssyncset.done $0x0  }
0xc8: {  	s18 =	rddreg [dreg:$0x6];
	[sflag:s8] =	ssyncadd.s32 $0xFFFFE780  }
0xc9: {  	[tilespmem:s9], [sflag:$0x3] =	stream.linear.gather [hbm4b:s18+s17], $0x1880, $0x38;
	[tilespmem:$0x1D280] =	vst v63  }
0xca: {  	_ =	swait.ge [sflag:s8], $0x1880  }
0xcb: {  	[sflag:s8] =	ssyncset.done $0x0  }
0xcc: {  	[sflag:s8] =	ssyncadd.s32 $0xFFFFE780  }
.LBB2_10:
0xcd: {  	s18 =	sshra.s32 s17, $0x2  }
0xce: {  	v14 =	vld [tilespmem:s18+$0x0]  }
0xcf: {  	v15 =	vld [tilespmem:s18+$0x1];
	_ =	sdelay $0x3  }
0xd0: {  	v16 =	vsub.s32 v14, v1  }
0xd1: {  	vm0 =	vne.s32 v14, v15;
	v14 =	vand.u32 $0x7F, v14;
	v15 =	vand.u32 $0xFFFFFF80, v16  }
0xd2: {  	v57 =	vld [tilespmem:s18+$0x3200];
	v14 =	vor.u32 v14, v15;
	_ =	sdelay $0x4  }
0xd3: {  	[tilespmem:v14+s10+$0x0] =	vst.idx.msk vm0, v57  }
0xd4: {  	v14 =	vld [tilespmem:s18+$0x10]  }
0xd5: {  	v15 =	vld [tilespmem:s18+$0x11];
	_ =	sdelay $0x3  }
0xd6: {  	v58 =	vsub.s32 v14, v1  }
0xd7: {  	vm13 =	vne.s32 v14, v15;
	v14 =	vand.u32 $0x7F, v14;
	v15 =	vand.u32 $0xFFFFFF80, v58  }
0xd8: {  	v59 =	vld [tilespmem:s18+$0x3210];
	v14 =	vor.u32 v14, v15;
	_ =	sdelay $0x4  }
0xd9: {  	[tilespmem:v14+s10+$0x0] =	vst.idx.msk vm13, v59  }
0xda: {  	v14 =	vld [tilespmem:s18+$0x20]  }
0xdb: {  	v15 =	vld [tilespmem:s18+$0x21];
	_ =	sdelay $0x3  }
0xdc: {  	v60 =	vsub.s32 v14, v1  }
0xdd: {  	vm14 =	vne.s32 v14, v15;
	v14 =	vand.u32 $0x7F, v14;
	v15 =	vand.u32 $0xFFFFFF80, v60  }
0xde: {  	v61 =	vld [tilespmem:s18+$0x3220];
	v14 =	vor.u32 v14, v15;
	_ =	sdelay $0x4  }
0xdf: {  	[tilespmem:v14+s10+$0x0] =	vst.idx.msk vm14, v61  }
0xe0: {  	v14 =	vld [tilespmem:s18+$0x30]  }
0xe1: {  	v15 =	vld [tilespmem:s18+$0x31];
	_ =	sdelay $0x3  }
0xe2: {  	v62 =	vsub.s32 v14, v1  }
0xe3: {  	vm15 =	vne.s32 v14, v15;
	v14 =	vand.u32 $0x7F, v14;
	v15 =	vand.u32 $0xFFFFFF80, v62  }
0xe4: {  	p0 =	sne.s32 s17, $0x6100;
	v63 =	vld [tilespmem:s18+$0x3230];
	v14 =	vor.u32 v14, v15  }
.Ltmp4:
0xe5: {  	_ = 	snop;
	(pc) =	sbr.rel @p0 .LBB2_10-.Ltmp4, $2  }
0xe6: {  	_ =	sdelay $0x2  }
0xe7: {  	s17 =	sadd.s32 $0x100, s17;
	[tilespmem:v14+s10+$0x0] =	vst.idx.msk vm15, v63  }
0xe8: {  	[hbm4b:s29+s11] =	stream.strided.scatter [tilespmem:s10], [sflag:$0x1], $0xC400, s12, s11, $0x38;
	[tilespmem:$0x1D280] =	vst v63  }
0xe9: {  	_ =	swait.ge [sflag:s16], $0xC400  }
0xea: {  	[sflag:s16] =	ssyncset.done $0x0  }
0xeb: {  	s17 =	simm.s32 $0x0;
	[sflag:s16] =	ssyncadd.s32 $0xFFFF3C00  }
.LBB2_12:
0xec: {  	s18 =	sshra.s32 s17, $0x2  }
0xed: {  	v14 =	vld [tilespmem:s18+$0x1900];
	_ =	sdelay $0x4  }
0xee: {  	v15 =	vsub.s32 v14, v0  }
0xef: {  	v14 =	vand.u32 $0x7F, v14;
	v15 =	vand.u32 $0xFFFFFF80, v15  }
0xf0: {  	v14 =	vor.u32 v14, v15;
	_ =	sdelay $0x4  }
0xf1: {  	[tilespmem:v14+s14+$0x0] =	vst.idx.msk $0xffff, v13  }
0xf2: {  	v14 =	vld [tilespmem:s18+$0x1910];
	_ =	sdelay $0x4  }
0xf3: {  	v15 =	vsub.s32 v14, v0  }
0xf4: {  	v14 =	vand.u32 $0x7F, v14;
	v15 =	vand.u32 $0xFFFFFF80, v15  }
0xf5: {  	v14 =	vor.u32 v14, v15;
	_ =	sdelay $0x4  }
0xf6: {  	[tilespmem:v14+s14+$0x0] =	vst.idx.msk $0xffff, v13  }
0xf7: {  	v14 =	vld [tilespmem:s18+$0x1920];
	_ =	sdelay $0x4  }
0xf8: {  	v15 =	vsub.s32 v14, v0  }
0xf9: {  	v14 =	vand.u32 $0x7F, v14;
	v15 =	vand.u32 $0xFFFFFF80, v15  }
0xfa: {  	v14 =	vor.u32 v14, v15;
	_ =	sdelay $0x4  }
0xfb: {  	[tilespmem:v14+s14+$0x0] =	vst.idx.msk $0xffff, v13  }
0xfc: {  	v14 =	vld [tilespmem:s18+$0x1930];
	_ =	sdelay $0x4  }
0xfd: {  	v15 =	vsub.s32 v14, v0  }
0xfe: {  	v14 =	vand.u32 $0x7F, v14;
	v15 =	vand.u32 $0xFFFFFF80, v15  }
0xff: {  	p0 =	sne.s32 s17, $0x6100;
	v14 =	vor.u32 v14, v15  }
.Ltmp5:
0x100: {  	_ = 	snop;
	(pc) =	sbr.rel @p0 .LBB2_12-.Ltmp5, $2  }
0x101: {  	_ =	sdelay $0x2  }
0x102: {  	s17 =	sadd.s32 $0x100, s17;
	[tilespmem:v14+s14+$0x0] =	vst.idx.msk $0xffff, v13  }
0x103: {  	s17 =	simm.s32 $0x0;
	s18 =	rddreg [dreg:$0x7]  }
0x104: {  	[tilespmem:s13], [sflag:$0x3] =	stream.linear.gather [hbm4b:s18+s17], $0x1880, $0x38;
	[tilespmem:$0x1D280] =	vst v63  }
0x105: {  	_ =	swait.ge [sflag:s8], $0x1880  }
0x106: {  	[sflag:s8] =	ssyncset.done $0x0  }
0x107: {  	s18 =	rddreg [dreg:$0x8];
	[sflag:s8] =	ssyncadd.s32 $0xFFFFE780  }
0x108: {  	[tilespmem:s9], [sflag:$0x3] =	stream.linear.gather [hbm4b:s18+s17], $0x1880, $0x38;
	[tilespmem:$0x1D280] =	vst v63  }
0x109: {  	_ =	swait.ge [sflag:s8], $0x1880  }
0x10a: {  	[sflag:s8] =	ssyncset.done $0x0  }
0x10b: {  	[sflag:s8] =	ssyncadd.s32 $0xFFFFE780  }
.LBB2_14:
0x10c: {  	s18 =	sshra.s32 s17, $0x2  }
0x10d: {  	v14 =	vld [tilespmem:s18+$0x1900]  }
0x10e: {  	v15 =	vld [tilespmem:s18+$0x1901];
	_ =	sdelay $0x3  }
0x10f: {  	v16 =	vsub.s32 v14, v2  }
0x110: {  	vm0 =	vne.s32 v14, v15;
	v14 =	vand.u32 $0x7F, v14;
	v15 =	vand.u32 $0xFFFFFF80, v16  }
0x111: {  	v57 =	vld [tilespmem:s18+$0x3200];
	v14 =	vor.u32 v14, v15;
	_ =	sdelay $0x4  }
0x112: {  	[tilespmem:v14+s14+$0x0] =	vst.idx.msk vm0, v57  }
0x113: {  	v14 =	vld [tilespmem:s18+$0x1910]  }
0x114: {  	v15 =	vld [tilespmem:s18+$0x1911];
	_ =	sdelay $0x3  }
0x115: {  	v58 =	vsub.s32 v14, v2  }
0x116: {  	vm13 =	vne.s32 v14, v15;
	v14 =	vand.u32 $0x7F, v14;
	v15 =	vand.u32 $0xFFFFFF80, v58  }
0x117: {  	v59 =	vld [tilespmem:s18+$0x3210];
	v14 =	vor.u32 v14, v15;
	_ =	sdelay $0x4  }
0x118: {  	[tilespmem:v14+s14+$0x0] =	vst.idx.msk vm13, v59  }
0x119: {  	v14 =	vld [tilespmem:s18+$0x1920]  }
0x11a: {  	v15 =	vld [tilespmem:s18+$0x1921];
	_ =	sdelay $0x3  }
0x11b: {  	v60 =	vsub.s32 v14, v2  }
0x11c: {  	vm14 =	vne.s32 v14, v15;
	v14 =	vand.u32 $0x7F, v14;
	v15 =	vand.u32 $0xFFFFFF80, v60  }
0x11d: {  	v61 =	vld [tilespmem:s18+$0x3220];
	v14 =	vor.u32 v14, v15;
	_ =	sdelay $0x4  }
0x11e: {  	[tilespmem:v14+s14+$0x0] =	vst.idx.msk vm14, v61  }
0x11f: {  	v14 =	vld [tilespmem:s18+$0x1930]  }
0x120: {  	v15 =	vld [tilespmem:s18+$0x1931];
	_ =	sdelay $0x3  }
0x121: {  	v62 =	vsub.s32 v14, v2  }
0x122: {  	vm15 =	vne.s32 v14, v15;
	v14 =	vand.u32 $0x7F, v14;
	v15 =	vand.u32 $0xFFFFFF80, v62  }
0x123: {  	p0 =	sne.s32 s17, $0x6100;
	v63 =	vld [tilespmem:s18+$0x3230];
	v14 =	vor.u32 v14, v15  }
.Ltmp6:
0x124: {  	_ = 	snop;
	(pc) =	sbr.rel @p0 .LBB2_14-.Ltmp6, $2  }
0x125: {  	_ =	sdelay $0x2  }
0x126: {  	s17 =	sadd.s32 $0x100, s17;
	[tilespmem:v14+s14+$0x0] =	vst.idx.msk vm15, v63  }
0x127: {  	[hbm4b:s30+s11] =	stream.strided.scatter [tilespmem:s14], [sflag:$0x2], $0xC400, s12, s11, $0x38;
	[tilespmem:$0x1D280] =	vst v63  }
0x128: {  	_ =	swait.ge [sflag:s15], $0xC400  }
0x129: {  	[sflag:s15] =	ssyncset.done $0x0  }
0x12a: {  	s17 =	simm.s32 $0x0;
	[sflag:s15] =	ssyncadd.s32 $0xFFFF3C00  }
.LBB2_16:
0x12b: {  	s18 =	sshra.s32 s17, $0x2  }
0x12c: {  	v14 =	vld [tilespmem:s18+$0x0];
	_ =	sdelay $0x4  }
0x12d: {  	v15 =	vsub.s32 v14, v1  }
0x12e: {  	v14 =	vand.u32 $0x7F, v14;
	v15 =	vand.u32 $0xFFFFFF80, v15  }
0x12f: {  	v14 =	vor.u32 v14, v15;
	_ =	sdelay $0x4  }
0x130: {  	[tilespmem:v14+s10+$0x0] =	vst.idx.msk $0xffff, v13  }
0x131: {  	v14 =	vld [tilespmem:s18+$0x10];
	_ =	sdelay $0x4  }
0x132: {  	v15 =	vsub.s32 v14, v1  }
0x133: {  	v14 =	vand.u32 $0x7F, v14;
	v15 =	vand.u32 $0xFFFFFF80, v15  }
0x134: {  	v14 =	vor.u32 v14, v15;
	_ =	sdelay $0x4  }
0x135: {  	[tilespmem:v14+s10+$0x0] =	vst.idx.msk $0xffff, v13  }
0x136: {  	v14 =	vld [tilespmem:s18+$0x20];
	_ =	sdelay $0x4  }
0x137: {  	v15 =	vsub.s32 v14, v1  }
0x138: {  	v14 =	vand.u32 $0x7F, v14;
	v15 =	vand.u32 $0xFFFFFF80, v15  }
0x139: {  	v14 =	vor.u32 v14, v15;
	_ =	sdelay $0x4  }
0x13a: {  	[tilespmem:v14+s10+$0x0] =	vst.idx.msk $0xffff, v13  }
0x13b: {  	v14 =	vld [tilespmem:s18+$0x30];
	_ =	sdelay $0x4  }
0x13c: {  	v15 =	vsub.s32 v14, v1  }
0x13d: {  	v14 =	vand.u32 $0x7F, v14;
	v15 =	vand.u32 $0xFFFFFF80, v15  }
0x13e: {  	p0 =	sne.s32 s17, $0x6100;
	v14 =	vor.u32 v14, v15  }
.Ltmp7:
0x13f: {  	_ = 	snop;
	(pc) =	sbr.rel @p0 .LBB2_16-.Ltmp7, $2  }
0x140: {  	_ =	sdelay $0x2  }
0x141: {  	s17 =	sadd.s32 $0x100, s17;
	[tilespmem:v14+s10+$0x0] =	vst.idx.msk $0xffff, v13  }
0x142: {  	s17 =	simm.s32 $0x0;
	s18 =	rddreg [dreg:$0x9]  }
0x143: {  	[tilespmem:s17], [sflag:$0x3] =	stream.linear.gather [hbm4b:s18+s17], $0x1880, $0x38;
	[tilespmem:$0x1D280] =	vst v63  }
0x144: {  	_ =	swait.ge [sflag:s8], $0x1880  }
0x145: {  	[sflag:s8] =	ssyncset.done $0x0  }
0x146: {  	s18 =	rddreg [dreg:$0xa];
	[sflag:s8] =	ssyncadd.s32 $0xFFFFE780  }
0x147: {  	[tilespmem:s9], [sflag:$0x3] =	stream.linear.gather [hbm4b:s18+s17], $0x1880, $0x38;
	[tilespmem:$0x1D280] =	vst v63  }
0x148: {  	_ =	swait.ge [sflag:s8], $0x1880  }
0x149: {  	[sflag:s8] =	ssyncset.done $0x0  }
0x14a: {  	[sflag:s8] =	ssyncadd.s32 $0xFFFFE780  }
.LBB2_18:
0x14b: {  	s18 =	sshra.s32 s17, $0x2  }
0x14c: {  	v14 =	vld [tilespmem:s18+$0x0]  }
0x14d: {  	v15 =	vld [tilespmem:s18+$0x1];
	_ =	sdelay $0x3  }
0x14e: {  	v16 =	vsub.s32 v14, v3  }
0x14f: {  	vm0 =	vne.s32 v14, v15;
	v14 =	vand.u32 $0x7F, v14;
	v15 =	vand.u32 $0xFFFFFF80, v16  }
0x150: {  	v57 =	vld [tilespmem:s18+$0x3200];
	v14 =	vor.u32 v14, v15;
	_ =	sdelay $0x4  }
0x151: {  	[tilespmem:v14+s10+$0x0] =	vst.idx.msk vm0, v57  }
0x152: {  	v14 =	vld [tilespmem:s18+$0x10]  }
0x153: {  	v15 =	vld [tilespmem:s18+$0x11];
	_ =	sdelay $0x3  }
0x154: {  	v58 =	vsub.s32 v14, v3  }
0x155: {  	vm13 =	vne.s32 v14, v15;
	v14 =	vand.u32 $0x7F, v14;
	v15 =	vand.u32 $0xFFFFFF80, v58  }
0x156: {  	v59 =	vld [tilespmem:s18+$0x3210];
	v14 =	vor.u32 v14, v15;
	_ =	sdelay $0x4  }
0x157: {  	[tilespmem:v14+s10+$0x0] =	vst.idx.msk vm13, v59  }
0x158: {  	v14 =	vld [tilespmem:s18+$0x20]  }
0x159: {  	v15 =	vld [tilespmem:s18+$0x21];
	_ =	sdelay $0x3  }
0x15a: {  	v60 =	vsub.s32 v14, v3  }
0x15b: {  	vm14 =	vne.s32 v14, v15;
	v14 =	vand.u32 $0x7F, v14;
	v15 =	vand.u32 $0xFFFFFF80, v60  }
0x15c: {  	v61 =	vld [tilespmem:s18+$0x3220];
	v14 =	vor.u32 v14, v15;
	_ =	sdelay $0x4  }
0x15d: {  	[tilespmem:v14+s10+$0x0] =	vst.idx.msk vm14, v61  }
0x15e: {  	v14 =	vld [tilespmem:s18+$0x30]  }
0x15f: {  	v15 =	vld [tilespmem:s18+$0x31];
	_ =	sdelay $0x3  }
0x160: {  	v62 =	vsub.s32 v14, v3  }
0x161: {  	vm15 =	vne.s32 v14, v15;
	v14 =	vand.u32 $0x7F, v14;
	v15 =	vand.u32 $0xFFFFFF80, v62  }
0x162: {  	p0 =	sne.s32 s17, $0x6100;
	v63 =	vld [tilespmem:s18+$0x3230];
	v14 =	vor.u32 v14, v15  }
.Ltmp8:
0x163: {  	_ = 	snop;
	(pc) =	sbr.rel @p0 .LBB2_18-.Ltmp8, $2  }
0x164: {  	_ =	sdelay $0x2  }
0x165: {  	s17 =	sadd.s32 $0x100, s17;
	[tilespmem:v14+s10+$0x0] =	vst.idx.msk vm15, v63  }
0x166: {  	[hbm4b:s31+s11] =	stream.strided.scatter [tilespmem:s10], [sflag:$0x1], $0xC400, s12, s11, $0x38;
	[tilespmem:$0x1D280] =	vst v63  }
0x167: {  	_ =	swait.ge [sflag:s16], $0xC400  }
0x168: {  	[sflag:s16] =	ssyncset.done $0x0  }
0x169: {  	s17 =	simm.s32 $0x0;
	[sflag:s16] =	ssyncadd.s32 $0xFFFF3C00  }
.LBB2_20:
0x16a: {  	s18 =	sshra.s32 s17, $0x2  }
0x16b: {  	v14 =	vld [tilespmem:s18+$0x1900];
	_ =	sdelay $0x4  }
0x16c: {  	v15 =	vsub.s32 v14, v2  }
0x16d: {  	v14 =	vand.u32 $0x7F, v14;
	v15 =	vand.u32 $0xFFFFFF80, v15  }
0x16e: {  	v14 =	vor.u32 v14, v15;
	_ =	sdelay $0x4  }
0x16f: {  	[tilespmem:v14+s14+$0x0] =	vst.idx.msk $0xffff, v13  }
0x170: {  	v14 =	vld [tilespmem:s18+$0x1910];
	_ =	sdelay $0x4  }
0x171: {  	v15 =	vsub.s32 v14, v2  }
0x172: {  	v14 =	vand.u32 $0x7F, v14;
	v15 =	vand.u32 $0xFFFFFF80, v15  }
0x173: {  	v14 =	vor.u32 v14, v15;
	_ =	sdelay $0x4  }
0x174: {  	[tilespmem:v14+s14+$0x0] =	vst.idx.msk $0xffff, v13  }
0x175: {  	v14 =	vld [tilespmem:s18+$0x1920];
	_ =	sdelay $0x4  }
0x176: {  	v15 =	vsub.s32 v14, v2  }
0x177: {  	v14 =	vand.u32 $0x7F, v14;
	v15 =	vand.u32 $0xFFFFFF80, v15  }
0x178: {  	v14 =	vor.u32 v14, v15;
	_ =	sdelay $0x4  }
0x179: {  	[tilespmem:v14+s14+$0x0] =	vst.idx.msk $0xffff, v13  }
0x17a: {  	v14 =	vld [tilespmem:s18+$0x1930];
	_ =	sdelay $0x4  }
0x17b: {  	v15 =	vsub.s32 v14, v2  }
0x17c: {  	v14 =	vand.u32 $0x7F, v14;
	v15 =	vand.u32 $0xFFFFFF80, v15  }
0x17d: {  	p0 =	sne.s32 s17, $0x6100;
	v14 =	vor.u32 v14, v15  }
.Ltmp9:
0x17e: {  	_ = 	snop;
	(pc) =	sbr.rel @p0 .LBB2_20-.Ltmp9, $2  }
0x17f: {  	_ =	sdelay $0x2  }
0x180: {  	s17 =	sadd.s32 $0x100, s17;
	[tilespmem:v14+s14+$0x0] =	vst.idx.msk $0xffff, v13  }
0x181: {  	s17 =	simm.s32 $0x0;
	s18 =	rddreg [dreg:$0xb]  }
0x182: {  	[tilespmem:s13], [sflag:$0x3] =	stream.linear.gather [hbm4b:s18+s17], $0x1880, $0x38;
	[tilespmem:$0x1D280] =	vst v63  }
0x183: {  	_ =	swait.ge [sflag:s8], $0x1880  }
0x184: {  	[sflag:s8] =	ssyncset.done $0x0  }
0x185: {  	s18 =	rddreg [dreg:$0xc];
	[sflag:s8] =	ssyncadd.s32 $0xFFFFE780  }
0x186: {  	[tilespmem:s9], [sflag:$0x3] =	stream.linear.gather [hbm4b:s18+s17], $0x1880, $0x38;
	[tilespmem:$0x1D280] =	vst v63  }
0x187: {  	_ =	swait.ge [sflag:s8], $0x1880  }
0x188: {  	[sflag:s8] =	ssyncset.done $0x0  }
0x189: {  	[sflag:s8] =	ssyncadd.s32 $0xFFFFE780  }
.LBB2_22:
0x18a: {  	s18 =	sshra.s32 s17, $0x2  }
0x18b: {  	v14 =	vld [tilespmem:s18+$0x1900]  }
0x18c: {  	v15 =	vld [tilespmem:s18+$0x1901];
	_ =	sdelay $0x3  }
0x18d: {  	v16 =	vsub.s32 v14, v5  }
0x18e: {  	vm0 =	vne.s32 v14, v15;
	v14 =	vand.u32 $0x7F, v14;
	v15 =	vand.u32 $0xFFFFFF80, v16  }
0x18f: {  	v57 =	vld [tilespmem:s18+$0x3200];
	v14 =	vor.u32 v14, v15;
	_ =	sdelay $0x4  }
0x190: {  	[tilespmem:v14+s14+$0x0] =	vst.idx.msk vm0, v57  }
0x191: {  	v14 =	vld [tilespmem:s18+$0x1910]  }
0x192: {  	v15 =	vld [tilespmem:s18+$0x1911];
	_ =	sdelay $0x3  }
0x193: {  	v58 =	vsub.s32 v14, v5  }
0x194: {  	vm13 =	vne.s32 v14, v15;
	v14 =	vand.u32 $0x7F, v14;
	v15 =	vand.u32 $0xFFFFFF80, v58  }
0x195: {  	v59 =	vld [tilespmem:s18+$0x3210];
	v14 =	vor.u32 v14, v15;
	_ =	sdelay $0x4  }
0x196: {  	[tilespmem:v14+s14+$0x0] =	vst.idx.msk vm13, v59  }
0x197: {  	v14 =	vld [tilespmem:s18+$0x1920]  }
0x198: {  	v15 =	vld [tilespmem:s18+$0x1921];
	_ =	sdelay $0x3  }
0x199: {  	v60 =	vsub.s32 v14, v5  }
0x19a: {  	vm14 =	vne.s32 v14, v15;
	v14 =	vand.u32 $0x7F, v14;
	v15 =	vand.u32 $0xFFFFFF80, v60  }
0x19b: {  	v61 =	vld [tilespmem:s18+$0x3220];
	v14 =	vor.u32 v14, v15;
	_ =	sdelay $0x4  }
0x19c: {  	[tilespmem:v14+s14+$0x0] =	vst.idx.msk vm14, v61  }
0x19d: {  	v14 =	vld [tilespmem:s18+$0x1930]  }
0x19e: {  	v15 =	vld [tilespmem:s18+$0x1931];
	_ =	sdelay $0x3  }
0x19f: {  	v62 =	vsub.s32 v14, v5  }
0x1a0: {  	vm15 =	vne.s32 v14, v15;
	v14 =	vand.u32 $0x7F, v14;
	v15 =	vand.u32 $0xFFFFFF80, v62  }
0x1a1: {  	p0 =	sne.s32 s17, $0x6100;
	v63 =	vld [tilespmem:s18+$0x3230];
	v14 =	vor.u32 v14, v15  }
.Ltmp10:
0x1a2: {  	_ = 	snop;
	(pc) =	sbr.rel @p0 .LBB2_22-.Ltmp10, $2  }
0x1a3: {  	_ =	sdelay $0x2  }
0x1a4: {  	s17 =	sadd.s32 $0x100, s17;
	[tilespmem:v14+s14+$0x0] =	vst.idx.msk vm15, v63  }
0x1a5: {  	[hbm4b:s0+s11] =	stream.strided.scatter [tilespmem:s14], [sflag:$0x2], $0xC400, s12, s11, $0x38;
	[tilespmem:$0x1D280] =	vst v63  }
0x1a6: {  	_ =	swait.ge [sflag:s15], $0xC400  }
0x1a7: {  	[sflag:s15] =	ssyncset.done $0x0  }
0x1a8: {  	s17 =	simm.s32 $0x0;
	[sflag:s15] =	ssyncadd.s32 $0xFFFF3C00  }
.LBB2_24:
0x1a9: {  	s18 =	sshra.s32 s17, $0x2  }
0x1aa: {  	v14 =	vld [tilespmem:s18+$0x0];
	_ =	sdelay $0x4  }
0x1ab: {  	v15 =	vsub.s32 v14, v3  }
0x1ac: {  	v14 =	vand.u32 $0x7F, v14;
	v15 =	vand.u32 $0xFFFFFF80, v15  }
0x1ad: {  	v14 =	vor.u32 v14, v15;
	_ =	sdelay $0x4  }
0x1ae: {  	[tilespmem:v14+s10+$0x0] =	vst.idx.msk $0xffff, v13  }
0x1af: {  	v14 =	vld [tilespmem:s18+$0x10];
	_ =	sdelay $0x4  }
0x1b0: {  	v15 =	vsub.s32 v14, v3  }
0x1b1: {  	v14 =	vand.u32 $0x7F, v14;
	v15 =	vand.u32 $0xFFFFFF80, v15  }
0x1b2: {  	v14 =	vor.u32 v14, v15;
	_ =	sdelay $0x4  }
0x1b3: {  	[tilespmem:v14+s10+$0x0] =	vst.idx.msk $0xffff, v13  }
0x1b4: {  	v14 =	vld [tilespmem:s18+$0x20];
	_ =	sdelay $0x4  }
0x1b5: {  	v15 =	vsub.s32 v14, v3  }
0x1b6: {  	v14 =	vand.u32 $0x7F, v14;
	v15 =	vand.u32 $0xFFFFFF80, v15  }
0x1b7: {  	v14 =	vor.u32 v14, v15;
	_ =	sdelay $0x4  }
0x1b8: {  	[tilespmem:v14+s10+$0x0] =	vst.idx.msk $0xffff, v13  }
0x1b9: {  	v14 =	vld [tilespmem:s18+$0x30];
	_ =	sdelay $0x4  }
0x1ba: {  	v15 =	vsub.s32 v14, v3  }
0x1bb: {  	v14 =	vand.u32 $0x7F, v14;
	v15 =	vand.u32 $0xFFFFFF80, v15  }
0x1bc: {  	p0 =	sne.s32 s17, $0x6100;
	v14 =	vor.u32 v14, v15  }
.Ltmp11:
0x1bd: {  	_ = 	snop;
	(pc) =	sbr.rel @p0 .LBB2_24-.Ltmp11, $2  }
0x1be: {  	_ =	sdelay $0x2  }
0x1bf: {  	s17 =	sadd.s32 $0x100, s17;
	[tilespmem:v14+s10+$0x0] =	vst.idx.msk $0xffff, v13  }
0x1c0: {  	s17 =	simm.s32 $0x0;
	s18 =	rddreg [dreg:$0xd]  }
0x1c1: {  	[tilespmem:s17], [sflag:$0x3] =	stream.linear.gather [hbm4b:s18+s17], $0x1880, $0x38;
	[tilespmem:$0x1D280] =	vst v63  }
0x1c2: {  	_ =	swait.ge [sflag:s8], $0x1880  }
0x1c3: {  	[sflag:s8] =	ssyncset.done $0x0  }
0x1c4: {  	s18 =	rddreg [dreg:$0xe];
	[sflag:s8] =	ssyncadd.s32 $0xFFFFE780  }
0x1c5: {  	[tilespmem:s9], [sflag:$0x3] =	stream.linear.gather [hbm4b:s18+s17], $0x1880, $0x38;
	[tilespmem:$0x1D280] =	vst v63  }
0x1c6: {  	_ =	swait.ge [sflag:s8], $0x1880  }
0x1c7: {  	[sflag:s8] =	ssyncset.done $0x0  }
0x1c8: {  	[sflag:s8] =	ssyncadd.s32 $0xFFFFE780  }
.LBB2_26:
0x1c9: {  	s18 =	sshra.s32 s17, $0x2  }
0x1ca: {  	v14 =	vld [tilespmem:s18+$0x0]  }
0x1cb: {  	v15 =	vld [tilespmem:s18+$0x1];
	_ =	sdelay $0x3  }
0x1cc: {  	v16 =	vsub.s32 v14, v6  }
0x1cd: {  	vm0 =	vne.s32 v14, v15;
	v14 =	vand.u32 $0x7F, v14;
	v15 =	vand.u32 $0xFFFFFF80, v16  }
0x1ce: {  	v57 =	vld [tilespmem:s18+$0x3200];
	v14 =	vor.u32 v14, v15;
	_ =	sdelay $0x4  }
0x1cf: {  	[tilespmem:v14+s10+$0x0] =	vst.idx.msk vm0, v57  }
0x1d0: {  	v14 =	vld [tilespmem:s18+$0x10]  }
0x1d1: {  	v15 =	vld [tilespmem:s18+$0x11];
	_ =	sdelay $0x3  }
0x1d2: {  	v58 =	vsub.s32 v14, v6  }
0x1d3: {  	vm13 =	vne.s32 v14, v15;
	v14 =	vand.u32 $0x7F, v14;
	v15 =	vand.u32 $0xFFFFFF80, v58  }
0x1d4: {  	v59 =	vld [tilespmem:s18+$0x3210];
	v14 =	vor.u32 v14, v15;
	_ =	sdelay $0x4  }
0x1d5: {  	[tilespmem:v14+s10+$0x0] =	vst.idx.msk vm13, v59  }
0x1d6: {  	v14 =	vld [tilespmem:s18+$0x20]  }
0x1d7: {  	v15 =	vld [tilespmem:s18+$0x21];
	_ =	sdelay $0x3  }
0x1d8: {  	v60 =	vsub.s32 v14, v6  }
0x1d9: {  	vm14 =	vne.s32 v14, v15;
	v14 =	vand.u32 $0x7F, v14;
	v15 =	vand.u32 $0xFFFFFF80, v60  }
0x1da: {  	v61 =	vld [tilespmem:s18+$0x3220];
	v14 =	vor.u32 v14, v15;
	_ =	sdelay $0x4  }
0x1db: {  	[tilespmem:v14+s10+$0x0] =	vst.idx.msk vm14, v61  }
0x1dc: {  	v14 =	vld [tilespmem:s18+$0x30]  }
0x1dd: {  	v15 =	vld [tilespmem:s18+$0x31];
	_ =	sdelay $0x3  }
0x1de: {  	v62 =	vsub.s32 v14, v6  }
0x1df: {  	vm15 =	vne.s32 v14, v15;
	v14 =	vand.u32 $0x7F, v14;
	v15 =	vand.u32 $0xFFFFFF80, v62  }
0x1e0: {  	p0 =	sne.s32 s17, $0x6100;
	v63 =	vld [tilespmem:s18+$0x3230];
	v14 =	vor.u32 v14, v15  }
.Ltmp12:
0x1e1: {  	_ = 	snop;
	(pc) =	sbr.rel @p0 .LBB2_26-.Ltmp12, $2  }
0x1e2: {  	_ =	sdelay $0x2  }
0x1e3: {  	s17 =	sadd.s32 $0x100, s17;
	[tilespmem:v14+s10+$0x0] =	vst.idx.msk vm15, v63  }
0x1e4: {  	[hbm4b:s1+s11] =	stream.strided.scatter [tilespmem:s10], [sflag:$0x1], $0xC400, s12, s11, $0x38;
	[tilespmem:$0x1D280] =	vst v63  }
0x1e5: {  	_ =	swait.ge [sflag:s16], $0xC400  }
0x1e6: {  	[sflag:s16] =	ssyncset.done $0x0  }
0x1e7: {  	s17 =	simm.s32 $0x0;
	[sflag:s16] =	ssyncadd.s32 $0xFFFF3C00  }
.LBB2_28:
0x1e8: {  	s18 =	sshra.s32 s17, $0x2  }
0x1e9: {  	v14 =	vld [tilespmem:s18+$0x1900];
	_ =	sdelay $0x4  }
0x1ea: {  	v15 =	vsub.s32 v14, v5  }
0x1eb: {  	v14 =	vand.u32 $0x7F, v14;
	v15 =	vand.u32 $0xFFFFFF80, v15  }
0x1ec: {  	v14 =	vor.u32 v14, v15;
	_ =	sdelay $0x4  }
0x1ed: {  	[tilespmem:v14+s14+$0x0] =	vst.idx.msk $0xffff, v13  }
0x1ee: {  	v14 =	vld [tilespmem:s18+$0x1910];
	_ =	sdelay $0x4  }
0x1ef: {  	v15 =	vsub.s32 v14, v5  }
0x1f0: {  	v14 =	vand.u32 $0x7F, v14;
	v15 =	vand.u32 $0xFFFFFF80, v15  }
0x1f1: {  	v14 =	vor.u32 v14, v15;
	_ =	sdelay $0x4  }
0x1f2: {  	[tilespmem:v14+s14+$0x0] =	vst.idx.msk $0xffff, v13  }
0x1f3: {  	v14 =	vld [tilespmem:s18+$0x1920];
	_ =	sdelay $0x4  }
0x1f4: {  	v15 =	vsub.s32 v14, v5  }
0x1f5: {  	v14 =	vand.u32 $0x7F, v14;
	v15 =	vand.u32 $0xFFFFFF80, v15  }
0x1f6: {  	v14 =	vor.u32 v14, v15;
	_ =	sdelay $0x4  }
0x1f7: {  	[tilespmem:v14+s14+$0x0] =	vst.idx.msk $0xffff, v13  }
0x1f8: {  	v14 =	vld [tilespmem:s18+$0x1930];
	_ =	sdelay $0x4  }
0x1f9: {  	v15 =	vsub.s32 v14, v5  }
0x1fa: {  	v14 =	vand.u32 $0x7F, v14;
	v15 =	vand.u32 $0xFFFFFF80, v15  }
0x1fb: {  	p0 =	sne.s32 s17, $0x6100;
	v14 =	vor.u32 v14, v15  }
.Ltmp13:
0x1fc: {  	_ = 	snop;
	(pc) =	sbr.rel @p0 .LBB2_28-.Ltmp13, $2  }
0x1fd: {  	_ =	sdelay $0x2  }
0x1fe: {  	s17 =	sadd.s32 $0x100, s17;
	[tilespmem:v14+s14+$0x0] =	vst.idx.msk $0xffff, v13  }
0x1ff: {  	s17 =	simm.s32 $0x0;
	s18 =	rddreg [dreg:$0xf]  }
0x200: {  	[tilespmem:s13], [sflag:$0x3] =	stream.linear.gather [hbm4b:s18+s17], $0x1880, $0x38;
	[tilespmem:$0x1D280] =	vst v63  }
0x201: {  	_ =	swait.ge [sflag:s8], $0x1880  }
0x202: {  	[sflag:s8] =	ssyncset.done $0x0  }
0x203: {  	s18 =	rddreg [dreg:$0x10];
	[sflag:s8] =	ssyncadd.s32 $0xFFFFE780  }
0x204: {  	[tilespmem:s9], [sflag:$0x3] =	stream.linear.gather [hbm4b:s18+s17], $0x1880, $0x38;
	[tilespmem:$0x1D280] =	vst v63  }
0x205: {  	_ =	swait.ge [sflag:s8], $0x1880  }
0x206: {  	[sflag:s8] =	ssyncset.done $0x0  }
0x207: {  	[sflag:s8] =	ssyncadd.s32 $0xFFFFE780  }
.LBB2_30:
0x208: {  	s18 =	sshra.s32 s17, $0x2  }
0x209: {  	v14 =	vld [tilespmem:s18+$0x1900]  }
0x20a: {  	v15 =	vld [tilespmem:s18+$0x1901];
	_ =	sdelay $0x3  }
0x20b: {  	v16 =	vsub.s32 v14, v7  }
0x20c: {  	vm0 =	vne.s32 v14, v15;
	v14 =	vand.u32 $0x7F, v14;
	v15 =	vand.u32 $0xFFFFFF80, v16  }
0x20d: {  	v57 =	vld [tilespmem:s18+$0x3200];
	v14 =	vor.u32 v14, v15;
	_ =	sdelay $0x4  }
0x20e: {  	[tilespmem:v14+s14+$0x0] =	vst.idx.msk vm0, v57  }
0x20f: {  	v14 =	vld [tilespmem:s18+$0x1910]  }
0x210: {  	v15 =	vld [tilespmem:s18+$0x1911];
	_ =	sdelay $0x3  }
0x211: {  	v58 =	vsub.s32 v14, v7  }
0x212: {  	vm13 =	vne.s32 v14, v15;
	v14 =	vand.u32 $0x7F, v14;
	v15 =	vand.u32 $0xFFFFFF80, v58  }
0x213: {  	v59 =	vld [tilespmem:s18+$0x3210];
	v14 =	vor.u32 v14, v15;
	_ =	sdelay $0x4  }
0x214: {  	[tilespmem:v14+s14+$0x0] =	vst.idx.msk vm13, v59  }
0x215: {  	v14 =	vld [tilespmem:s18+$0x1920]  }
0x216: {  	v15 =	vld [tilespmem:s18+$0x1921];
	_ =	sdelay $0x3  }
0x217: {  	v60 =	vsub.s32 v14, v7  }
0x218: {  	vm14 =	vne.s32 v14, v15;
	v14 =	vand.u32 $0x7F, v14;
	v15 =	vand.u32 $0xFFFFFF80, v60  }
0x219: {  	v61 =	vld [tilespmem:s18+$0x3220];
	v14 =	vor.u32 v14, v15;
	_ =	sdelay $0x4  }
0x21a: {  	[tilespmem:v14+s14+$0x0] =	vst.idx.msk vm14, v61  }
0x21b: {  	v14 =	vld [tilespmem:s18+$0x1930]  }
0x21c: {  	v15 =	vld [tilespmem:s18+$0x1931];
	_ =	sdelay $0x3  }
0x21d: {  	v62 =	vsub.s32 v14, v7  }
0x21e: {  	vm15 =	vne.s32 v14, v15;
	v14 =	vand.u32 $0x7F, v14;
	v15 =	vand.u32 $0xFFFFFF80, v62  }
0x21f: {  	p0 =	sne.s32 s17, $0x6100;
	v63 =	vld [tilespmem:s18+$0x3230];
	v14 =	vor.u32 v14, v15  }
.Ltmp14:
0x220: {  	_ = 	snop;
	(pc) =	sbr.rel @p0 .LBB2_30-.Ltmp14, $2  }
0x221: {  	_ =	sdelay $0x2  }
0x222: {  	s17 =	sadd.s32 $0x100, s17;
	[tilespmem:v14+s14+$0x0] =	vst.idx.msk vm15, v63  }
0x223: {  	[hbm4b:s2+s11] =	stream.strided.scatter [tilespmem:s14], [sflag:$0x2], $0xC400, s12, s11, $0x38;
	[tilespmem:$0x1D280] =	vst v63  }
0x224: {  	_ =	swait.ge [sflag:s15], $0xC400  }
0x225: {  	[sflag:s15] =	ssyncset.done $0x0  }
0x226: {  	s17 =	simm.s32 $0x0;
	[sflag:s15] =	ssyncadd.s32 $0xFFFF3C00  }
.LBB2_32:
0x227: {  	s18 =	sshra.s32 s17, $0x2  }
0x228: {  	v14 =	vld [tilespmem:s18+$0x0];
	_ =	sdelay $0x4  }
0x229: {  	v15 =	vsub.s32 v14, v6  }
0x22a: {  	v14 =	vand.u32 $0x7F, v14;
	v15 =	vand.u32 $0xFFFFFF80, v15  }
0x22b: {  	v14 =	vor.u32 v14, v15;
	_ =	sdelay $0x4  }
0x22c: {  	[tilespmem:v14+s10+$0x0] =	vst.idx.msk $0xffff, v13  }
0x22d: {  	v14 =	vld [tilespmem:s18+$0x10];
	_ =	sdelay $0x4  }
0x22e: {  	v15 =	vsub.s32 v14, v6  }
0x22f: {  	v14 =	vand.u32 $0x7F, v14;
	v15 =	vand.u32 $0xFFFFFF80, v15  }
0x230: {  	v14 =	vor.u32 v14, v15;
	_ =	sdelay $0x4  }
0x231: {  	[tilespmem:v14+s10+$0x0] =	vst.idx.msk $0xffff, v13  }
0x232: {  	v14 =	vld [tilespmem:s18+$0x20];
	_ =	sdelay $0x4  }
0x233: {  	v15 =	vsub.s32 v14, v6  }
0x234: {  	v14 =	vand.u32 $0x7F, v14;
	v15 =	vand.u32 $0xFFFFFF80, v15  }
0x235: {  	v14 =	vor.u32 v14, v15;
	_ =	sdelay $0x4  }
0x236: {  	[tilespmem:v14+s10+$0x0] =	vst.idx.msk $0xffff, v13  }
0x237: {  	v14 =	vld [tilespmem:s18+$0x30];
	_ =	sdelay $0x4  }
0x238: {  	v15 =	vsub.s32 v14, v6  }
0x239: {  	v14 =	vand.u32 $0x7F, v14;
	v15 =	vand.u32 $0xFFFFFF80, v15  }
0x23a: {  	p0 =	sne.s32 s17, $0x6100;
	v14 =	vor.u32 v14, v15  }
.Ltmp15:
0x23b: {  	_ = 	snop;
	(pc) =	sbr.rel @p0 .LBB2_32-.Ltmp15, $2  }
0x23c: {  	_ =	sdelay $0x2  }
0x23d: {  	s17 =	sadd.s32 $0x100, s17;
	[tilespmem:v14+s10+$0x0] =	vst.idx.msk $0xffff, v13  }
0x23e: {  	s17 =	simm.s32 $0x0;
	s18 =	rddreg [dreg:$0x11]  }
0x23f: {  	[tilespmem:s17], [sflag:$0x3] =	stream.linear.gather [hbm4b:s18+s17], $0x1880, $0x38;
	[tilespmem:$0x1D280] =	vst v63  }
0x240: {  	_ =	swait.ge [sflag:s8], $0x1880  }
0x241: {  	[sflag:s8] =	ssyncset.done $0x0  }
0x242: {  	s18 =	rddreg [dreg:$0x12];
	[sflag:s8] =	ssyncadd.s32 $0xFFFFE780  }
0x243: {  	[tilespmem:s9], [sflag:$0x3] =	stream.linear.gather [hbm4b:s18+s17], $0x1880, $0x38;
	[tilespmem:$0x1D280] =	vst v63  }
0x244: {  	_ =	swait.ge [sflag:s8], $0x1880  }
0x245: {  	[sflag:s8] =	ssyncset.done $0x0  }
0x246: {  	[sflag:s8] =	ssyncadd.s32 $0xFFFFE780  }
.LBB2_34:
0x247: {  	s18 =	sshra.s32 s17, $0x2  }
0x248: {  	v14 =	vld [tilespmem:s18+$0x0]  }
0x249: {  	v15 =	vld [tilespmem:s18+$0x1];
	_ =	sdelay $0x3  }
0x24a: {  	v16 =	vsub.s32 v14, v8  }
0x24b: {  	vm0 =	vne.s32 v14, v15;
	v14 =	vand.u32 $0x7F, v14;
	v15 =	vand.u32 $0xFFFFFF80, v16  }
0x24c: {  	v57 =	vld [tilespmem:s18+$0x3200];
	v14 =	vor.u32 v14, v15;
	_ =	sdelay $0x4  }
0x24d: {  	[tilespmem:v14+s10+$0x0] =	vst.idx.msk vm0, v57  }
0x24e: {  	v14 =	vld [tilespmem:s18+$0x10]  }
0x24f: {  	v15 =	vld [tilespmem:s18+$0x11];
	_ =	sdelay $0x3  }
0x250: {  	v58 =	vsub.s32 v14, v8  }
0x251: {  	vm13 =	vne.s32 v14, v15;
	v14 =	vand.u32 $0x7F, v14;
	v15 =	vand.u32 $0xFFFFFF80, v58  }
0x252: {  	v59 =	vld [tilespmem:s18+$0x3210];
	v14 =	vor.u32 v14, v15;
	_ =	sdelay $0x4  }
0x253: {  	[tilespmem:v14+s10+$0x0] =	vst.idx.msk vm13, v59  }
0x254: {  	v14 =	vld [tilespmem:s18+$0x20]  }
0x255: {  	v15 =	vld [tilespmem:s18+$0x21];
	_ =	sdelay $0x3  }
0x256: {  	v60 =	vsub.s32 v14, v8  }
0x257: {  	vm14 =	vne.s32 v14, v15;
	v14 =	vand.u32 $0x7F, v14;
	v15 =	vand.u32 $0xFFFFFF80, v60  }
0x258: {  	v61 =	vld [tilespmem:s18+$0x3220];
	v14 =	vor.u32 v14, v15;
	_ =	sdelay $0x4  }
0x259: {  	[tilespmem:v14+s10+$0x0] =	vst.idx.msk vm14, v61  }
0x25a: {  	v14 =	vld [tilespmem:s18+$0x30]  }
0x25b: {  	v15 =	vld [tilespmem:s18+$0x31];
	_ =	sdelay $0x3  }
0x25c: {  	v62 =	vsub.s32 v14, v8  }
0x25d: {  	vm15 =	vne.s32 v14, v15;
	v14 =	vand.u32 $0x7F, v14;
	v15 =	vand.u32 $0xFFFFFF80, v62  }
0x25e: {  	p0 =	sne.s32 s17, $0x6100;
	v63 =	vld [tilespmem:s18+$0x3230];
	v14 =	vor.u32 v14, v15  }
.Ltmp16:
0x25f: {  	_ = 	snop;
	(pc) =	sbr.rel @p0 .LBB2_34-.Ltmp16, $2  }
0x260: {  	_ =	sdelay $0x2  }
0x261: {  	s17 =	sadd.s32 $0x100, s17;
	[tilespmem:v14+s10+$0x0] =	vst.idx.msk vm15, v63  }
0x262: {  	[hbm4b:s3+s11] =	stream.strided.scatter [tilespmem:s10], [sflag:$0x1], $0xC400, s12, s11, $0x38;
	[tilespmem:$0x1D280] =	vst v63  }
0x263: {  	_ =	swait.ge [sflag:s16], $0xC400  }
0x264: {  	[sflag:s16] =	ssyncset.done $0x0  }
0x265: {  	s17 =	simm.s32 $0x0;
	[sflag:s16] =	ssyncadd.s32 $0xFFFF3C00  }
.LBB2_36:
0x266: {  	s18 =	sshra.s32 s17, $0x2  }
0x267: {  	v14 =	vld [tilespmem:s18+$0x1900];
	_ =	sdelay $0x4  }
0x268: {  	v15 =	vsub.s32 v14, v7  }
0x269: {  	v14 =	vand.u32 $0x7F, v14;
	v15 =	vand.u32 $0xFFFFFF80, v15  }
0x26a: {  	v14 =	vor.u32 v14, v15;
	_ =	sdelay $0x4  }
0x26b: {  	[tilespmem:v14+s14+$0x0] =	vst.idx.msk $0xffff, v13  }
0x26c: {  	v14 =	vld [tilespmem:s18+$0x1910];
	_ =	sdelay $0x4  }
0x26d: {  	v15 =	vsub.s32 v14, v7  }
0x26e: {  	v14 =	vand.u32 $0x7F, v14;
	v15 =	vand.u32 $0xFFFFFF80, v15  }
0x26f: {  	v14 =	vor.u32 v14, v15;
	_ =	sdelay $0x4  }
0x270: {  	[tilespmem:v14+s14+$0x0] =	vst.idx.msk $0xffff, v13  }
0x271: {  	v14 =	vld [tilespmem:s18+$0x1920];
	_ =	sdelay $0x4  }
0x272: {  	v15 =	vsub.s32 v14, v7  }
0x273: {  	v14 =	vand.u32 $0x7F, v14;
	v15 =	vand.u32 $0xFFFFFF80, v15  }
0x274: {  	v14 =	vor.u32 v14, v15;
	_ =	sdelay $0x4  }
0x275: {  	[tilespmem:v14+s14+$0x0] =	vst.idx.msk $0xffff, v13  }
0x276: {  	v14 =	vld [tilespmem:s18+$0x1930];
	_ =	sdelay $0x4  }
0x277: {  	v15 =	vsub.s32 v14, v7  }
0x278: {  	v14 =	vand.u32 $0x7F, v14;
	v15 =	vand.u32 $0xFFFFFF80, v15  }
0x279: {  	p0 =	sne.s32 s17, $0x6100;
	v14 =	vor.u32 v14, v15  }
.Ltmp17:
0x27a: {  	_ = 	snop;
	(pc) =	sbr.rel @p0 .LBB2_36-.Ltmp17, $2  }
0x27b: {  	_ =	sdelay $0x2  }
0x27c: {  	s17 =	sadd.s32 $0x100, s17;
	[tilespmem:v14+s14+$0x0] =	vst.idx.msk $0xffff, v13  }
0x27d: {  	s17 =	simm.s32 $0x0;
	s18 =	rddreg [dreg:$0x13]  }
0x27e: {  	[tilespmem:s13], [sflag:$0x3] =	stream.linear.gather [hbm4b:s18+s17], $0x1880, $0x38;
	[tilespmem:$0x1D280] =	vst v63  }
0x27f: {  	_ =	swait.ge [sflag:s8], $0x1880  }
0x280: {  	[sflag:s8] =	ssyncset.done $0x0  }
0x281: {  	s18 =	rddreg [dreg:$0x14];
	[sflag:s8] =	ssyncadd.s32 $0xFFFFE780  }
0x282: {  	[tilespmem:s9], [sflag:$0x3] =	stream.linear.gather [hbm4b:s18+s17], $0x1880, $0x38;
	[tilespmem:$0x1D280] =	vst v63  }
0x283: {  	_ =	swait.ge [sflag:s8], $0x1880  }
0x284: {  	[sflag:s8] =	ssyncset.done $0x0  }
0x285: {  	[sflag:s8] =	ssyncadd.s32 $0xFFFFE780  }
.LBB2_38:
0x286: {  	s18 =	sshra.s32 s17, $0x2  }
0x287: {  	v14 =	vld [tilespmem:s18+$0x1900]  }
0x288: {  	v15 =	vld [tilespmem:s18+$0x1901];
	_ =	sdelay $0x3  }
0x289: {  	v16 =	vsub.s32 v14, v9  }
0x28a: {  	vm0 =	vne.s32 v14, v15;
	v14 =	vand.u32 $0x7F, v14;
	v15 =	vand.u32 $0xFFFFFF80, v16  }
0x28b: {  	v57 =	vld [tilespmem:s18+$0x3200];
	v14 =	vor.u32 v14, v15;
	_ =	sdelay $0x4  }
0x28c: {  	[tilespmem:v14+s14+$0x0] =	vst.idx.msk vm0, v57  }
0x28d: {  	v14 =	vld [tilespmem:s18+$0x1910]  }
0x28e: {  	v15 =	vld [tilespmem:s18+$0x1911];
	_ =	sdelay $0x3  }
0x28f: {  	v58 =	vsub.s32 v14, v9  }
0x290: {  	vm13 =	vne.s32 v14, v15;
	v14 =	vand.u32 $0x7F, v14;
	v15 =	vand.u32 $0xFFFFFF80, v58  }
0x291: {  	v59 =	vld [tilespmem:s18+$0x3210];
	v14 =	vor.u32 v14, v15;
	_ =	sdelay $0x4  }
0x292: {  	[tilespmem:v14+s14+$0x0] =	vst.idx.msk vm13, v59  }
0x293: {  	v14 =	vld [tilespmem:s18+$0x1920]  }
0x294: {  	v15 =	vld [tilespmem:s18+$0x1921];
	_ =	sdelay $0x3  }
0x295: {  	v60 =	vsub.s32 v14, v9  }
0x296: {  	vm14 =	vne.s32 v14, v15;
	v14 =	vand.u32 $0x7F, v14;
	v15 =	vand.u32 $0xFFFFFF80, v60  }
0x297: {  	v61 =	vld [tilespmem:s18+$0x3220];
	v14 =	vor.u32 v14, v15;
	_ =	sdelay $0x4  }
0x298: {  	[tilespmem:v14+s14+$0x0] =	vst.idx.msk vm14, v61  }
0x299: {  	v14 =	vld [tilespmem:s18+$0x1930]  }
0x29a: {  	v15 =	vld [tilespmem:s18+$0x1931];
	_ =	sdelay $0x3  }
0x29b: {  	v62 =	vsub.s32 v14, v9  }
0x29c: {  	vm15 =	vne.s32 v14, v15;
	v14 =	vand.u32 $0x7F, v14;
	v15 =	vand.u32 $0xFFFFFF80, v62  }
0x29d: {  	p0 =	sne.s32 s17, $0x6100;
	v63 =	vld [tilespmem:s18+$0x3230];
	v14 =	vor.u32 v14, v15  }
.Ltmp18:
0x29e: {  	_ = 	snop;
	(pc) =	sbr.rel @p0 .LBB2_38-.Ltmp18, $2  }
0x29f: {  	_ =	sdelay $0x2  }
0x2a0: {  	s17 =	sadd.s32 $0x100, s17;
	[tilespmem:v14+s14+$0x0] =	vst.idx.msk vm15, v63  }
0x2a1: {  	[hbm4b:s4+s11] =	stream.strided.scatter [tilespmem:s14], [sflag:$0x2], $0xC400, s12, s11, $0x38;
	[tilespmem:$0x1D280] =	vst v63  }
0x2a2: {  	_ =	swait.ge [sflag:s15], $0xC400  }
0x2a3: {  	[sflag:s15] =	ssyncset.done $0x0  }
0x2a4: {  	s17 =	simm.s32 $0x0;
	[sflag:s15] =	ssyncadd.s32 $0xFFFF3C00  }
.LBB2_40:
0x2a5: {  	s18 =	sshra.s32 s17, $0x2  }
0x2a6: {  	v14 =	vld [tilespmem:s18+$0x0];
	_ =	sdelay $0x4  }
0x2a7: {  	v15 =	vsub.s32 v14, v8  }
0x2a8: {  	v14 =	vand.u32 $0x7F, v14;
	v15 =	vand.u32 $0xFFFFFF80, v15  }
0x2a9: {  	v14 =	vor.u32 v14, v15;
	_ =	sdelay $0x4  }
0x2aa: {  	[tilespmem:v14+s10+$0x0] =	vst.idx.msk $0xffff, v13  }
0x2ab: {  	v14 =	vld [tilespmem:s18+$0x10];
	_ =	sdelay $0x4  }
0x2ac: {  	v15 =	vsub.s32 v14, v8  }
0x2ad: {  	v14 =	vand.u32 $0x7F, v14;
	v15 =	vand.u32 $0xFFFFFF80, v15  }
0x2ae: {  	v14 =	vor.u32 v14, v15;
	_ =	sdelay $0x4  }
0x2af: {  	[tilespmem:v14+s10+$0x0] =	vst.idx.msk $0xffff, v13  }
0x2b0: {  	v14 =	vld [tilespmem:s18+$0x20];
	_ =	sdelay $0x4  }
0x2b1: {  	v15 =	vsub.s32 v14, v8  }
0x2b2: {  	v14 =	vand.u32 $0x7F, v14;
	v15 =	vand.u32 $0xFFFFFF80, v15  }
0x2b3: {  	v14 =	vor.u32 v14, v15;
	_ =	sdelay $0x4  }
0x2b4: {  	[tilespmem:v14+s10+$0x0] =	vst.idx.msk $0xffff, v13  }
0x2b5: {  	v14 =	vld [tilespmem:s18+$0x30];
	_ =	sdelay $0x4  }
0x2b6: {  	v15 =	vsub.s32 v14, v8  }
0x2b7: {  	v14 =	vand.u32 $0x7F, v14;
	v15 =	vand.u32 $0xFFFFFF80, v15  }
0x2b8: {  	p0 =	sne.s32 s17, $0x6100;
	v14 =	vor.u32 v14, v15  }
.Ltmp19:
0x2b9: {  	_ = 	snop;
	(pc) =	sbr.rel @p0 .LBB2_40-.Ltmp19, $2  }
0x2ba: {  	_ =	sdelay $0x2  }
0x2bb: {  	s17 =	sadd.s32 $0x100, s17;
	[tilespmem:v14+s10+$0x0] =	vst.idx.msk $0xffff, v13  }
0x2bc: {  	s17 =	simm.s32 $0x0  }
0x2bd: {  	[tilespmem:s17], [sflag:$0x3] =	stream.linear.gather [hbm4b:s19+s17], $0x1880, $0x38;
	[tilespmem:$0x1D280] =	vst v63  }
0x2be: {  	_ =	swait.ge [sflag:s8], $0x1880  }
0x2bf: {  	[sflag:s8] =	ssyncset.done $0x0  }
0x2c0: {  	[sflag:s8] =	ssyncadd.s32 $0xFFFFE780  }
0x2c1: {  	[tilespmem:s9], [sflag:$0x3] =	stream.linear.gather [hbm4b:s20+s17], $0x1880, $0x38;
	[tilespmem:$0x1D280] =	vst v63  }
0x2c2: {  	_ =	swait.ge [sflag:s8], $0x1880  }
0x2c3: {  	[sflag:s8] =	ssyncset.done $0x0  }
0x2c4: {  	[sflag:s8] =	ssyncadd.s32 $0xFFFFE780  }
.LBB2_42:
0x2c5: {  	s18 =	sshra.s32 s17, $0x2  }
0x2c6: {  	v14 =	vld [tilespmem:s18+$0x0]  }
0x2c7: {  	v15 =	vld [tilespmem:s18+$0x1];
	_ =	sdelay $0x3  }
0x2c8: {  	v16 =	vsub.s32 v14, v10  }
0x2c9: {  	vm0 =	vne.s32 v14, v15;
	v14 =	vand.u32 $0x7F, v14;
	v15 =	vand.u32 $0xFFFFFF80, v16  }
0x2ca: {  	v57 =	vld [tilespmem:s18+$0x3200];
	v14 =	vor.u32 v14, v15;
	_ =	sdelay $0x4  }
0x2cb: {  	[tilespmem:v14+s10+$0x0] =	vst.idx.msk vm0, v57  }
0x2cc: {  	v14 =	vld [tilespmem:s18+$0x10]  }
0x2cd: {  	v15 =	vld [tilespmem:s18+$0x11];
	_ =	sdelay $0x3  }
0x2ce: {  	v58 =	vsub.s32 v14, v10  }
0x2cf: {  	vm13 =	vne.s32 v14, v15;
	v14 =	vand.u32 $0x7F, v14;
	v15 =	vand.u32 $0xFFFFFF80, v58  }
0x2d0: {  	v59 =	vld [tilespmem:s18+$0x3210];
	v14 =	vor.u32 v14, v15;
	_ =	sdelay $0x4  }
0x2d1: {  	[tilespmem:v14+s10+$0x0] =	vst.idx.msk vm13, v59  }
0x2d2: {  	v14 =	vld [tilespmem:s18+$0x20]  }
0x2d3: {  	v15 =	vld [tilespmem:s18+$0x21];
	_ =	sdelay $0x3  }
0x2d4: {  	v60 =	vsub.s32 v14, v10  }
0x2d5: {  	vm14 =	vne.s32 v14, v15;
	v14 =	vand.u32 $0x7F, v14;
	v15 =	vand.u32 $0xFFFFFF80, v60  }
0x2d6: {  	v61 =	vld [tilespmem:s18+$0x3220];
	v14 =	vor.u32 v14, v15;
	_ =	sdelay $0x4  }
0x2d7: {  	[tilespmem:v14+s10+$0x0] =	vst.idx.msk vm14, v61  }
0x2d8: {  	v14 =	vld [tilespmem:s18+$0x30]  }
0x2d9: {  	v15 =	vld [tilespmem:s18+$0x31];
	_ =	sdelay $0x3  }
0x2da: {  	v62 =	vsub.s32 v14, v10  }
0x2db: {  	vm15 =	vne.s32 v14, v15;
	v14 =	vand.u32 $0x7F, v14;
	v15 =	vand.u32 $0xFFFFFF80, v62  }
0x2dc: {  	p0 =	sne.s32 s17, $0x6100;
	v63 =	vld [tilespmem:s18+$0x3230];
	v14 =	vor.u32 v14, v15  }
.Ltmp20:
0x2dd: {  	_ = 	snop;
	(pc) =	sbr.rel @p0 .LBB2_42-.Ltmp20, $2  }
0x2de: {  	_ =	sdelay $0x2  }
0x2df: {  	s17 =	sadd.s32 $0x100, s17;
	[tilespmem:v14+s10+$0x0] =	vst.idx.msk vm15, v63  }
0x2e0: {  	[hbm4b:s5+s11] =	stream.strided.scatter [tilespmem:s10], [sflag:$0x1], $0xC400, s12, s11, $0x38;
	[tilespmem:$0x1D280] =	vst v63  }
0x2e1: {  	_ =	swait.ge [sflag:s16], $0xC400  }
0x2e2: {  	[sflag:s16] =	ssyncset.done $0x0  }
0x2e3: {  	s17 =	simm.s32 $0x0;
	[sflag:s16] =	ssyncadd.s32 $0xFFFF3C00  }
.LBB2_44:
0x2e4: {  	s18 =	sshra.s32 s17, $0x2  }
0x2e5: {  	v14 =	vld [tilespmem:s18+$0x1900];
	_ =	sdelay $0x4  }
0x2e6: {  	v15 =	vsub.s32 v14, v9  }
0x2e7: {  	v14 =	vand.u32 $0x7F, v14;
	v15 =	vand.u32 $0xFFFFFF80, v15  }
0x2e8: {  	v14 =	vor.u32 v14, v15;
	_ =	sdelay $0x4  }
0x2e9: {  	[tilespmem:v14+s14+$0x0] =	vst.idx.msk $0xffff, v13  }
0x2ea: {  	v14 =	vld [tilespmem:s18+$0x1910];
	_ =	sdelay $0x4  }
0x2eb: {  	v15 =	vsub.s32 v14, v9  }
0x2ec: {  	v14 =	vand.u32 $0x7F, v14;
	v15 =	vand.u32 $0xFFFFFF80, v15  }
0x2ed: {  	v14 =	vor.u32 v14, v15;
	_ =	sdelay $0x4  }
0x2ee: {  	[tilespmem:v14+s14+$0x0] =	vst.idx.msk $0xffff, v13  }
0x2ef: {  	v14 =	vld [tilespmem:s18+$0x1920];
	_ =	sdelay $0x4  }
0x2f0: {  	v15 =	vsub.s32 v14, v9  }
0x2f1: {  	v14 =	vand.u32 $0x7F, v14;
	v15 =	vand.u32 $0xFFFFFF80, v15  }
0x2f2: {  	v14 =	vor.u32 v14, v15;
	_ =	sdelay $0x4  }
0x2f3: {  	[tilespmem:v14+s14+$0x0] =	vst.idx.msk $0xffff, v13  }
0x2f4: {  	v14 =	vld [tilespmem:s18+$0x1930];
	_ =	sdelay $0x4  }
0x2f5: {  	v15 =	vsub.s32 v14, v9  }
0x2f6: {  	v14 =	vand.u32 $0x7F, v14;
	v15 =	vand.u32 $0xFFFFFF80, v15  }
0x2f7: {  	p0 =	sne.s32 s17, $0x6100;
	v14 =	vor.u32 v14, v15  }
.Ltmp21:
0x2f8: {  	_ = 	snop;
	(pc) =	sbr.rel @p0 .LBB2_44-.Ltmp21, $2  }
0x2f9: {  	_ =	sdelay $0x2  }
0x2fa: {  	s17 =	sadd.s32 $0x100, s17;
	[tilespmem:v14+s14+$0x0] =	vst.idx.msk $0xffff, v13  }
0x2fb: {  	s17 =	simm.s32 $0x0  }
0x2fc: {  	[tilespmem:s13], [sflag:$0x3] =	stream.linear.gather [hbm4b:s23+s17], $0x1880, $0x38;
	[tilespmem:$0x1D280] =	vst v63  }
0x2fd: {  	_ =	swait.ge [sflag:s8], $0x1880  }
0x2fe: {  	[sflag:s8] =	ssyncset.done $0x0  }
0x2ff: {  	[sflag:s8] =	ssyncadd.s32 $0xFFFFE780  }
0x300: {  	[tilespmem:s9], [sflag:$0x3] =	stream.linear.gather [hbm4b:s24+s17], $0x1880, $0x38;
	[tilespmem:$0x1D280] =	vst v63  }
0x301: {  	_ =	swait.ge [sflag:s8], $0x1880  }
0x302: {  	[sflag:s8] =	ssyncset.done $0x0  }
0x303: {  	[sflag:s8] =	ssyncadd.s32 $0xFFFFE780  }
.LBB2_46:
0x304: {  	s18 =	sshra.s32 s17, $0x2  }
0x305: {  	v14 =	vld [tilespmem:s18+$0x1900]  }
0x306: {  	v15 =	vld [tilespmem:s18+$0x1901];
	_ =	sdelay $0x3  }
0x307: {  	v16 =	vsub.s32 v14, v11  }
0x308: {  	vm0 =	vne.s32 v14, v15;
	v14 =	vand.u32 $0x7F, v14;
	v15 =	vand.u32 $0xFFFFFF80, v16  }
0x309: {  	v57 =	vld [tilespmem:s18+$0x3200];
	v14 =	vor.u32 v14, v15;
	_ =	sdelay $0x4  }
0x30a: {  	[tilespmem:v14+s14+$0x0] =	vst.idx.msk vm0, v57  }
0x30b: {  	v14 =	vld [tilespmem:s18+$0x1910]  }
0x30c: {  	v15 =	vld [tilespmem:s18+$0x1911];
	_ =	sdelay $0x3  }
0x30d: {  	v58 =	vsub.s32 v14, v11  }
0x30e: {  	vm13 =	vne.s32 v14, v15;
	v14 =	vand.u32 $0x7F, v14;
	v15 =	vand.u32 $0xFFFFFF80, v58  }
0x30f: {  	v59 =	vld [tilespmem:s18+$0x3210];
	v14 =	vor.u32 v14, v15;
	_ =	sdelay $0x4  }
0x310: {  	[tilespmem:v14+s14+$0x0] =	vst.idx.msk vm13, v59  }
0x311: {  	v14 =	vld [tilespmem:s18+$0x1920]  }
0x312: {  	v15 =	vld [tilespmem:s18+$0x1921];
	_ =	sdelay $0x3  }
0x313: {  	v60 =	vsub.s32 v14, v11  }
0x314: {  	vm14 =	vne.s32 v14, v15;
	v14 =	vand.u32 $0x7F, v14;
	v15 =	vand.u32 $0xFFFFFF80, v60  }
0x315: {  	v61 =	vld [tilespmem:s18+$0x3220];
	v14 =	vor.u32 v14, v15;
	_ =	sdelay $0x4  }
0x316: {  	[tilespmem:v14+s14+$0x0] =	vst.idx.msk vm14, v61  }
0x317: {  	v14 =	vld [tilespmem:s18+$0x1930]  }
0x318: {  	v15 =	vld [tilespmem:s18+$0x1931];
	_ =	sdelay $0x3  }
0x319: {  	v62 =	vsub.s32 v14, v11  }
0x31a: {  	vm15 =	vne.s32 v14, v15;
	v14 =	vand.u32 $0x7F, v14;
	v15 =	vand.u32 $0xFFFFFF80, v62  }
0x31b: {  	p0 =	sne.s32 s17, $0x6100;
	v63 =	vld [tilespmem:s18+$0x3230];
	v14 =	vor.u32 v14, v15  }
.Ltmp22:
0x31c: {  	_ = 	snop;
	(pc) =	sbr.rel @p0 .LBB2_46-.Ltmp22, $2  }
0x31d: {  	_ =	sdelay $0x2  }
0x31e: {  	s17 =	sadd.s32 $0x100, s17;
	[tilespmem:v14+s14+$0x0] =	vst.idx.msk vm15, v63  }
0x31f: {  	[hbm4b:s6+s11] =	stream.strided.scatter [tilespmem:s14], [sflag:$0x2], $0xC400, s12, s11, $0x38;
	[tilespmem:$0x1D280] =	vst v63  }
0x320: {  	s25 =	sadd.s32 $0x1, s25  }
0x321: {  	_ =	swait.ge [sflag:s15], $0xC400;
	p0 =	sne.s32 s25, s7  }
.Ltmp23:
0x322: {  	[sflag:s15] =	ssyncset.done $0x0;
	(pc) =	sbr.rel @p0 .LBB2_1-.Ltmp23, $4  }
0x323: {  	[sflag:s15] =	ssyncadd.s32 $0xFFFF3C00  }
0x324: {  	_ =	swait.ge [sflag:s16], $0xC400  }
0x325: {  	[sflag:s16] =	ssyncset.done $0x0  }
0x326: {  	[sflag:s16] =	ssyncadd.s32 $0xFFFF3C00  }
0x327: {  	_ =	sfence.sel $0x180000  }
0x328: {  	[bflag:$0x0] =	sbarrier.arrive $0xFFFF  }
0x329: {  	_ =	strace $0x90000047  }
0x32a: {  	s0 =	stileid.u32;
	[bflag:$0x2] =	sbarrier.arrive $0xFFFF  }
0x32b: {  	p0 =	sne.s32 s0, $0x0;
	s0 =	rddreg [dreg:$0x2]  }
0x32c: {  	s0 =	sadd.s32 @!p0 $0x100000, s0  }
0x32d: {  	[sflag:s0] =	ssyncadd.tile.s32 @!p0 $0x1;
	_ =	shalt  }
.Lfunc_end2:
_tile_overlayer_lowered:
.L_overlay_start_2:
0x32e: {  	(tag) =	ssettag $0x2  }
0x32f: {  	s0 =	rddreg [dreg:$0x0];
	s2 =	stileid.u32  }
0x330: {  	s1 =	rddreg [dreg:$0x1];
	p0 =	sne.s32 s2, $0x0  }
0x331: {  	s3 =	rddreg [dreg:$0x2];
	[bflag:$0x3] =	sbarrier.arrive $0xFFFF;
	s2 =	simm.s32 @!p0 $0x1C03  }
0x332: {  	[timem:s3], [sflag:s2] =	dma.local @!p0 [hbm:s0], s1  }
0x333: {  	s0 =	simm.s32 @!p0 $0x3  }
0x334: {  	_ =	swait.ge @!p0 [sflag:s0], s1  }
0x335: {  	s1 =	ssub.s32 @!p0 $0x0, s1;
	[sflag:s0] =	ssyncset.done @!p0 $0x0  }
0x336: {  	[sflag:s0] =	ssyncadd.s32 @!p0 s1  }
0x337: {  	[bflag:$0x3] =	sbarrier.arrive $0xFFFF  }
0x338: {  	_ =	shalt  }

// kernel: sparse-core-data-format-call.cloned.1.call-start
scs
called_computation_lowered:
.L_overlay_start_0:
0x0: {  	s2 =	sld [smem:$0x3FD9]  }
0x1: {  	s3 =	sld [smem:$0x3FFE];
	_ =	sdelay $0x1  }
0x2: {  	s1 =	srdreg.scid  }
0x3: {  	s0 =	sand.u32 $0x1, s1  }
0x4: {  	s18 =	sshll.u32 s0, $0xA;
	s2 =	sadd.s32 s3, s2  }
0x5: {  	s2 =	sadd.s32 s2, s18  }
0x6: {  	[smem:$0x3FC6] =	sst s2  }
0x7: {  	_ = 	snop  }
0x8: {  	s2 =	sld [smem:$0x3FD0];
	(tm) =	ssettm $0x1  }
0x9: {  	s19 =	sld [smem:$0x3FFB];
	_ =	sdelay $0x3  }
0xa: {  	_ =	strace s19  }
0xb: {  	s3 =	sld [smem:$0x3FFC];
	_ =	sdelay $0x3  }
0xc: {  	_ =	strace s3  }
0xd: {  	s3 =	sld [smem:$0x3FFD];
	_ =	sdelay $0x3  }
0xe: {  	_ =	strace s3  }
0xf: {  	_ =	strace $0x8FFFFFFF  }
0x10: {  	s20 =	sld [smem:$0x3FDB];
	_ =	sdelay $0x1  }
0x11: {  	s4 =	simm.s32 $_scs_section_size  }
0x12: {  	s5 =	simm.s32 $_size__tile_overlayer_lowered;
	s6 =	simm.s32 $_tile_overlayer_lowered  }
0x13: {  	s23 =	simm.s32 $0x1BFF;
	s22 =	sshll.u32 s6, $0x1;
	s3 =	sadd.s32 s4, s20  }
0x14: {  	s7 =	simm.s32 $0x0;
	s21 =	sshll.u32 s5, $0x1;
	s5 =	sadd.s32 s22, s3  }
0x15: {  	[timem:s7], [sflag:s23] =	dma.local [hbm:s5], s21  }
0x16: {  	_ =	swait.ge [sflag:s23], s21  }
0x17: {  	s4 =	ssub.s32 $0x0, s21;
	[sflag:s23] =	ssyncset.done $0x0  }
0x18: {  	[sflag:s23] =	ssyncadd.s32 s4;
	_ =	sdelay $0x1  }
0x19: {  	s24 =	simm.s32 $0x1B8B  }
0x1a: {  	_ =	swait.ge [sflag:s24], $0x1  }
0x1b: {  	[sflag:s24] =	ssyncset.done $0x0  }
0x1c: {  	s26 =	simm.s32 $0x1B8E;
	s25 =	sld [smem:$0x3FFE];
	[sflag:s24] =	ssyncadd.s32 $0xFFFFFFFF  }
0x1d: {  	s27 =	simm.s32 $execute0_lowered;
	[smem:$0x3FD2] =	sst s26  }
0x1e: {  	s5 =	sshll.u32 s27, $0x1;
	_ =	strace $0x80000049;
	[dreg:$0x1] =	wrdreg $0xFFFFFFFF  }
0x1f: {  	s28 =	simm.s32 $_size_execute0_lowered;
	s3 =	sadd.s32 s3, s5;
	[dreg:$0x0] =	wrdreg $0x0  }
0x20: {  	s5 =	sshll.u32 s28, $0x1;
	[dreg:$0x2] =	wrdreg s3  }
0x21: {  	[dreg:$0x3] =	wrdreg s5  }
0x22: {  	[dreg:$0x4] =	wrdreg $0xC0  }
0x23: {  	_ =	task [dreg:s7], $0x5FFFF  }
0x24: {  	[dreg:$0x1] =	wrdreg $0xFFFFFFFF  }
0x25: {  	[dreg:$0x0] =	wrdreg $0x60  }
0x26: {  	[dreg:$0x2] =	wrdreg s25  }
0x27: {  	[dreg:$0x3] =	wrdreg s2  }
0x28: {  	[dreg:$0x4] =	wrdreg $0x9  }
0x29: {  	_ =	task.clear_ibuf [dreg:s7], $0x5FFFF;
	_ =	strace $0x90000049  }
0x2a: {  	s29 =	simm.s32 $0x9;
	_ =	strace $0x8000004B  }
0x2b: {  	_ =	swait.ge [sflag:s29], $0x1  }
0x2c: {  	[sflag:s29] =	ssyncadd.s32 $0xFFFFFFFF  }
0x2d: {  	_ =	strace $0x9000004B  }
0x2e: {  	_ =	sfence  }
0x2f: {  	s30 =	sld [smem:$0x0];
	_ =	sdelay $0x2  }
0x30: {  	s31 =	sshll.u32 s1, $0xD;
	s1 =	sshrl.u32 s1, $0x2  }
0x31: {  	s3 =	sand.u32 $0x4000, s31;
	s1 =	sadd.s32 s1, s30  }
0x32: {  	s0 =	sor.u32 s3, s0;
	s1 =	sshll.u32 s1, $0x11  }
0x33: {  	s0 =	sor.u32 s1, s0  }
0x34: {  	s0 =	sadd.s32 $0x8F2B, s0  }
0x35: {  	[sflag:s0] =	ssyncadd.remote.s32 $0x1  }
0x36: {  	_ =	sfence.sel $0xFFFF  }
0x37: {  	[dreg:$0x0] =	wrdreg $0xFFFFFFFF;
	(pc) =	sbr.abs _section_cstart, $3  }
0x38: {  	[dreg:$0x1] =	wrdreg $0xFFFFFFFF  }
0x39: {  	_ =	task.clear_ibuf [dreg:s7], $0x2FFFF;
	_ =	strace $0x9FFFFFFF  }
0x3a: {  	(tm) =	ssettm $0x7FFFFFFF  }
0x3b: {  	_ =	shalt  }
tec
execute0_lowered:
.L_overlay_start_1:
0x0: {  	(tag) =	ssettag $0x1  }
0x1: {  	s0 =	rddreg [dreg:$0x0];
	s1 =	srdreg.scid;
	_ =	strace $0x8000004A  }
0x2: {  	s2 =	stileid.u32;
	s30 =	simm.s32 $0x1;
	s31 =	simm.s32 $0x2  }
0x3: {  	s19 =	simm.s32 $0x0;
	p0 =	por $0x0, $0x0;
	s21 =	simm.s32 $0x0  }
0x4: {  	s20 =	simm.s32 $0x0;
	s22 =	simm.s32 $0x0;
	s11 =	simm.s32 $0x0  }
0x5: {  	s12 =	simm.s32 $0x0;
	s13 =	simm.s32 $0x0;
	s16 =	simm.s32 $0x0  }
0x6: {  	s17 =	simm.s32 $0x0;
	s14 =	simm.s32 $0x0;
	s9 =	simm.s32 $0x0  }
.Ltmp0:
0x7: {  	s25 =	simm.s32 $0x0;
	s29 =	sshll.u32 s1, $0x4;
	(pc) =	sbr.rel .LBB1_1-.Ltmp0, $4  }
0x8: {  	s7 =	sadd.s32 $0x2200, s0;
	[sflag:s30] =	ssyncpa.u1 $0x0;
	s0 =	sand.u32 $0x10, s29  }
0x9: {  	s8 =	sand.u32 $0x3, s2;
	[dreg:$0x3] =	wrdreg s7;
	s0 =	sor.u32 s2, s0  }
0xa: {  	[sflag:s31] =	ssyncpa.u1 $0x0;
	[dreg:$0x4] =	wrdreg s8;
	s10 =	sshrl.u32 s0, $0x2  }
0xb: {  	s15 =	smov.u32 s8;
	s18 =	smov.u32 s10;
	[dreg:$0x5] =	wrdreg s10  }
.LBB1_15:
0xc: {  	s13 =	rddreg [dreg:$0x8]  }
0xd: {  	s1 =	rddreg [dreg:$0x10]  }
0xe: {  	s2 =	rddreg [dreg:$0x11]  }
0xf: {  	s3 =	rddreg [dreg:$0x12]  }
0x10: {  	s24 =	rddreg [dreg:$0x13]  }
0x11: {  	s16 =	rddreg [dreg:$0x9]  }
0x12: {  	s12 =	rddreg [dreg:$0x7]  }
0x13: {  	s6 =	rddreg [dreg:$0x1]  }
0x14: {  	s11 =	rddreg [dreg:$0x6]  }
0x15: {  	s28 =	rddreg [dreg:$0x14]  }
0x16: {  	s7 =	rddreg [dreg:$0x3]  }
0x17: {  	s8 =	rddreg [dreg:$0x4];
	p1 =	sgt.s32 s13, $0x0;
	s0 =	smov.u32 s13  }
0x18: {  	s10 =	rddreg [dreg:$0x5];
	s0 =	simm.s32 @!p1 $0x0  }
0x19: {  	s17 =	rddreg [dreg:$0xa];
	s26 =	smul.u32 $0xC4000, s16;
	s0 =	sadd.s32 s0, s1  }
0x1a: {  	s4 =	smul.u32 $0xC400, s12;
	p1 =	sgt.s32 s0, $0x7F;
	s0 =	ssub.s32 $0x80, s0  }
0x1b: {  	s22 =	sshrl.u32 s13, $0x4;
	s27 =	smul.u32 $0x380, s11;
	s0 =	simm.s32 @p1 $0x0  }
0x1c: {  	s18 =	rddreg [dreg:$0xb];
	s1 =	sand.u32 $0x1FFFFF8, s22;
	s0 =	smul.u32 s0, s2  }
0x1d: {  	s19 =	rddreg [dreg:$0xc];
	s23 =	smulhi.u32 $0x4924925, s1  }
0x1e: {  	s20 =	rddreg [dreg:$0xd];
	s0 =	smul.u32 s3, s0  }
0x1f: {  	s21 =	rddreg [dreg:$0xe];
	s5 =	sshrl.u32 s13, $0x3;
	s2 =	smul.u32 $0x38, s23  }
0x20: {  	s31 =	sand.u32 $0x7, s13;
	s3 =	sadd.s32 s6, s26;
	s0 =	smul.u32 s24, s0  }
0x21: {  	s5 =	sand.u32 $0xF, s5;
	s6 =	smul.u32 $0x2040, s28;
	s3 =	sadd.s32 s4, s3  }
0x22: {  	s1 =	ssub.s32 s1, s2;
	s29 =	sadd.s32 s5, s3;
	s0 =	smul.u32 $0x38, s0  }
0x23: {  	s22 =	rddreg [dreg:$0xf];
	s1 =	sshll.u32 s1, $0x4;
	s2 =	sadd.s32 s27, s29  }
0x24: {  	s30 =	sor.u32 $0x4000, s6;
	s1 =	sadd.s32 s1, s2;
	s0 =	sand.u32 $0x3FFFFFF8, s0  }
0x25: {  	[hbm4b:s1+s31] =	stream.linear.scatter [tilespmem:s30], [sflag:$0x2], s0, $0x20;
	[tilespmem:$0x8080] =	vst v63  }
.LBB1_16:
0x26: {  	p1 =	slt.u32 s9, $0x2;
	s0 =	smov.u32 s22;
	s2 =	smov.u32 s21  }
0x27: {  	s5 =	sadd.s32 $0x4, s15;
	p2 =	sgt.s32 @!p1 s22, $0x3;
	s1 =	sshra.s32 @!p1 s22, $0x1F  }
0x28: {  	s3 =	sshra.s32 @!p1 s21, $0x1F;
	p4 =	sgt.s32 @!p1 s19, $0x37;
	s4 =	sshra.s32 @!p1 s19, $0x1F  }
0x29: {  	p2 =	por !p2, p1;
	s1 =	sand.u32 @!p1 s1, s22;
	p4 =	por !p4, p1  }
0x2a: {  	s4 =	sand.u32 @!p1 s4, s19;
	s0 =	simm.s32 @p2 $0x3;
	p2 =	sgt.s32 @!p1 s21, $0xF  }
0x2b: {  	p2 =	por !p2, p1;
	s0 =	ssub.s32 @!p1 s0, s1;
	s1 =	sand.u32 @!p1 s3, s21  }
0x2c: {  	s2 =	simm.s32 @p2 $0xF;
	s3 =	sadd.s32 @!p1 $0xFFFFFFFD, s0;
	s0 =	ssub.s32 @!p1 $0x4, s0  }
0x2d: {  	s1 =	ssub.s32 @!p1 s2, s1;
	p3 =	sgt.s32 @!p1 s3, $0x0;
	s3 =	ssub.s32 @!p1 $0x0, s20  }
0x2e: {  	s0 =	smul.u32 @!p1 $0x38, s0;
	s2 =	sadd.s32 @!p1 $0xFFFFFFF1, s1;
	s1 =	ssub.s32 @!p1 $0x10, s1  }
0x2f: {  	s3 =	smin.u32 @!p1 s20, s3;
	p2 =	sgt.s32 @!p1 s2, $0x0;
	s2 =	smov.u32 s19  }
0x30: {  	p3 =	por !p3, p1;
	s2 =	simm.s32 @p4 $0x37;
	p4 =	sgt.s32 @!p1 s3, $0x7F  }
0x31: {  	s0 =	simm.s32 @!p3 $0x0;
	s3 =	ssub.s32 @!p1 $0x80, s3;
	p4 =	por !p4, p1  }
0x32: {  	p2 =	por !p2, p1;
	s2 =	ssub.s32 @!p1 s2, s4;
	s3 =	simm.s32 @!p4 $0x0  }
0x33: {  	s1 =	simm.s32 @!p2 $0x0;
	s4 =	sadd.s32 @!p1 $0xFFFFFFC9, s2;
	s0 =	smul.u32 @!p1 s3, s0  }
0x34: {  	s2 =	ssub.s32 @!p1 $0x38, s2;
	p2 =	sgt.s32 @!p1 s4, $0x0;
	s3 =	sadd.s32 $0x8, s18  }
0x35: {  	p2 =	por !p2, p1;
	s0 =	smul.u32 @!p1 s1, s0;
	s1 =	sadd.s32 $0x1, s17  }
0x36: {  	s4 =	smov.u32 s18;
	s2 =	simm.s32 @!p2 $0x0;
	p2 =	sgt.s32 s1, $0x37  }
0x37: {  	s6 =	smov.u32 s15;
	s0 =	smul.u32 @!p1 s2, s0;
	s4 =	smov.u32 @p2 s3  }
0x38: {  	s2 =	sadd.s32 $0x80, s14;
	s3 =	smov.u32 s14;
	p4 =	sgt.s32 s4, $0xF  }
0x39: {  	s9 =	sadd.s32 $0x1, s9;
	p0 =	por !p0, !p0;
	s3 =	smov.u32 @p4 s2  }
0x3a: {  	s22 =	smov.u32 s16;
	s16 =	smov.u32 s15;
	p3 =	sgt.s32 s3, $0x5F  }
0x3b: {  	s21 =	smov.u32 s12;
	s12 =	smov.u32 s18;
	s6 =	smov.u32 @p3 s5  }
0x3c: {  	s20 =	smov.u32 s13;
	s1 =	simm.s32 @p2 $0x0;
	p2 =	sgt.s32 s6, $0x3  }
0x3d: {  	s13 =	smov.u32 s14;
	s6 =	smov.u32 @p2 s8;
	p2 =	sne.s32 s9, $0x72  }
.Ltmp1:
0x3e: {  	s19 =	smov.u32 s11;
	s11 =	smov.u32 s17;
	(pc) =	sbr.rel @!p2 .LBB1_17-.Ltmp1, $4  }
0x3f: {  	s17 =	smov.u32 s1;
	s0 =	sand.u32 @!p1 $0x3FFFFFF8, s0;
	s2 =	simm.s32 @!p1 $0x2  }
0x40: {  	s4 =	smov.u32 @p4 s10;
	_ =	swait.ge @!p1 [sflag:s2], s0;
	s0 =	ssub.s32 @!p1 $0x0, s0  }
0x41: {  	s18 =	smov.u32 s4;
	[sflag:s2] =	ssyncset.done @!p1 $0x0;
	s3 =	simm.s32 @p3 $0x0  }
0x42: {  	[sflag:s2] =	ssyncadd.s32 @!p1 s0;
	s14 =	smov.u32 s3;
	s15 =	smov.u32 s6  }
.LBB1_1:
0x43: {  	p1 =	sgt.u32 s9, $0x6F;
	s0 =	smov.u32 s15  }
0x44: {  	s2 =	smov.u32 s14;
	p2 =	sgt.s32 @!p1 s15, $0x3;
	s1 =	sshra.s32 @!p1 s15, $0x1F  }
0x45: {  	s3 =	sshra.s32 @!p1 s14, $0x1F;
	p3 =	sgt.s32 @!p1 s18, $0xF;
	p2 =	por !p2, p1  }
0x46: {  	s4 =	sshra.s32 @!p1 s18, $0x1F;
	s0 =	simm.s32 @p2 $0x3;
	p2 =	sgt.s32 @!p1 s14, $0xFFFFFFE0  }
0x47: {  	s6 =	smul.u32 @!p1 $0x380, s18;
	s1 =	sand.u32 @!p1 s1, s15;
	p2 =	por !p2, p1  }
0x48: {  	s3 =	sand.u32 @!p1 s3, s14;
	p3 =	por !p3, p1;
	s2 =	simm.s32 @p2 $0xFFFFFFE0  }
0x49: {  	s4 =	sand.u32 @!p1 s4, s18;
	s0 =	ssub.s32 @!p1 s0, s1;
	s1 =	ssub.s32 @!p1 s2, s3  }
0x4a: {  	s0 =	sadd.s32 @!p1 $0xFFFFFFFD, s0;
	s2 =	sand.u32 @!p1 $0x1FFFFFF, s17;
	s3 =	sadd.s32 @!p1 $0x20, s1  }
0x4b: {  	s1 =	ssub.s32 @!p1 $0x60, s1;
	p2 =	sgt.s32 @!p1 s3, $0x7F;
	s3 =	smov.u32 s18  }
0x4c: {  	p2 =	por !p2, p1;
	s3 =	simm.s32 @p3 $0xF;
	p3 =	sgt.s32 @!p1 s17, $0x37  }
0x4d: {  	s1 =	simm.s32 @!p2 $0x0;
	s3 =	ssub.s32 @!p1 s3, s4;
	p2 =	por !p3, p1  }
0x4e: {  	s4 =	smov.u32 s17;
	p3 =	sgt.s32 @!p1 s0, $0x0;
	s0 =	sshll.u32 @!p1 s0, $0x6  }
0x4f: {  	s5 =	sadd.s32 @!p1 $0xFFFFFFF1, s3;
	s0 =	ssub.s32 @!p1 $0x40, s0;
	p3 =	por !p3, p1  }
0x50: {  	s4 =	simm.s32 @p2 $0x37;
	p2 =	sgt.s32 @!p1 s5, $0x0;
	s0 =	simm.s32 @!p3 $0x0  }
0x51: {  	s3 =	ssub.s32 @!p1 $0x10, s3;
	p2 =	por !p2, p1;
	s0 =	smul.u32 @!p1 s1, s0  }
0x52: {  	s5 =	sshra.s32 @!p1 s17, $0x1F;
	s1 =	smulhi.u32 @!p1 $0x4924925, s2;
	s3 =	simm.s32 @!p2 $0x0  }
0x53: {  	s5 =	sand.u32 @!p1 s5, s17;
	s0 =	smul.u32 @!p1 s3, s0  }
0x54: {  	s4 =	ssub.s32 @!p1 s4, s5;
	s1 =	smul.u32 @!p1 $0x38, s1  }
0x55: {  	s5 =	sadd.s32 @!p1 $0xFFFFFFC9, s4;
	s3 =	smul.u32 @!p1 $0x150000, s15  }
0x56: {  	s4 =	ssub.s32 @!p1 $0x38, s4;
	p2 =	sgt.s32 @!p1 s5, $0x0;
	s5 =	smul.u32 @!p1 $0x3800, s14  }
0x57: {  	p2 =	por !p2, p1;
	s3 =	sadd.s32 @!p1 s7, s3;
	s1 =	ssub.s32 @!p1 s2, s1  }
0x58: {  	s4 =	simm.s32 @!p2 $0x0;
	s2 =	sadd.s32 @!p1 s5, s3;
	s1 =	sshll.u32 @!p1 s1, $0x4  }
0x59: {  	s0 =	smul.u32 @!p1 s4, s0;
	s4 =	sxor.u32 @!p1 $0xFFFFFFFF, s9;
	s2 =	sadd.s32 @!p1 s6, s2  }
0x5a: {  	s3 =	simm.s32 @!p1 $0x1C000;
	s4 =	sshll.u32 @!p1 s4, $0xD;
	s1 =	sadd.s32 @!p1 s1, s2  }
0x5b: {  	s2 =	simm.s32 @!p1 $0x40;
	s4 =	sand.u32 @!p1 $0x2000, s4;
	s0 =	sand.u32 @!p1 $0x3FFFFFC0, s0  }
0x5c: {  	[tilespmem:s4], [sflag:$0x1] =	stream.strided.gather @!p1 [hbm4b:s1+s2], s0, s3, s2, $0x38;
	[tilespmem:$0x8080] =	vst v63  }
0x5d: {  	p1 =	seq.s32 s9, $0x0  }
0x5e: {  	p2 =	seq.s32 @!p1 s9, $0x71  }
0x5f: {  	p1 =	por p1, p2  }
.Ltmp2:
0x60: {  	_ = 	snop;
	(pc) =	sbr.rel @p1 .LBB1_16-.Ltmp2, $1  }
0x61: {  	_ =	sdelay $0x3  }
0x62: {  	[dreg:$0xf] =	wrdreg s22  }
0x63: {  	[dreg:$0xe] =	wrdreg s21  }
0x64: {  	[dreg:$0xd] =	wrdreg s20  }
0x65: {  	[dreg:$0xc] =	wrdreg s19  }
0x66: {  	[dreg:$0xb] =	wrdreg s18  }
0x67: {  	[dreg:$0xa] =	wrdreg s17;
	p1 =	sgt.s32 s16, $0x3;
	s0 =	smov.u32 s16  }
0x68: {  	s1 =	sshra.s32 s16, $0x1F;
	s2 =	ssub.s32 $0x0, s13;
	s3 =	sshra.s32 s13, $0x1F  }
0x69: {  	p2 =	sgt.s32 s13, $0xFFFFFFE0;
	p3 =	sgt.s32 s12, $0xF;
	[dreg:$0x9] =	wrdreg s16  }
0x6a: {  	s19 =	sshra.s32 s12, $0x1F;
	s23 =	sshra.s32 s11, $0x1F;
	[dreg:$0x8] =	wrdreg s13  }
0x6b: {  	s0 =	simm.s32 @!p1 $0x3;
	s1 =	sand.u32 s1, s16;
	s4 =	sand.u32 s2, s3  }
0x6c: {  	s2 =	smov.u32 s12;
	s3 =	sand.u32 s19, s12;
	s24 =	sand.u32 s23, s11  }
0x6d: {  	s0 =	ssub.s32 s0, s1;
	s2 =	simm.s32 @!p3 $0xF;
	[dreg:$0x10] =	wrdreg s4  }
0x6e: {  	s1 =	sadd.s32 $0xFFFFFFFD, s0;
	s5 =	ssub.s32 $0x4, s0;
	s21 =	ssub.s32 s2, s3  }
0x6f: {  	s2 =	sadd.s32 $0x80, s13;
	p1 =	sgt.s32 s1, $0x0;
	s1 =	smov.u32 s13  }
0x70: {  	s3 =	sadd.s32 $0xFFFFFFF1, s21;
	s1 =	simm.s32 @!p2 $0xFFFFFFE0;
	s5 =	simm.s32 @p1 $0x0  }
0x71: {  	p1 =	sgt.s32 s3, $0x0;
	p2 =	sgt.s32 s11, $0x37;
	s3 =	smov.u32 s11  }
0x72: {  	s6 =	ssub.s32 $0x10, s21;
	s20 =	sadd.s32 s4, s1;
	s3 =	simm.s32 @!p2 $0x37  }
0x73: {  	s6 =	simm.s32 @p1 $0x0;
	s22 =	sadd.s32 $0x20, s20;
	s1 =	ssub.s32 s3, s24  }
0x74: {  	s0 =	ssub.s32 $0x60, s20;
	s29 =	smul.u32 s5, s6;
	s26 =	sadd.s32 $0xFFFFFFC9, s1  }
0x75: {  	s4 =	ssub.s32 $0x38, s1;
	s1 =	sadd.s32 $0x1, s16;
	p1 =	sgt.s32 s26, $0x0  }
0x76: {  	p2 =	sgt.s32 s22, $0x7F;
	s4 =	simm.s32 @p1 $0x0;
	p1 =	slt.s32 s1, $0x4  }
0x77: {  	s0 =	simm.s32 @p2 $0x0;
	s1 =	simm.s32 @!p1 $0x4;
	p1 =	slt.s32 s2, $0x60  }
0x78: {  	s24 =	ssub.s32 s1, s16;
	s2 =	simm.s32 @!p1 $0x60;
	s1 =	sadd.s32 $0x1, s12  }
0x79: {  	s26 =	ssub.s32 s2, s13;
	p2 =	slt.s32 s1, $0x10;
	p1 =	slt.s32 s24, $0x1  }
0x7a: {  	s2 =	sadd.s32 $0x1, s11;
	s1 =	simm.s32 @!p2 $0x10;
	p2 =	slt.s32 @!p1 s26, $0x1  }
0x7b: {  	p3 =	slt.s32 s2, $0x38;
	s27 =	ssub.s32 s1, s12;
	p2 =	por p1, p2  }
0x7c: {  	s0 =	smul.u32 s0, s29;
	s2 =	simm.s32 @!p3 $0x38;
	p3 =	slt.s32 @!p2 s27, $0x1  }
0x7d: {  	[dreg:$0x7] =	wrdreg s12;
	s28 =	ssub.s32 s2, s11;
	p2 =	por p2, p3  }
0x7e: {  	[dreg:$0x6] =	wrdreg s11;
	s0 =	smul.u32 s4, s0;
	p3 =	slt.s32 @!p2 s28, $0x1  }
0x7f: {  	[dreg:$0x11] =	wrdreg s5;
	p2 =	por p2, p3  }
.Ltmp3:
0x80: {  	[dreg:$0x12] =	wrdreg s6;
	s0 =	sshll.u32 s0, $0x6;
	(pc) =	sbr.rel @p2 .LBB1_15-.Ltmp3, $4  }
0x81: {  	s30 =	simm.s32 $0x1;
	[dreg:$0x13] =	wrdreg s4;
	s0 =	sand.u32 $0x3FFFFFC0, s0  }
0x82: {  	_ =	swait.ge [sflag:s30], s0  }
0x83: {  	s31 =	sand.u32 $0x1, s9;
	s0 =	ssub.s32 $0x0, s0;
	[sflag:s30] =	ssyncset.done $0x0  }
0x84: {  	[dreg:$0x14] =	wrdreg s31;
	[sflag:s30] =	ssyncadd.s32 s0  }
0x85: {  	s0 =	simm.s32 $0x1  }
0x86: {  	s0 =	simm.s32 @!p0 $0x0  }
0x87: {  	s0 =	smul.u32 $0x8100, s0  }
.Ltmp4:
0x88: {  	_ = 	snop;
	(pc) =	sbr.rel .LBB1_4-.Ltmp4, $4  }
0x89: {  	_ = 	snop  }
0x8a: {  	s0 =	sshrl.u32 s0, $0x2  }
0x8b: {  	s29 =	sor.u32 $0x4000, s0;
	s0 =	rddreg [dreg:$0x14]  }
0x8c: {  	s31 =	simm.s32 $0x0;
	s30 =	sshll.u32 @!p1 s0, $0xD  }
.LBB1_14:
0x8d: {  	s31 =	sadd.s32 $0x1, s31  }
0x8e: {  	p1 =	sne.s32 s31, s24  }
.Ltmp5:
0x8f: {  	_ = 	snop;
	(pc) =	sbr.rel @!p1 .LBB1_15-.Ltmp5, $2  }
0x90: {  	_ =	sdelay $0x2  }
0x91: {  	s29 =	sadd.s32 $0x2040, s29  }
.LBB1_4:
.Ltmp6:
0x92: {  	(pc) =	sbr.rel .LBB1_5-.Ltmp6, $4  }
0x93: {  	_ = 	snop  }
0x94: {  	s0 =	sshll.u32 s31, $0xF;
	s1 =	simm.s32 $0x800  }
0x95: {  	s2 =	simm.s32 $0x1800;
	s4 =	simm.s32 $0x0;
	s0 =	sshra.s32 s0, $0x2  }
0x96: {  	s3 =	simm.s32 $0x0;
	s5 =	simm.s32 $0x0;
	s0 =	sadd.s32 s0, s30  }
.LBB1_13:
0x97: {  	s5 =	sadd.s32 $0x1, s5  }
0x98: {  	p1 =	sne.s32 s5, s26  }
.Ltmp7:
0x99: {  	_ = 	snop;
	(pc) =	sbr.rel @!p1 .LBB1_14-.Ltmp7, $3  }
0x9a: {  	_ =	sdelay $0x1  }
0x9b: {  	s3 =	sadd.s32 $0x1, s3  }
0x9c: {  	s4 =	sadd.s32 $0x8, s4;
	s1 =	sadd.s32 $0x8, s1;
	s2 =	sadd.s32 $0x8, s2  }
.LBB1_5:
0x9d: {  	s6 =	sshrl.u32 s4, $0xA;
	s7 =	sshrl.u32 s1, $0xA  }
0x9e: {  	s8 =	sshrl.u32 s2, $0xA;
	s10 =	sshrl.u32 s5, $0x4;
	s6 =	sand.u32 $0x7, s6  }
0x9f: {  	s11 =	sand.u32 $0x7F, s3;
	s7 =	sand.u32 $0x7, s7;
	s6 =	smul.u32 $0x1020, s6  }
0xa0: {  	s8 =	sand.u32 $0x7, s8;
	s10 =	sand.u32 $0x38, s10;
	s7 =	smul.u32 $0x1020, s7  }
0xa1: {  	s17 =	sshll.u32 s11, $0x2;
	s8 =	smul.u32 $0x1020, s8;
	s10 =	sxor.u32 $0x20, s10  }
0xa2: {  	s21 =	sshrl.u32 s17, $0x2;
	s10 =	smul.u32 $0x204, s10  }
0xa3: {  	s6 =	sshrl.u32 s6, $0x2;
	s22 =	sshrl.u32 s7, $0x2;
	s23 =	sshrl.u32 s8, $0x2  }
0xa4: {  	s16 =	sadd.s32 s6, s29;
	s10 =	sshrl.u32 s10, $0x2;
	s8 =	sadd.s32 s22, s29  }
0xa5: {  	s20 =	sadd.s32 s23, s29;
	s22 =	simm.s32 $0x0;
	s11 =	sadd.s32 s10, s29  }
.LBB1_6:
0xa6: {  	s6 =	sadd.s32 s5, s22  }
0xa7: {  	s6 =	sshll.u32 s6, $0x8  }
0xa8: {  	s6 =	sshra.s32 s6, $0x2  }
0xa9: {  	s6 =	sadd.s32 s6, s0  }
0xaa: {  	v0 =	vmov s6;
	_ =	sdelay $0x2  }
0xab: {  	p2 =	sne.s32 s28, $0x1  }
.Ltmp8:
0xac: {  	s7 =	sand.u32 $0x1C0, s25;
	(pc) =	sbr.rel @!p2 .LBB1_7-.Ltmp8, $4  }
0xad: {  	v8 =	vld.idx.msk [tilespmem:v0+s7+$0x30 ss:$0x1], $0xffff  }
0xae: {  	v7 =	vld.idx.msk [tilespmem:v0+s7+$0x0 ss:$0x1], $0xffff  }
0xaf: {  	s10 =	simm.s32 $0x40;
	v6 =	vld.idx.msk [tilespmem:v0+s7+$0x10 ss:$0x1], $0xffff  }
0xb0: {  	p1 =	por $0x0, $0x0;
	s6 =	sadd.s32 $0xFFFFFFFF, s28;
	v5 =	vld.idx.msk [tilespmem:v0+s7+$0x20 ss:$0x1], $0xffff;
	s7 =	sadd.s32 s21, s20  }
0xb1: {  	_ =	sdelay $0x1  }
0xb2: {  	p2 =	sne.s32 s6, $0x1  }
.Ltmp9:
0xb3: {  	s10 =	sand.u32 $0x1C0, s10;
	(pc) =	sbr.rel @!p2 .LBB1_9-.Ltmp9, $4  }
0xb4: {  	s17 =	sadd.s32 s21, s16;
	s18 =	sadd.s32 $0x2040, s20;
	v1 =	vld.idx.msk [tilespmem:v0+s10+$0x30 ss:$0x1], $0xffff;
	[tilespmem:s7+$0x0 ss:$0x81] =	vst.msk $0xffff, v8  }
0xb5: {  	s19 =	sadd.s32 $0xFFFFFFFF, s6;
	s23 =	sadd.s32 s21, s11;
	v2 =	vld.idx.msk [tilespmem:v0+s10+$0x0 ss:$0x1], $0xffff;
	[tilespmem:s17+$0x0 ss:$0x81] =	vst.msk $0xffff, v7;
	s17 =	sadd.s32 s21, s8  }
0xb6: {  	s6 =	sadd.s32 $0x2040, s16;
	p1 =	por $0x1, $0x1;
	v3 =	vld.idx.msk [tilespmem:v0+s10+$0x10 ss:$0x1], $0xffff;
	s7 =	sadd.s32 s21, s18;
	[tilespmem:s17+$0x0 ss:$0x81] =	vst.msk $0xffff, v6  }
0xb7: {  	v4 =	vld.idx.msk [tilespmem:v0+s10+$0x20 ss:$0x1], $0xffff;
	s10 =	simm.s32 $0x80;
	s17 =	smov.u32 s8;
	[tilespmem:s23+$0x0 ss:$0x81] =	vst.msk $0xffff, v5;
	s23 =	smov.u32 s11  }
.LBB1_10:
0xb8: {  	s12 =	sand.u32 $0x1C0, s10;
	p2 =	sne.s32 s19, $0x1;
	s19 =	sadd.s32 $0xFFFFFFFF, s19  }
.Ltmp10:
0xb9: {  	s13 =	sadd.s32 s21, s6;
	s17 =	sadd.s32 $0x2040, s17;
	[tilespmem:s7+$0x0 ss:$0x81] =	vst.msk $0xffff, v1;
	v1 =	vld.idx.msk [tilespmem:v0+s12+$0x30 ss:$0x1], $0xffff;
	(pc) =	sbr.rel @p2 .LBB1_10-.Ltmp10, $4  }
0xba: {  	s23 =	sadd.s32 $0x2040, s23;
	s7 =	sadd.s32 s21, s17;
	[tilespmem:s13+$0x0 ss:$0x81] =	vst.msk $0xffff, v2;
	v2 =	vld.idx.msk [tilespmem:v0+s12+$0x0 ss:$0x1], $0xffff  }
0xbb: {  	[tilespmem:s7+$0x0 ss:$0x81] =	vst.msk $0xffff, v3;
	v3 =	vld.idx.msk [tilespmem:v0+s12+$0x10 ss:$0x1], $0xffff;
	s7 =	sadd.s32 s21, s23  }
0xbc: {  	s18 =	sadd.s32 $0x2040, s18;
	[tilespmem:s7+$0x0 ss:$0x81] =	vst.msk $0xffff, v4;
	v4 =	vld.idx.msk [tilespmem:v0+s12+$0x20 ss:$0x1], $0xffff  }
0xbd: {  	s10 =	sadd.s32 $0x40, s10;
	s6 =	sadd.s32 $0x2040, s6;
	s7 =	sadd.s32 s21, s18  }
0xbe: {  	_ =	sdelay $0x2  }
0xbf: {  	v8 =	vmovc v1;
	v7 =	vmov v2;
	v6 =	vmov v3;
	v5 =	vmov v4  }
.LBB1_12:
0xc0: {  	s10 =	sadd.s32 @p1 $0x2040, s17;
	s12 =	sadd.s32 $0x2040, s8  }
0xc1: {  	[tilespmem:s7+$0x0 ss:$0x81] =	vst.msk $0xffff, v8;
	s7 =	sadd.s32 @p1 $0x2040, s23;
	s18 =	sadd.s32 $0x2040, s11;
	s22 =	sadd.s32 $0x1, s22  }
0xc2: {  	s8 =	smov.u32 @p1 s10;
	s11 =	smov.u32 @p1 s7;
	p1 =	sne.s32 s22, s27  }
.Ltmp11:
0xc3: {  	_ = 	snop;
	(pc) =	sbr.rel @p1 .LBB1_6-.Ltmp11, $4  }
.Ltmp12:
0xc4: {  	s6 =	sadd.s32 s21, s6;
	(pc) =	sbr.rel @!p1 .LBB1_13-.Ltmp12, $4  }
0xc5: {  	[tilespmem:s6+$0x0 ss:$0x81] =	vst.msk $0xffff, v7;
	s19 =	sadd.s32 s21, s8  }
0xc6: {  	s16 =	sadd.s32 $0x2040, s16;
	s23 =	sadd.s32 s21, s11;
	[tilespmem:s19+$0x0 ss:$0x81] =	vst.msk $0xffff, v6  }
0xc7: {  	s20 =	sadd.s32 $0x2040, s20;
	s11 =	smov.u32 s18;
	s8 =	smov.u32 s12;
	[tilespmem:s23+$0x0 ss:$0x81] =	vst.msk $0xffff, v5  }
0xc8: {  	_ = 	snop  }
.LBB1_7:
.Ltmp13:
0xc9: {  	(pc) =	sbr.rel .LBB1_12-.Ltmp13, $2  }
0xca: {  	_ =	sdelay $0x2  }
0xcb: {  	s6 =	smov.u32 s16;
	s17 =	smov.u32 s8;
	s23 =	smov.u32 s11  }
.LBB1_9:
.Ltmp14:
0xcc: {  	_ = 	snop;
	(pc) =	sbr.rel .LBB1_12-.Ltmp14, $2  }
0xcd: {  	_ =	sdelay $0x2  }
0xce: {  	s17 =	smov.u32 s8;
	s23 =	smov.u32 s11;
	v8 =	vmovc v1;
	v7 =	vmov v2;
	v6 =	vmov v3;
	v5 =	vmov v4  }
.LBB1_17:
0xcf: {  	_ =	sfence.sel $0x180000  }
0xd0: {  	s0 =	simm.s32 $0x1;
	[bflag:$0x0] =	sbarrier.arrive $0xFFFF  }
0xd1: {  	s30 =	simm.s32 $0x2;
	[sflag:s0] =	ssyncpa.u1 $0x1  }
0xd2: {  	[sflag:s30] =	ssyncpa.u1 $0x1  }
0xd3: {  	_ =	strace $0x9000004A  }
0xd4: {  	s31 =	stileid.u32;
	[bflag:$0x2] =	sbarrier.arrive $0xFFFF  }
0xd5: {  	p0 =	sne.s32 s31, $0x0;
	s0 =	rddreg [dreg:$0x2]  }
0xd6: {  	s0 =	sadd.s32 @!p0 $0x100000, s0  }
0xd7: {  	[sflag:s0] =	ssyncadd.tile.s32 @!p0 $0x1;
	_ =	shalt  }
.Lfunc_end1:
_tile_overlayer_lowered:
.L_overlay_start_2:
0xd8: {  	(tag) =	ssettag $0x2  }
0xd9: {  	s0 =	rddreg [dreg:$0x0];
	s2 =	stileid.u32  }
0xda: {  	s1 =	rddreg [dreg:$0x1];
	p0 =	sne.s32 s2, $0x0  }
0xdb: {  	s3 =	rddreg [dreg:$0x2];
	[bflag:$0x3] =	sbarrier.arrive $0xFFFF;
	s2 =	simm.s32 @!p0 $0x1C01  }
0xdc: {  	[timem:s3], [sflag:s2] =	dma.local @!p0 [hbm:s0], s1  }
0xdd: {  	s0 =	simm.s32 @!p0 $0x1  }
0xde: {  	_ =	swait.ge @!p0 [sflag:s0], s1  }
0xdf: {  	s1 =	ssub.s32 @!p0 $0x0, s1;
	[sflag:s0] =	ssyncset.done @!p0 $0x0  }
0xe0: {  	[sflag:s0] =	ssyncadd.s32 @!p0 s1  }
0xe1: {  	[bflag:$0x3] =	sbarrier.arrive $0xFFFF  }
0xe2: {  	_ =	shalt  }

</sc_bundles>
